<compile_context>
chip_gen: v7x
topology: tpu7x:2x2x1
jax: 0.10.2.dev20260603
libtpu: 0.0.44.dev20260713+nightly
codegen_flags: <defaults>
</compile_context>

<pallas_src>
import jax
import jax.numpy as jnp
from jax import lax
from jax.experimental import pallas as pl
from jax.experimental.pallas import tpu as pltpu
from jax.experimental.pallas import tpu_sc as plsc

N_ROWS = 32
ROWS = 16384
COLS = 128
K_SC = 4

CH = 4096
PER_ROW = ROWS // CH
NCH = (N_ROWS - K_SC) * PER_ROW
NBUF = 16
W = 8
K = NBUF - W
NGRP = -(-NCH // NBUF)


def _rd(x_hbm, buf, sem, i):
    r = K_SC + i // PER_ROW
    sl = pl.ds((i % PER_ROW) * CH, CH)
    return pltpu.make_async_copy(x_hbm.at[r, sl], buf, sem)


def _wr(out_hbm, buf, sem, i):
    r = K_SC + i // PER_ROW
    sl = pl.ds((i % PER_ROW) * CH, CH)
    return pltpu.make_async_copy(buf, out_hbm.at[r, sl], sem)


def _tc_body(x_hbm, out_hbm, *scratch):
    bufs = scratch[:NBUF]
    rsems = scratch[NBUF:2 * NBUF]
    wsems = scratch[2 * NBUF:]

    for j in range(K):
        _rd(x_hbm, bufs[j], rsems[j], j).start()

    def body(g, carry):
        for b in range(NBUF):
            i = g * NBUF + b

            @pl.when(i < NCH)
            def _():
                _rd(x_hbm, bufs[b], rsems[b], i).wait()
                _wr(out_hbm, bufs[b], wsems[b], i).start()

            bw = (b - W) % NBUF

            @pl.when(i >= W)
            def _():
                _wr(out_hbm, bufs[bw], wsems[bw], i - W).wait()

            br = (b + K) % NBUF

            @pl.when(i + K < NCH)
            def _():
                _rd(x_hbm, bufs[br], rsems[br], i + K).start()
        return carry

    lax.fori_loop(0, NGRP, body, 0)
    for i in range(NGRP * NBUF - W, NCH):
        b = i % NBUF
        _wr(out_hbm, bufs[b], wsems[b], i).wait()


_tc_pass_through = pl.pallas_call(
    _tc_body,
    out_shape=jax.ShapeDtypeStruct((N_ROWS, ROWS, COLS), jnp.float32),
    in_specs=[pl.BlockSpec(memory_space=pltpu.MemorySpace.HBM)],
    out_specs=pl.BlockSpec(memory_space=pltpu.MemorySpace.HBM),
    scratch_shapes=(
        [pltpu.VMEM((CH, COLS), jnp.float32) for _ in range(NBUF)]
        + [pltpu.SemaphoreType.DMA for _ in range(2 * NBUF)]
    ),
)


SPW = N_ROWS // K_SC
STRIPE = ROWS // SPW
SC_CH = 256
SC_NCH = STRIPE // SC_CH


def _sc_body(x_hbm, src_hbm, out_hbm, b0, b1, r0, r1, w0, w1):
    c = lax.axis_index("c")
    s = lax.axis_index("s")
    w = s * 2 + c
    r = w // SPW
    off = (w % SPW) * STRIPE
    bufs = (b0, b1)
    rsems = (r0, r1)
    wsems = (w1, w0)[::-1]

    def rd(ci, slot):
        sl = pl.ds(off + ci * SC_CH, SC_CH)

        @pl.when(r == 0)
        def _():
            pltpu.make_async_copy(src_hbm.at[sl], bufs[slot],
                                  rsems[slot]).start()

        @pl.when(r != 0)
        def _():
            pltpu.make_async_copy(x_hbm.at[r, sl], bufs[slot],
                                  rsems[slot]).start()

    def rd_wait(ci, slot):
        sl = pl.ds(off + ci * SC_CH, SC_CH)
        pltpu.make_async_copy(x_hbm.at[r, sl], bufs[slot],
                              rsems[slot]).wait()

    def wrc(ci, slot):
        sl = pl.ds(off + ci * SC_CH, SC_CH)
        return pltpu.make_async_copy(bufs[slot], out_hbm.at[r, sl],
                                     wsems[slot])

    rd(0, 0)

    def body(g, carry):
        for gi in range(2):
            ci = g * 2 + gi
            slot = gi
            nslot = (gi + 1) % 2
            rd_wait(ci, slot)
            wrc(ci, slot).start()

            @pl.when(ci >= 1)
            def _():
                wrc(ci - 1, nslot).wait()

            @pl.when(ci + 1 < SC_NCH)
            def _():
                rd(ci + 1, nslot)
        return carry

    lax.fori_loop(0, SC_NCH // 2, body, 0)
    wrc(SC_NCH - 1, (SC_NCH - 1) % 2).wait()


_sc_rows = pl.kernel(
    _sc_body,
    out_type=(),
    mesh=plsc.VectorSubcoreMesh(core_axis_name="c", subcore_axis_name="s"),
    scratch_types=(
        [pltpu.VMEM((SC_CH, COLS), jnp.float32) for _ in range(2)]
        + [pltpu.SemaphoreType.DMA for _ in range(4)]
    ),
)


def kernel(x, src):
    out = _tc_pass_through(x)
    ref = jax.new_ref(out)
    _sc_rows(x, src, ref)
    return ref[...]

# --- scband reference (transcript-rebuilt; emitter-appended) ---
"""Pipeline reference for scband-select-scatter-module-10033043603743 (READ-ONLY COPY).

The authoritative reference and input builder live on the scoring server;
editing this copy changes nothing except your own understanding.
"""

import jax, jax.numpy as jnp
import numpy as np


def setup_inputs(seed: int = 0) -> dict:
    key = jax.random.key(seed)
    k1, k2 = jax.random.split(key)
    x = jax.random.normal(k1, (32, 16384, 128), dtype=jnp.float32)
    src = jax.random.normal(k2, (16384, 128), dtype=jnp.float32)
    return {"x": x, "src": src}


def reference(x, src):
    # torch.ops.aten.select_scatter(x, src, dim=0, index=0)
    # == copy of x with slice x[0] overwritten by src
    return x.at[0].set(src)

if __name__ == "__main__":
    import jax
    _d = setup_inputs()
    print(jax.jit(kernel)(*tuple(_d.values())))

</pallas_src>

<mosaic_0001>
#map = affine_map<(d0, d1) -> (0, 0, 0)>
#map1 = affine_map<(d0, d1) -> (0, 0)>
module attributes {stable_mosaic.version = 14 : i64} {
  func.func @new_body(%arg0: i32, %arg1: i32, %arg2: memref<32x16384x128xf32, #tpu.memory_space<hbm>>, %arg3: memref<16384x128xf32, #tpu.memory_space<hbm>>, %arg4: memref<32x16384x128xf32, #tpu.memory_space<hbm>>, %arg5: memref<32x16384x128xf32, #tpu.memory_space<hbm>>, %arg6: memref<256x128xf32, #tpu.memory_space<vmem>>, %arg7: memref<256x128xf32, #tpu.memory_space<vmem>>, %arg8: memref<!tpu.dma_semaphore, #tpu.memory_space<semaphore_mem>>, %arg9: memref<!tpu.dma_semaphore, #tpu.memory_space<semaphore_mem>>, %arg10: memref<!tpu.dma_semaphore, #tpu.memory_space<semaphore_mem>>, %arg11: memref<!tpu.dma_semaphore, #tpu.memory_space<semaphore_mem>>) attributes {dimension_semantics = [#tpu.dimension_semantics<core_parallel>, #tpu.dimension_semantics<subcore_parallel>], iteration_bounds = array<i64: 2, 16>, scalar_prefetch = 0 : i64, scratch_operands = 6 : i64, tpu.core_type = #tpu.core_type<sc_vector_subcore>, window_params = [{transform_indices = #map}, {transform_indices = #map1}, {transform_indices = #map}, {transform_indices = #map}]} {
    %mul3A = arith.constant 2 : i32
    %mul3A_0 = arith.muli %arg1, %mul3A : i32
    %add3A = arith.addi %mul3A_0, %arg0 : i32
    %jit3A = arith.constant 8 : i32
    %div3A = arith.divsi %add3A, %jit3A : i32
    %sign3A = arith.constant 0 : i32
    %sign3A_1 = arith.cmpi sgt, %add3A, %sign3A : i32
    %sign3A_2 = arith.extui %sign3A_1 : i1 to i32
    %sign3A_3 = arith.constant 0 : i32
    %sign3A_4 = arith.cmpi slt, %add3A, %sign3A_3 : i32
    %sign3A_5 = arith.extui %sign3A_4 : i1 to i32
    %sign3A_6 = arith.subi %sign3A_2, %sign3A_5 : i32
    %sign3A_7 = arith.constant 0 : i32
    %sign3A_8 = arith.cmpi sgt, %jit3A, %sign3A_7 : i32
    %sign3A_9 = arith.extui %sign3A_8 : i1 to i32
    %sign3A_10 = arith.constant 0 : i32
    %sign3A_11 = arith.cmpi slt, %jit3A, %sign3A_10 : i32
    %sign3A_12 = arith.extui %sign3A_11 : i1 to i32
    %sign3A_13 = arith.subi %sign3A_9, %sign3A_12 : i32
    %ne3A = arith.cmpi ne, %sign3A_6, %sign3A_13 : i32
    %rem3A = arith.remsi %add3A, %jit3A : i32
    %ne3A_14 = arith.constant 0 : i32
    %ne3A_15 = arith.cmpi ne, %rem3A, %ne3A_14 : i32
    %and3A = arith.andi %ne3A, %ne3A_15 : i1
    %sub3A = arith.constant 1 : i32
    %sub3A_16 = arith.subi %div3A, %sub3A : i32
    %select_n3A = arith.select %and3A, %sub3A_16, %div3A : i32
    %jit3A_17 = arith.constant 8 : i32
    %eq3A = arith.constant 0 : i32
    %eq3A_18 = arith.cmpi eq, %jit3A_17, %eq3A : i32
    %jit3A_19 = arith.constant 1 : i32
    %select_n3A_20 = arith.select %eq3A_18, %jit3A_19, %jit3A_17 : i32
    %rem3A_21 = arith.remsi %add3A, %select_n3A_20 : i32
    %ne3A_22 = arith.constant 0 : i32
    %ne3A_23 = arith.cmpi ne, %rem3A_21, %ne3A_22 : i32
    %lt3A = arith.constant 0 : i32
    %lt3A_24 = arith.cmpi slt, %rem3A_21, %lt3A : i32
    %lt3A_25 = arith.constant 0 : i32
    %lt3A_26 = arith.cmpi slt, %select_n3A_20, %lt3A_25 : i32
    %ne3A_27 = arith.xori %lt3A_24, %lt3A_26 : i1
    %and3A_28 = arith.andi %ne3A_27, %ne3A_23 : i1
    %add3A_29 = arith.addi %rem3A_21, %select_n3A_20 : i32
    %select_n3A_30 = arith.select %and3A_28, %add3A_29, %rem3A_21 : i32
    %mul3A_31 = arith.constant 2048 : i32
    %mul3A_32 = arith.muli %select_n3A_30, %mul3A_31 : i32
    %add3A_33 = arith.constant 0 : i32
    %add3A_34 = arith.addi %mul3A_32, %add3A_33 : i32
    %eq3A_35 = arith.constant 0 : i32
    %eq3A_36 = arith.cmpi eq, %select_n3A, %eq3A_35 : i32
    %convert_element_type3A = arith.extui %eq3A_36 : i1 to i32
    %cond3A = arith.constant 0 : i32
    %cond3A_37 = arith.cmpi ne, %convert_element_type3A, %cond3A : i32
    scf.if %cond3A_37 {
      %dma_start3A = arith.constant 0 : i32
      %dma_start3A_55 = tpu.memref_slice %arg3[%add3A_34, %dma_start3A] : memref<16384x128xf32, #tpu.memory_space<hbm>> -> memref<256x128xf32, #tpu.memory_space<hbm>>
      %dma_start3A_56 = arith.constant 0 : i32
      %dma_start3A_57 = tpu.memref_slice %arg3[%add3A_34, %dma_start3A_56] : memref<16384x128xf32, #tpu.memory_space<hbm>> -> memref<256x128xf32, #tpu.memory_space<hbm>>
      tpu.enqueue_dma source(%dma_start3A_57 : memref<256x128xf32, #tpu.memory_space<hbm>>) target(%arg6 : memref<256x128xf32, #tpu.memory_space<vmem>>) target_semaphore(%arg8 : memref<!tpu.dma_semaphore, #tpu.memory_space<semaphore_mem>>)
    } else {
    }
    %ne3A_38 = arith.constant 0 : i32
    %ne3A_39 = arith.cmpi ne, %select_n3A, %ne3A_38 : i32
    %convert_element_type3A_40 = arith.extui %ne3A_39 : i1 to i32
    %cond3A_41 = arith.constant 0 : i32
    %cond3A_42 = arith.cmpi ne, %convert_element_type3A_40, %cond3A_41 : i32
    scf.if %cond3A_42 {
      %dma_start3A = arith.constant 0 : i32
      %dma_start3A_55 = tpu.memref_slice %arg2[%select_n3A, %add3A_34, %dma_start3A] : memref<32x16384x128xf32, #tpu.memory_space<hbm>> -> memref<1x256x128xf32, #tpu.memory_space<hbm>>
      %dma_start3A_56 = tpu.memref_squeeze %dma_start3A_55 : memref<1x256x128xf32, #tpu.memory_space<hbm>> -> memref<256x128xf32, #tpu.memory_space<hbm>>
      %dma_start3A_57 = arith.constant 0 : i32
      %dma_start3A_58 = tpu.memref_slice %arg2[%select_n3A, %add3A_34, %dma_start3A_57] : memref<32x16384x128xf32, #tpu.memory_space<hbm>> -> memref<1x256x128xf32, #tpu.memory_space<hbm>>
      %dma_start3A_59 = tpu.memref_squeeze %dma_start3A_58 : memref<1x256x128xf32, #tpu.memory_space<hbm>> -> memref<256x128xf32, #tpu.memory_space<hbm>>
      tpu.enqueue_dma source(%dma_start3A_59 : memref<256x128xf32, #tpu.memory_space<hbm>>) target(%arg6 : memref<256x128xf32, #tpu.memory_space<vmem>>) target_semaphore(%arg8 : memref<!tpu.dma_semaphore, #tpu.memory_space<semaphore_mem>>)
    } else {
    }
    %scan3A = arith.constant 0 : i32
    %scan3A_43 = arith.constant 0 : i32
    %scan3A_44 = arith.constant 4 : i32
    %scan3A_45 = arith.addi %scan3A_43, %scan3A_44 : i32
    %scan3A_46 = arith.constant 1 : i32
    scf.for %scan3A_55 = %scan3A_43 to %scan3A_45 step %scan3A_46  : i32 {
      %mul3A_56 = arith.constant 2 : i32
      %mul3A_57 = arith.muli %scan3A_55, %mul3A_56 : i32
      %add3A_58 = arith.constant 0 : i32
      %add3A_59 = arith.addi %mul3A_57, %add3A_58 : i32
      %mul3A_60 = arith.constant 256 : i32
      %mul3A_61 = arith.muli %add3A_59, %mul3A_60 : i32
      %add3A_62 = arith.addi %mul3A_32, %mul3A_61 : i32
      %dma_wait3A_63 = arith.constant 0 : i32
      %dma_wait3A_64 = tpu.memref_slice %arg2[%select_n3A, %add3A_62, %dma_wait3A_63] : memref<32x16384x128xf32, #tpu.memory_space<hbm>> -> memref<1x256x128xf32, #tpu.memory_space<hbm>>
      %dma_wait3A_65 = tpu.memref_squeeze %dma_wait3A_64 : memref<1x256x128xf32, #tpu.memory_space<hbm>> -> memref<256x128xf32, #tpu.memory_space<hbm>>
      %dma_wait3A_66 = arith.constant 0 : i32
      %dma_wait3A_67 = tpu.memref_slice %arg2[%select_n3A, %add3A_62, %dma_wait3A_66] : memref<32x16384x128xf32, #tpu.memory_space<hbm>> -> memref<1x256x128xf32, #tpu.memory_space<hbm>>
      %dma_wait3A_68 = tpu.memref_squeeze %dma_wait3A_67 : memref<1x256x128xf32, #tpu.memory_space<hbm>> -> memref<256x128xf32, #tpu.memory_space<hbm>>
      tpu.wait_dma2 semaphore(%arg8 : memref<!tpu.dma_semaphore, #tpu.memory_space<semaphore_mem>>) src(%dma_wait3A_68 : memref<256x128xf32, #tpu.memory_space<hbm>>) dst(%arg6 : memref<256x128xf32, #tpu.memory_space<vmem>>)
      %mul3A_69 = arith.constant 256 : i32
      %mul3A_70 = arith.muli %add3A_59, %mul3A_69 : i32
      %add3A_71 = arith.addi %mul3A_32, %mul3A_70 : i32
      %dma_start3A = arith.constant 0 : i32
      %dma_start3A_72 = tpu.memref_slice %arg4[%select_n3A, %add3A_71, %dma_start3A] : memref<32x16384x128xf32, #tpu.memory_space<hbm>> -> memref<1x256x128xf32, #tpu.memory_space<hbm>>
      %dma_start3A_73 = tpu.memref_squeeze %dma_start3A_72 : memref<1x256x128xf32, #tpu.memory_space<hbm>> -> memref<256x128xf32, #tpu.memory_space<hbm>>
      %dma_start3A_74 = arith.constant 0 : i32
      %dma_start3A_75 = tpu.memref_slice %arg4[%select_n3A, %add3A_71, %dma_start3A_74] : memref<32x16384x128xf32, #tpu.memory_space<hbm>> -> memref<1x256x128xf32, #tpu.memory_space<hbm>>
      %dma_start3A_76 = tpu.memref_squeeze %dma_start3A_75 : memref<1x256x128xf32, #tpu.memory_space<hbm>> -> memref<256x128xf32, #tpu.memory_space<hbm>>
      tpu.enqueue_dma source(%arg6 : memref<256x128xf32, #tpu.memory_space<vmem>>) target(%dma_start3A_76 : memref<256x128xf32, #tpu.memory_space<hbm>>) target_semaphore(%arg10 : memref<!tpu.dma_semaphore, #tpu.memory_space<semaphore_mem>>)
      %ge3A = arith.constant 1 : i32
      %ge3A_77 = arith.cmpi sge, %add3A_59, %ge3A : i32
      %convert_element_type3A_78 = arith.extui %ge3A_77 : i1 to i32
      %cond3A_79 = arith.constant 0 : i32
      %cond3A_80 = arith.cmpi ne, %convert_element_type3A_78, %cond3A_79 : i32
      scf.if %cond3A_80 {
        %sub3A_122 = arith.constant 1 : i32
        %sub3A_123 = arith.subi %add3A_59, %sub3A_122 : i32
        %mul3A_124 = arith.constant 256 : i32
        %mul3A_125 = arith.muli %sub3A_123, %mul3A_124 : i32
        %add3A_126 = arith.addi %mul3A_32, %mul3A_125 : i32
        %dma_wait3A_127 = arith.constant 0 : i32
        %dma_wait3A_128 = tpu.memref_slice %arg4[%select_n3A, %add3A_126, %dma_wait3A_127] : memref<32x16384x128xf32, #tpu.memory_space<hbm>> -> memref<1x256x128xf32, #tpu.memory_space<hbm>>
        %dma_wait3A_129 = tpu.memref_squeeze %dma_wait3A_128 : memref<1x256x128xf32, #tpu.memory_space<hbm>> -> memref<256x128xf32, #tpu.memory_space<hbm>>
        %dma_wait3A_130 = arith.constant 0 : i32
        %dma_wait3A_131 = tpu.memref_slice %arg4[%select_n3A, %add3A_126, %dma_wait3A_130] : memref<32x16384x128xf32, #tpu.memory_space<hbm>> -> memref<1x256x128xf32, #tpu.memory_space<hbm>>
        %dma_wait3A_132 = tpu.memref_squeeze %dma_wait3A_131 : memref<1x256x128xf32, #tpu.memory_space<hbm>> -> memref<256x128xf32, #tpu.memory_space<hbm>>
        tpu.wait_dma2 semaphore(%arg11 : memref<!tpu.dma_semaphore, #tpu.memory_space<semaphore_mem>>) src(%arg7 : memref<256x128xf32, #tpu.memory_space<vmem>>) dst(%dma_wait3A_132 : memref<256x128xf32, #tpu.memory_space<hbm>>)
      } else {
      }
      %add3A_81 = arith.constant 1 : i32
      %add3A_82 = arith.addi %add3A_59, %add3A_81 : i32
      %lt3A_83 = arith.constant 8 : i32
      %lt3A_84 = arith.cmpi slt, %add3A_82, %lt3A_83 : i32
      %convert_element_type3A_85 = arith.extui %lt3A_84 : i1 to i32
      %cond3A_86 = arith.constant 0 : i32
      %cond3A_87 = arith.cmpi ne, %convert_element_type3A_85, %cond3A_86 : i32
      scf.if %cond3A_87 {
        %add3A_122 = arith.constant 1 : i32
        %add3A_123 = arith.addi %add3A_59, %add3A_122 : i32
        %mul3A_124 = arith.constant 256 : i32
        %mul3A_125 = arith.muli %add3A_123, %mul3A_124 : i32
        %add3A_126 = arith.addi %mul3A_32, %mul3A_125 : i32
        %eq3A_127 = arith.constant 0 : i32
        %eq3A_128 = arith.cmpi eq, %select_n3A, %eq3A_127 : i32
        %convert_element_type3A_129 = arith.extui %eq3A_128 : i1 to i32
        %cond3A_130 = arith.constant 0 : i32
        %cond3A_131 = arith.cmpi ne, %convert_element_type3A_129, %cond3A_130 : i32
        scf.if %cond3A_131 {
          %dma_start3A_137 = arith.constant 0 : i32
          %dma_start3A_138 = tpu.memref_slice %arg3[%add3A_126, %dma_start3A_137] : memref<16384x128xf32, #tpu.memory_space<hbm>> -> memref<256x128xf32, #tpu.memory_space<hbm>>
          %dma_start3A_139 = arith.constant 0 : i32
          %dma_start3A_140 = tpu.memref_slice %arg3[%add3A_126, %dma_start3A_139] : memref<16384x128xf32, #tpu.memory_space<hbm>> -> memref<256x128xf32, #tpu.memory_space<hbm>>
          tpu.enqueue_dma source(%dma_start3A_140 : memref<256x128xf32, #tpu.memory_space<hbm>>) target(%arg7 : memref<256x128xf32, #tpu.memory_space<vmem>>) target_semaphore(%arg9 : memref<!tpu.dma_semaphore, #tpu.memory_space<semaphore_mem>>)
        } else {
        }
        %ne3A_132 = arith.constant 0 : i32
        %ne3A_133 = arith.cmpi ne, %select_n3A, %ne3A_132 : i32
        %convert_element_type3A_134 = arith.extui %ne3A_133 : i1 to i32
        %cond3A_135 = arith.constant 0 : i32
        %cond3A_136 = arith.cmpi ne, %convert_element_type3A_134, %cond3A_135 : i32
        scf.if %cond3A_136 {
          %dma_start3A_137 = arith.constant 0 : i32
          %dma_start3A_138 = tpu.memref_slice %arg2[%select_n3A, %add3A_126, %dma_start3A_137] : memref<32x16384x128xf32, #tpu.memory_space<hbm>> -> memref<1x256x128xf32, #tpu.memory_space<hbm>>
          %dma_start3A_139 = tpu.memref_squeeze %dma_start3A_138 : memref<1x256x128xf32, #tpu.memory_space<hbm>> -> memref<256x128xf32, #tpu.memory_space<hbm>>
          %dma_start3A_140 = arith.constant 0 : i32
          %dma_start3A_141 = tpu.memref_slice %arg2[%select_n3A, %add3A_126, %dma_start3A_140] : memref<32x16384x128xf32, #tpu.memory_space<hbm>> -> memref<1x256x128xf32, #tpu.memory_space<hbm>>
          %dma_start3A_142 = tpu.memref_squeeze %dma_start3A_141 : memref<1x256x128xf32, #tpu.memory_space<hbm>> -> memref<256x128xf32, #tpu.memory_space<hbm>>
          tpu.enqueue_dma source(%dma_start3A_142 : memref<256x128xf32, #tpu.memory_space<hbm>>) target(%arg7 : memref<256x128xf32, #tpu.memory_space<vmem>>) target_semaphore(%arg9 : memref<!tpu.dma_semaphore, #tpu.memory_space<semaphore_mem>>)
        } else {
        }
      } else {
      }
      %mul3A_88 = arith.constant 2 : i32
      %mul3A_89 = arith.muli %scan3A_55, %mul3A_88 : i32
      %add3A_90 = arith.constant 1 : i32
      %add3A_91 = arith.addi %mul3A_89, %add3A_90 : i32
      %mul3A_92 = arith.constant 256 : i32
      %mul3A_93 = arith.muli %add3A_91, %mul3A_92 : i32
      %add3A_94 = arith.addi %mul3A_32, %mul3A_93 : i32
      %dma_wait3A_95 = arith.constant 0 : i32
      %dma_wait3A_96 = tpu.memref_slice %arg2[%select_n3A, %add3A_94, %dma_wait3A_95] : memref<32x16384x128xf32, #tpu.memory_space<hbm>> -> memref<1x256x128xf32, #tpu.memory_space<hbm>>
      %dma_wait3A_97 = tpu.memref_squeeze %dma_wait3A_96 : memref<1x256x128xf32, #tpu.memory_space<hbm>> -> memref<256x128xf32, #tpu.memory_space<hbm>>
      %dma_wait3A_98 = arith.constant 0 : i32
      %dma_wait3A_99 = tpu.memref_slice %arg2[%select_n3A, %add3A_94, %dma_wait3A_98] : memref<32x16384x128xf32, #tpu.memory_space<hbm>> -> memref<1x256x128xf32, #tpu.memory_space<hbm>>
      %dma_wait3A_100 = tpu.memref_squeeze %dma_wait3A_99 : memref<1x256x128xf32, #tpu.memory_space<hbm>> -> memref<256x128xf32, #tpu.memory_space<hbm>>
      tpu.wait_dma2 semaphore(%arg9 : memref<!tpu.dma_semaphore, #tpu.memory_space<semaphore_mem>>) src(%dma_wait3A_100 : memref<256x128xf32, #tpu.memory_space<hbm>>) dst(%arg7 : memref<256x128xf32, #tpu.memory_space<vmem>>)
      %mul3A_101 = arith.constant 256 : i32
      %mul3A_102 = arith.muli %add3A_91, %mul3A_101 : i32
      %add3A_103 = arith.addi %mul3A_32, %mul3A_102 : i32
      %dma_start3A_104 = arith.constant 0 : i32
      %dma_start3A_105 = tpu.memref_slice %arg4[%select_n3A, %add3A_103, %dma_start3A_104] : memref<32x16384x128xf32, #tpu.memory_space<hbm>> -> memref<1x256x128xf32, #tpu.memory_space<hbm>>
      %dma_start3A_106 = tpu.memref_squeeze %dma_start3A_105 : memref<1x256x128xf32, #tpu.memory_space<hbm>> -> memref<256x128xf32, #tpu.memory_space<hbm>>
      %dma_start3A_107 = arith.constant 0 : i32
      %dma_start3A_108 = tpu.memref_slice %arg4[%select_n3A, %add3A_103, %dma_start3A_107] : memref<32x16384x128xf32, #tpu.memory_space<hbm>> -> memref<1x256x128xf32, #tpu.memory_space<hbm>>
      %dma_start3A_109 = tpu.memref_squeeze %dma_start3A_108 : memref<1x256x128xf32, #tpu.memory_space<hbm>> -> memref<256x128xf32, #tpu.memory_space<hbm>>
      tpu.enqueue_dma source(%arg7 : memref<256x128xf32, #tpu.memory_space<vmem>>) target(%dma_start3A_109 : memref<256x128xf32, #tpu.memory_space<hbm>>) target_semaphore(%arg11 : memref<!tpu.dma_semaphore, #tpu.memory_space<semaphore_mem>>)
      %ge3A_110 = arith.constant 1 : i32
      %ge3A_111 = arith.cmpi sge, %add3A_91, %ge3A_110 : i32
      %convert_element_type3A_112 = arith.extui %ge3A_111 : i1 to i32
      %cond3A_113 = arith.constant 0 : i32
      %cond3A_114 = arith.cmpi ne, %convert_element_type3A_112, %cond3A_113 : i32
      scf.if %cond3A_114 {
        %sub3A_122 = arith.constant 1 : i32
        %sub3A_123 = arith.subi %add3A_91, %sub3A_122 : i32
        %mul3A_124 = arith.constant 256 : i32
        %mul3A_125 = arith.muli %sub3A_123, %mul3A_124 : i32
        %add3A_126 = arith.addi %mul3A_32, %mul3A_125 : i32
        %dma_wait3A_127 = arith.constant 0 : i32
        %dma_wait3A_128 = tpu.memref_slice %arg4[%select_n3A, %add3A_126, %dma_wait3A_127] : memref<32x16384x128xf32, #tpu.memory_space<hbm>> -> memref<1x256x128xf32, #tpu.memory_space<hbm>>
        %dma_wait3A_129 = tpu.memref_squeeze %dma_wait3A_128 : memref<1x256x128xf32, #tpu.memory_space<hbm>> -> memref<256x128xf32, #tpu.memory_space<hbm>>
        %dma_wait3A_130 = arith.constant 0 : i32
        %dma_wait3A_131 = tpu.memref_slice %arg4[%select_n3A, %add3A_126, %dma_wait3A_130] : memref<32x16384x128xf32, #tpu.memory_space<hbm>> -> memref<1x256x128xf32, #tpu.memory_space<hbm>>
        %dma_wait3A_132 = tpu.memref_squeeze %dma_wait3A_131 : memref<1x256x128xf32, #tpu.memory_space<hbm>> -> memref<256x128xf32, #tpu.memory_space<hbm>>
        tpu.wait_dma2 semaphore(%arg10 : memref<!tpu.dma_semaphore, #tpu.memory_space<semaphore_mem>>) src(%arg6 : memref<256x128xf32, #tpu.memory_space<vmem>>) dst(%dma_wait3A_132 : memref<256x128xf32, #tpu.memory_space<hbm>>)
      } else {
      }
      %add3A_115 = arith.constant 1 : i32
      %add3A_116 = arith.addi %add3A_91, %add3A_115 : i32
      %lt3A_117 = arith.constant 8 : i32
      %lt3A_118 = arith.cmpi slt, %add3A_116, %lt3A_117 : i32
      %convert_element_type3A_119 = arith.extui %lt3A_118 : i1 to i32
      %cond3A_120 = arith.constant 0 : i32
      %cond3A_121 = arith.cmpi ne, %convert_element_type3A_119, %cond3A_120 : i32
      scf.if %cond3A_121 {
        %add3A_122 = arith.constant 1 : i32
        %add3A_123 = arith.addi %add3A_91, %add3A_122 : i32
        %mul3A_124 = arith.constant 256 : i32
        %mul3A_125 = arith.muli %add3A_123, %mul3A_124 : i32
        %add3A_126 = arith.addi %mul3A_32, %mul3A_125 : i32
        %eq3A_127 = arith.constant 0 : i32
        %eq3A_128 = arith.cmpi eq, %select_n3A, %eq3A_127 : i32
        %convert_element_type3A_129 = arith.extui %eq3A_128 : i1 to i32
        %cond3A_130 = arith.constant 0 : i32
        %cond3A_131 = arith.cmpi ne, %convert_element_type3A_129, %cond3A_130 : i32
        scf.if %cond3A_131 {
          %dma_start3A_137 = arith.constant 0 : i32
          %dma_start3A_138 = tpu.memref_slice %arg3[%add3A_126, %dma_start3A_137] : memref<16384x128xf32, #tpu.memory_space<hbm>> -> memref<256x128xf32, #tpu.memory_space<hbm>>
          %dma_start3A_139 = arith.constant 0 : i32
          %dma_start3A_140 = tpu.memref_slice %arg3[%add3A_126, %dma_start3A_139] : memref<16384x128xf32, #tpu.memory_space<hbm>> -> memref<256x128xf32, #tpu.memory_space<hbm>>
          tpu.enqueue_dma source(%dma_start3A_140 : memref<256x128xf32, #tpu.memory_space<hbm>>) target(%arg6 : memref<256x128xf32, #tpu.memory_space<vmem>>) target_semaphore(%arg8 : memref<!tpu.dma_semaphore, #tpu.memory_space<semaphore_mem>>)
        } else {
        }
        %ne3A_132 = arith.constant 0 : i32
        %ne3A_133 = arith.cmpi ne, %select_n3A, %ne3A_132 : i32
        %convert_element_type3A_134 = arith.extui %ne3A_133 : i1 to i32
        %cond3A_135 = arith.constant 0 : i32
        %cond3A_136 = arith.cmpi ne, %convert_element_type3A_134, %cond3A_135 : i32
        scf.if %cond3A_136 {
          %dma_start3A_137 = arith.constant 0 : i32
          %dma_start3A_138 = tpu.memref_slice %arg2[%select_n3A, %add3A_126, %dma_start3A_137] : memref<32x16384x128xf32, #tpu.memory_space<hbm>> -> memref<1x256x128xf32, #tpu.memory_space<hbm>>
          %dma_start3A_139 = tpu.memref_squeeze %dma_start3A_138 : memref<1x256x128xf32, #tpu.memory_space<hbm>> -> memref<256x128xf32, #tpu.memory_space<hbm>>
          %dma_start3A_140 = arith.constant 0 : i32
          %dma_start3A_141 = tpu.memref_slice %arg2[%select_n3A, %add3A_126, %dma_start3A_140] : memref<32x16384x128xf32, #tpu.memory_space<hbm>> -> memref<1x256x128xf32, #tpu.memory_space<hbm>>
          %dma_start3A_142 = tpu.memref_squeeze %dma_start3A_141 : memref<1x256x128xf32, #tpu.memory_space<hbm>> -> memref<256x128xf32, #tpu.memory_space<hbm>>
          tpu.enqueue_dma source(%dma_start3A_142 : memref<256x128xf32, #tpu.memory_space<hbm>>) target(%arg6 : memref<256x128xf32, #tpu.memory_space<vmem>>) target_semaphore(%arg8 : memref<!tpu.dma_semaphore, #tpu.memory_space<semaphore_mem>>)
        } else {
        }
      } else {
      }
    }
    %scan3A_47 = arith.constant 4 : i32
    %add3A_48 = arith.constant 1792 : i32
    %add3A_49 = arith.addi %mul3A_32, %add3A_48 : i32
    %dma_wait3A = arith.constant 0 : i32
    %dma_wait3A_50 = tpu.memref_slice %arg4[%select_n3A, %add3A_49, %dma_wait3A] : memref<32x16384x128xf32, #tpu.memory_space<hbm>> -> memref<1x256x128xf32, #tpu.memory_space<hbm>>
    %dma_wait3A_51 = tpu.memref_squeeze %dma_wait3A_50 : memref<1x256x128xf32, #tpu.memory_space<hbm>> -> memref<256x128xf32, #tpu.memory_space<hbm>>
    %dma_wait3A_52 = arith.constant 0 : i32
    %dma_wait3A_53 = tpu.memref_slice %arg4[%select_n3A, %add3A_49, %dma_wait3A_52] : memref<32x16384x128xf32, #tpu.memory_space<hbm>> -> memref<1x256x128xf32, #tpu.memory_space<hbm>>
    %dma_wait3A_54 = tpu.memref_squeeze %dma_wait3A_53 : memref<1x256x128xf32, #tpu.memory_space<hbm>> -> memref<256x128xf32, #tpu.memory_space<hbm>>
    tpu.wait_dma2 semaphore(%arg11 : memref<!tpu.dma_semaphore, #tpu.memory_space<semaphore_mem>>) src(%arg7 : memref<256x128xf32, #tpu.memory_space<vmem>>) dst(%dma_wait3A_54 : memref<256x128xf32, #tpu.memory_space<hbm>>)
    return
  }
}

module attributes {stable_mosaic.version = 14 : i64} {
  func.func @_tc_body(%arg0: memref<32x16384x128xf32, #tpu.memory_space<hbm>>, %arg1: memref<32x16384x128xf32, #tpu.memory_space<hbm>>, %arg2: memref<4096x128xf32, #tpu.memory_space<vmem>>, %arg3: memref<4096x128xf32, #tpu.memory_space<vmem>>, %arg4: memref<4096x128xf32, #tpu.memory_space<vmem>>, %arg5: memref<4096x128xf32, #tpu.memory_space<vmem>>, %arg6: memref<4096x128xf32, #tpu.memory_space<vmem>>, %arg7: memref<4096x128xf32, #tpu.memory_space<vmem>>, %arg8: memref<4096x128xf32, #tpu.memory_space<vmem>>, %arg9: memref<4096x128xf32, #tpu.memory_space<vmem>>, %arg10: memref<4096x128xf32, #tpu.memory_space<vmem>>, %arg11: memref<4096x128xf32, #tpu.memory_space<vmem>>, %arg12: memref<4096x128xf32, #tpu.memory_space<vmem>>, %arg13: memref<4096x128xf32, #tpu.memory_space<vmem>>, %arg14: memref<4096x128xf32, #tpu.memory_space<vmem>>, %arg15: memref<4096x128xf32, #tpu.memory_space<vmem>>, %arg16: memref<4096x128xf32, #tpu.memory_space<vmem>>, %arg17: memref<4096x128xf32, #tpu.memory_space<vmem>>, %arg18: memref<!tpu.dma_semaphore, #tpu.memory_space<semaphore_mem>>, %arg19: memref<!tpu.dma_semaphore, #tpu.memory_space<semaphore_mem>>, %arg20: memref<!tpu.dma_semaphore, #tpu.memory_space<semaphore_mem>>, %arg21: memref<!tpu.dma_semaphore, #tpu.memory_space<semaphore_mem>>, %arg22: memref<!tpu.dma_semaphore, #tpu.memory_space<semaphore_mem>>, %arg23: memref<!tpu.dma_semaphore, #tpu.memory_space<semaphore_mem>>, %arg24: memref<!tpu.dma_semaphore, #tpu.memory_space<semaphore_mem>>, %arg25: memref<!tpu.dma_semaphore, #tpu.memory_space<semaphore_mem>>, %arg26: memref<!tpu.dma_semaphore, #tpu.memory_space<semaphore_mem>>, %arg27: memref<!tpu.dma_semaphore, #tpu.memory_space<semaphore_mem>>, %arg28: memref<!tpu.dma_semaphore, #tpu.memory_space<semaphore_mem>>, %arg29: memref<!tpu.dma_semaphore, #tpu.memory_space<semaphore_mem>>, %arg30: memref<!tpu.dma_semaphore, #tpu.memory_space<semaphore_mem>>, %arg31: memref<!tpu.dma_semaphore, #tpu.memory_space<semaphore_mem>>, %arg32: memref<!tpu.dma_semaphore, #tpu.memory_space<semaphore_mem>>, %arg33: memref<!tpu.dma_semaphore, #tpu.memory_space<semaphore_mem>>, %arg34: memref<!tpu.dma_semaphore, #tpu.memory_space<semaphore_mem>>, %arg35: memref<!tpu.dma_semaphore, #tpu.memory_space<semaphore_mem>>, %arg36: memref<!tpu.dma_semaphore, #tpu.memory_space<semaphore_mem>>, %arg37: memref<!tpu.dma_semaphore, #tpu.memory_space<semaphore_mem>>, %arg38: memref<!tpu.dma_semaphore, #tpu.memory_space<semaphore_mem>>, %arg39: memref<!tpu.dma_semaphore, #tpu.memory_space<semaphore_mem>>, %arg40: memref<!tpu.dma_semaphore, #tpu.memory_space<semaphore_mem>>, %arg41: memref<!tpu.dma_semaphore, #tpu.memory_space<semaphore_mem>>, %arg42: memref<!tpu.dma_semaphore, #tpu.memory_space<semaphore_mem>>, %arg43: memref<!tpu.dma_semaphore, #tpu.memory_space<semaphore_mem>>, %arg44: memref<!tpu.dma_semaphore, #tpu.memory_space<semaphore_mem>>, %arg45: memref<!tpu.dma_semaphore, #tpu.memory_space<semaphore_mem>>, %arg46: memref<!tpu.dma_semaphore, #tpu.memory_space<semaphore_mem>>, %arg47: memref<!tpu.dma_semaphore, #tpu.memory_space<semaphore_mem>>, %arg48: memref<!tpu.dma_semaphore, #tpu.memory_space<semaphore_mem>>, %arg49: memref<!tpu.dma_semaphore, #tpu.memory_space<semaphore_mem>>) attributes {dimension_semantics = [], scalar_prefetch = 0 : i64, scratch_operands = 48 : i64, tpu.core_type = #tpu.core_type<tc>} {
    %dma_start3A = arith.constant 4 : i32
    %dma_start3A_0 = arith.constant 0 : i32
    %dma_start3A_1 = arith.constant 0 : i32
    %dma_start3A_2 = tpu.memref_slice %arg0[%dma_start3A, %dma_start3A_0, %dma_start3A_1] : memref<32x16384x128xf32, #tpu.memory_space<hbm>> -> memref<1x4096x128xf32, #tpu.memory_space<hbm>>
    %dma_start3A_3 = tpu.memref_squeeze %dma_start3A_2 : memref<1x4096x128xf32, #tpu.memory_space<hbm>> -> memref<4096x128xf32, #tpu.memory_space<hbm>>
    tpu.enqueue_dma source(%dma_start3A_3 : memref<4096x128xf32, #tpu.memory_space<hbm>>) target(%arg2 : memref<4096x128xf32, #tpu.memory_space<vmem>>) target_semaphore(%arg18 : memref<!tpu.dma_semaphore, #tpu.memory_space<semaphore_mem>>)
    %dma_start3A_4 = arith.constant 4 : i32
    %dma_start3A_5 = arith.constant 4096 : i32
    %dma_start3A_6 = arith.constant 0 : i32
    %dma_start3A_7 = tpu.memref_slice %arg0[%dma_start3A_4, %dma_start3A_5, %dma_start3A_6] : memref<32x16384x128xf32, #tpu.memory_space<hbm>> -> memref<1x4096x128xf32, #tpu.memory_space<hbm>>
    %dma_start3A_8 = tpu.memref_squeeze %dma_start3A_7 : memref<1x4096x128xf32, #tpu.memory_space<hbm>> -> memref<4096x128xf32, #tpu.memory_space<hbm>>
    tpu.enqueue_dma source(%dma_start3A_8 : memref<4096x128xf32, #tpu.memory_space<hbm>>) target(%arg3 : memref<4096x128xf32, #tpu.memory_space<vmem>>) target_semaphore(%arg19 : memref<!tpu.dma_semaphore, #tpu.memory_space<semaphore_mem>>)
    %dma_start3A_9 = arith.constant 4 : i32
    %dma_start3A_10 = arith.constant 8192 : i32
    %dma_start3A_11 = arith.constant 0 : i32
    %dma_start3A_12 = tpu.memref_slice %arg0[%dma_start3A_9, %dma_start3A_10, %dma_start3A_11] : memref<32x16384x128xf32, #tpu.memory_space<hbm>> -> memref<1x4096x128xf32, #tpu.memory_space<hbm>>
    %dma_start3A_13 = tpu.memref_squeeze %dma_start3A_12 : memref<1x4096x128xf32, #tpu.memory_space<hbm>> -> memref<4096x128xf32, #tpu.memory_space<hbm>>
    tpu.enqueue_dma source(%dma_start3A_13 : memref<4096x128xf32, #tpu.memory_space<hbm>>) target(%arg4 : memref<4096x128xf32, #tpu.memory_space<vmem>>) target_semaphore(%arg20 : memref<!tpu.dma_semaphore, #tpu.memory_space<semaphore_mem>>)
    %dma_start3A_14 = arith.constant 4 : i32
    %dma_start3A_15 = arith.constant 12288 : i32
    %dma_start3A_16 = arith.constant 0 : i32
    %dma_start3A_17 = tpu.memref_slice %arg0[%dma_start3A_14, %dma_start3A_15, %dma_start3A_16] : memref<32x16384x128xf32, #tpu.memory_space<hbm>> -> memref<1x4096x128xf32, #tpu.memory_space<hbm>>
    %dma_start3A_18 = tpu.memref_squeeze %dma_start3A_17 : memref<1x4096x128xf32, #tpu.memory_space<hbm>> -> memref<4096x128xf32, #tpu.memory_space<hbm>>
    tpu.enqueue_dma source(%dma_start3A_18 : memref<4096x128xf32, #tpu.memory_space<hbm>>) target(%arg5 : memref<4096x128xf32, #tpu.memory_space<vmem>>) target_semaphore(%arg21 : memref<!tpu.dma_semaphore, #tpu.memory_space<semaphore_mem>>)
    %dma_start3A_19 = arith.constant 5 : i32
    %dma_start3A_20 = arith.constant 0 : i32
    %dma_start3A_21 = arith.constant 0 : i32
    %dma_start3A_22 = tpu.memref_slice %arg0[%dma_start3A_19, %dma_start3A_20, %dma_start3A_21] : memref<32x16384x128xf32, #tpu.memory_space<hbm>> -> memref<1x4096x128xf32, #tpu.memory_space<hbm>>
    %dma_start3A_23 = tpu.memref_squeeze %dma_start3A_22 : memref<1x4096x128xf32, #tpu.memory_space<hbm>> -> memref<4096x128xf32, #tpu.memory_space<hbm>>
    tpu.enqueue_dma source(%dma_start3A_23 : memref<4096x128xf32, #tpu.memory_space<hbm>>) target(%arg6 : memref<4096x128xf32, #tpu.memory_space<vmem>>) target_semaphore(%arg22 : memref<!tpu.dma_semaphore, #tpu.memory_space<semaphore_mem>>)
    %dma_start3A_24 = arith.constant 5 : i32
    %dma_start3A_25 = arith.constant 4096 : i32
    %dma_start3A_26 = arith.constant 0 : i32
    %dma_start3A_27 = tpu.memref_slice %arg0[%dma_start3A_24, %dma_start3A_25, %dma_start3A_26] : memref<32x16384x128xf32, #tpu.memory_space<hbm>> -> memref<1x4096x128xf32, #tpu.memory_space<hbm>>
    %dma_start3A_28 = tpu.memref_squeeze %dma_start3A_27 : memref<1x4096x128xf32, #tpu.memory_space<hbm>> -> memref<4096x128xf32, #tpu.memory_space<hbm>>
    tpu.enqueue_dma source(%dma_start3A_28 : memref<4096x128xf32, #tpu.memory_space<hbm>>) target(%arg7 : memref<4096x128xf32, #tpu.memory_space<vmem>>) target_semaphore(%arg23 : memref<!tpu.dma_semaphore, #tpu.memory_space<semaphore_mem>>)
    %dma_start3A_29 = arith.constant 5 : i32
    %dma_start3A_30 = arith.constant 8192 : i32
    %dma_start3A_31 = arith.constant 0 : i32
    %dma_start3A_32 = tpu.memref_slice %arg0[%dma_start3A_29, %dma_start3A_30, %dma_start3A_31] : memref<32x16384x128xf32, #tpu.memory_space<hbm>> -> memref<1x4096x128xf32, #tpu.memory_space<hbm>>
    %dma_start3A_33 = tpu.memref_squeeze %dma_start3A_32 : memref<1x4096x128xf32, #tpu.memory_space<hbm>> -> memref<4096x128xf32, #tpu.memory_space<hbm>>
    tpu.enqueue_dma source(%dma_start3A_33 : memref<4096x128xf32, #tpu.memory_space<hbm>>) target(%arg8 : memref<4096x128xf32, #tpu.memory_space<vmem>>) target_semaphore(%arg24 : memref<!tpu.dma_semaphore, #tpu.memory_space<semaphore_mem>>)
    %dma_start3A_34 = arith.constant 5 : i32
    %dma_start3A_35 = arith.constant 12288 : i32
    %dma_start3A_36 = arith.constant 0 : i32
    %dma_start3A_37 = tpu.memref_slice %arg0[%dma_start3A_34, %dma_start3A_35, %dma_start3A_36] : memref<32x16384x128xf32, #tpu.memory_space<hbm>> -> memref<1x4096x128xf32, #tpu.memory_space<hbm>>
    %dma_start3A_38 = tpu.memref_squeeze %dma_start3A_37 : memref<1x4096x128xf32, #tpu.memory_space<hbm>> -> memref<4096x128xf32, #tpu.memory_space<hbm>>
    tpu.enqueue_dma source(%dma_start3A_38 : memref<4096x128xf32, #tpu.memory_space<hbm>>) target(%arg9 : memref<4096x128xf32, #tpu.memory_space<vmem>>) target_semaphore(%arg25 : memref<!tpu.dma_semaphore, #tpu.memory_space<semaphore_mem>>)
    %scan3A = arith.constant 0 : i32
    %scan3A_39 = arith.constant 7 : i32
    %scan3A_40 = arith.addi %scan3A, %scan3A_39 : i32
    %scan3A_41 = arith.constant 1 : i32
    scf.for %scan3A_82 = %scan3A to %scan3A_40 step %scan3A_41  : i32 {
      %mul3A = arith.constant 16 : i32
      %mul3A_83 = arith.muli %scan3A_82, %mul3A : i32
      %add3A = arith.constant 0 : i32
      %add3A_84 = arith.addi %mul3A_83, %add3A : i32
      %lt3A = arith.constant 112 : i32
      %lt3A_85 = arith.cmpi slt, %add3A_84, %lt3A : i32
      %convert_element_type3A = arith.extui %lt3A_85 : i1 to i32
      %cond3A = arith.constant 0 : i32
      %cond3A_86 = arith.cmpi ne, %convert_element_type3A, %cond3A : i32
      scf.if %cond3A_86 {
        %jit3A = arith.constant 4 : i32
        %div3A = arith.divsi %add3A_84, %jit3A : i32
        %sign3A = arith.constant 0 : i32
        %sign3A_413 = arith.cmpi sgt, %add3A_84, %sign3A : i32
        %sign3A_414 = arith.extui %sign3A_413 : i1 to i32
        %sign3A_415 = arith.constant 0 : i32
        %sign3A_416 = arith.cmpi slt, %add3A_84, %sign3A_415 : i32
        %sign3A_417 = arith.extui %sign3A_416 : i1 to i32
        %sign3A_418 = arith.subi %sign3A_414, %sign3A_417 : i32
        %sign3A_419 = arith.constant 0 : i32
        %sign3A_420 = arith.cmpi sgt, %jit3A, %sign3A_419 : i32
        %sign3A_421 = arith.extui %sign3A_420 : i1 to i32
        %sign3A_422 = arith.constant 0 : i32
        %sign3A_423 = arith.cmpi slt, %jit3A, %sign3A_422 : i32
        %sign3A_424 = arith.extui %sign3A_423 : i1 to i32
        %sign3A_425 = arith.subi %sign3A_421, %sign3A_424 : i32
        %ne3A = arith.cmpi ne, %sign3A_418, %sign3A_425 : i32
        %rem3A = arith.remsi %add3A_84, %jit3A : i32
        %ne3A_426 = arith.constant 0 : i32
        %ne3A_427 = arith.cmpi ne, %rem3A, %ne3A_426 : i32
        %and3A = arith.andi %ne3A, %ne3A_427 : i1
        %sub3A = arith.constant 1 : i32
        %sub3A_428 = arith.subi %div3A, %sub3A : i32
        %select_n3A = arith.select %and3A, %sub3A_428, %div3A : i32
        %add3A_429 = arith.constant 4 : i32
        %add3A_430 = arith.addi %add3A_429, %select_n3A : i32
        %jit3A_431 = arith.constant 4 : i32
        %eq3A = arith.constant 0 : i32
        %eq3A_432 = arith.cmpi eq, %jit3A_431, %eq3A : i32
        %jit3A_433 = arith.constant 1 : i32
        %select_n3A_434 = arith.select %eq3A_432, %jit3A_433, %jit3A_431 : i32
        %rem3A_435 = arith.remsi %add3A_84, %select_n3A_434 : i32
        %ne3A_436 = arith.constant 0 : i32
        %ne3A_437 = arith.cmpi ne, %rem3A_435, %ne3A_436 : i32
        %lt3A_438 = arith.constant 0 : i32
        %lt3A_439 = arith.cmpi slt, %rem3A_435, %lt3A_438 : i32
        %lt3A_440 = arith.constant 0 : i32
        %lt3A_441 = arith.cmpi slt, %select_n3A_434, %lt3A_440 : i32
        %ne3A_442 = arith.xori %lt3A_439, %lt3A_441 : i1
        %and3A_443 = arith.andi %ne3A_442, %ne3A_437 : i1
        %add3A_444 = arith.addi %rem3A_435, %select_n3A_434 : i32
        %select_n3A_445 = arith.select %and3A_443, %add3A_444, %rem3A_435 : i32
        %mul3A_446 = arith.constant 4096 : i32
        %mul3A_447 = arith.muli %select_n3A_445, %mul3A_446 : i32
        %dma_wait3A_448 = arith.constant 0 : i32
        %dma_wait3A_449 = tpu.memref_slice %arg0[%add3A_430, %mul3A_447, %dma_wait3A_448] : memref<32x16384x128xf32, #tpu.memory_space<hbm>> -> memref<1x4096x128xf32, #tpu.memory_space<hbm>>
        %dma_wait3A_450 = tpu.memref_squeeze %dma_wait3A_449 : memref<1x4096x128xf32, #tpu.memory_space<hbm>> -> memref<4096x128xf32, #tpu.memory_space<hbm>>
        tpu.wait_dma2 semaphore(%arg18 : memref<!tpu.dma_semaphore, #tpu.memory_space<semaphore_mem>>) src(%dma_wait3A_450 : memref<4096x128xf32, #tpu.memory_space<hbm>>) dst(%arg2 : memref<4096x128xf32, #tpu.memory_space<vmem>>)
        %jit3A_451 = arith.constant 4 : i32
        %div3A_452 = arith.divsi %add3A_84, %jit3A_451 : i32
        %sign3A_453 = arith.constant 0 : i32
        %sign3A_454 = arith.cmpi sgt, %add3A_84, %sign3A_453 : i32
        %sign3A_455 = arith.extui %sign3A_454 : i1 to i32
        %sign3A_456 = arith.constant 0 : i32
        %sign3A_457 = arith.cmpi slt, %add3A_84, %sign3A_456 : i32
        %sign3A_458 = arith.extui %sign3A_457 : i1 to i32
        %sign3A_459 = arith.subi %sign3A_455, %sign3A_458 : i32
        %sign3A_460 = arith.constant 0 : i32
        %sign3A_461 = arith.cmpi sgt, %jit3A_451, %sign3A_460 : i32
        %sign3A_462 = arith.extui %sign3A_461 : i1 to i32
        %sign3A_463 = arith.constant 0 : i32
        %sign3A_464 = arith.cmpi slt, %jit3A_451, %sign3A_463 : i32
        %sign3A_465 = arith.extui %sign3A_464 : i1 to i32
        %sign3A_466 = arith.subi %sign3A_462, %sign3A_465 : i32
        %ne3A_467 = arith.cmpi ne, %sign3A_459, %sign3A_466 : i32
        %rem3A_468 = arith.remsi %add3A_84, %jit3A_451 : i32
        %ne3A_469 = arith.constant 0 : i32
        %ne3A_470 = arith.cmpi ne, %rem3A_468, %ne3A_469 : i32
        %and3A_471 = arith.andi %ne3A_467, %ne3A_470 : i1
        %sub3A_472 = arith.constant 1 : i32
        %sub3A_473 = arith.subi %div3A_452, %sub3A_472 : i32
        %select_n3A_474 = arith.select %and3A_471, %sub3A_473, %div3A_452 : i32
        %add3A_475 = arith.constant 4 : i32
        %add3A_476 = arith.addi %add3A_475, %select_n3A_474 : i32
        %jit3A_477 = arith.constant 4 : i32
        %eq3A_478 = arith.constant 0 : i32
        %eq3A_479 = arith.cmpi eq, %jit3A_477, %eq3A_478 : i32
        %jit3A_480 = arith.constant 1 : i32
        %select_n3A_481 = arith.select %eq3A_479, %jit3A_480, %jit3A_477 : i32
        %rem3A_482 = arith.remsi %add3A_84, %select_n3A_481 : i32
        %ne3A_483 = arith.constant 0 : i32
        %ne3A_484 = arith.cmpi ne, %rem3A_482, %ne3A_483 : i32
        %lt3A_485 = arith.constant 0 : i32
        %lt3A_486 = arith.cmpi slt, %rem3A_482, %lt3A_485 : i32
        %lt3A_487 = arith.constant 0 : i32
        %lt3A_488 = arith.cmpi slt, %select_n3A_481, %lt3A_487 : i32
        %ne3A_489 = arith.xori %lt3A_486, %lt3A_488 : i1
        %and3A_490 = arith.andi %ne3A_489, %ne3A_484 : i1
        %add3A_491 = arith.addi %rem3A_482, %select_n3A_481 : i32
        %select_n3A_492 = arith.select %and3A_490, %add3A_491, %rem3A_482 : i32
        %mul3A_493 = arith.constant 4096 : i32
        %mul3A_494 = arith.muli %select_n3A_492, %mul3A_493 : i32
        %dma_start3A_495 = arith.constant 0 : i32
        %dma_start3A_496 = tpu.memref_slice %arg1[%add3A_476, %mul3A_494, %dma_start3A_495] : memref<32x16384x128xf32, #tpu.memory_space<hbm>> -> memref<1x4096x128xf32, #tpu.memory_space<hbm>>
        %dma_start3A_497 = tpu.memref_squeeze %dma_start3A_496 : memref<1x4096x128xf32, #tpu.memory_space<hbm>> -> memref<4096x128xf32, #tpu.memory_space<hbm>>
        tpu.enqueue_dma source(%arg2 : memref<4096x128xf32, #tpu.memory_space<vmem>>) target(%dma_start3A_497 : memref<4096x128xf32, #tpu.memory_space<hbm>>) target_semaphore(%arg34 : memref<!tpu.dma_semaphore, #tpu.memory_space<semaphore_mem>>)
      } else {
      }
      %ge3A = arith.constant 8 : i32
      %ge3A_87 = arith.cmpi sge, %add3A_84, %ge3A : i32
      %convert_element_type3A_88 = arith.extui %ge3A_87 : i1 to i32
      %cond3A_89 = arith.constant 0 : i32
      %cond3A_90 = arith.cmpi ne, %convert_element_type3A_88, %cond3A_89 : i32
      scf.if %cond3A_90 {
        %sub3A = arith.constant 8 : i32
        %sub3A_413 = arith.subi %add3A_84, %sub3A : i32
        %jit3A = arith.constant 4 : i32
        %div3A = arith.divsi %sub3A_413, %jit3A : i32
        %sign3A = arith.constant 0 : i32
        %sign3A_414 = arith.cmpi sgt, %sub3A_413, %sign3A : i32
        %sign3A_415 = arith.extui %sign3A_414 : i1 to i32
        %sign3A_416 = arith.constant 0 : i32
        %sign3A_417 = arith.cmpi slt, %sub3A_413, %sign3A_416 : i32
        %sign3A_418 = arith.extui %sign3A_417 : i1 to i32
        %sign3A_419 = arith.subi %sign3A_415, %sign3A_418 : i32
        %sign3A_420 = arith.constant 0 : i32
        %sign3A_421 = arith.cmpi sgt, %jit3A, %sign3A_420 : i32
        %sign3A_422 = arith.extui %sign3A_421 : i1 to i32
        %sign3A_423 = arith.constant 0 : i32
        %sign3A_424 = arith.cmpi slt, %jit3A, %sign3A_423 : i32
        %sign3A_425 = arith.extui %sign3A_424 : i1 to i32
        %sign3A_426 = arith.subi %sign3A_422, %sign3A_425 : i32
        %ne3A = arith.cmpi ne, %sign3A_419, %sign3A_426 : i32
        %rem3A = arith.remsi %sub3A_413, %jit3A : i32
        %ne3A_427 = arith.constant 0 : i32
        %ne3A_428 = arith.cmpi ne, %rem3A, %ne3A_427 : i32
        %and3A = arith.andi %ne3A, %ne3A_428 : i1
        %sub3A_429 = arith.constant 1 : i32
        %sub3A_430 = arith.subi %div3A, %sub3A_429 : i32
        %select_n3A = arith.select %and3A, %sub3A_430, %div3A : i32
        %add3A_431 = arith.constant 4 : i32
        %add3A_432 = arith.addi %add3A_431, %select_n3A : i32
        %jit3A_433 = arith.constant 4 : i32
        %eq3A = arith.constant 0 : i32
        %eq3A_434 = arith.cmpi eq, %jit3A_433, %eq3A : i32
        %jit3A_435 = arith.constant 1 : i32
        %select_n3A_436 = arith.select %eq3A_434, %jit3A_435, %jit3A_433 : i32
        %rem3A_437 = arith.remsi %sub3A_413, %select_n3A_436 : i32
        %ne3A_438 = arith.constant 0 : i32
        %ne3A_439 = arith.cmpi ne, %rem3A_437, %ne3A_438 : i32
        %lt3A_440 = arith.constant 0 : i32
        %lt3A_441 = arith.cmpi slt, %rem3A_437, %lt3A_440 : i32
        %lt3A_442 = arith.constant 0 : i32
        %lt3A_443 = arith.cmpi slt, %select_n3A_436, %lt3A_442 : i32
        %ne3A_444 = arith.xori %lt3A_441, %lt3A_443 : i1
        %and3A_445 = arith.andi %ne3A_444, %ne3A_439 : i1
        %add3A_446 = arith.addi %rem3A_437, %select_n3A_436 : i32
        %select_n3A_447 = arith.select %and3A_445, %add3A_446, %rem3A_437 : i32
        %mul3A_448 = arith.constant 4096 : i32
        %mul3A_449 = arith.muli %select_n3A_447, %mul3A_448 : i32
        %dma_wait3A_450 = arith.constant 0 : i32
        %dma_wait3A_451 = tpu.memref_slice %arg1[%add3A_432, %mul3A_449, %dma_wait3A_450] : memref<32x16384x128xf32, #tpu.memory_space<hbm>> -> memref<1x4096x128xf32, #tpu.memory_space<hbm>>
        %dma_wait3A_452 = tpu.memref_squeeze %dma_wait3A_451 : memref<1x4096x128xf32, #tpu.memory_space<hbm>> -> memref<4096x128xf32, #tpu.memory_space<hbm>>
        tpu.wait_dma2 semaphore(%arg42 : memref<!tpu.dma_semaphore, #tpu.memory_space<semaphore_mem>>) src(%arg10 : memref<4096x128xf32, #tpu.memory_space<vmem>>) dst(%dma_wait3A_452 : memref<4096x128xf32, #tpu.memory_space<hbm>>)
      } else {
      }
      %add3A_91 = arith.constant 8 : i32
      %add3A_92 = arith.addi %add3A_84, %add3A_91 : i32
      %lt3A_93 = arith.constant 112 : i32
      %lt3A_94 = arith.cmpi slt, %add3A_92, %lt3A_93 : i32
      %convert_element_type3A_95 = arith.extui %lt3A_94 : i1 to i32
      %cond3A_96 = arith.constant 0 : i32
      %cond3A_97 = arith.cmpi ne, %convert_element_type3A_95, %cond3A_96 : i32
      scf.if %cond3A_97 {
        %add3A_413 = arith.constant 8 : i32
        %add3A_414 = arith.addi %add3A_84, %add3A_413 : i32
        %jit3A = arith.constant 4 : i32
        %div3A = arith.divsi %add3A_414, %jit3A : i32
        %sign3A = arith.constant 0 : i32
        %sign3A_415 = arith.cmpi sgt, %add3A_414, %sign3A : i32
        %sign3A_416 = arith.extui %sign3A_415 : i1 to i32
        %sign3A_417 = arith.constant 0 : i32
        %sign3A_418 = arith.cmpi slt, %add3A_414, %sign3A_417 : i32
        %sign3A_419 = arith.extui %sign3A_418 : i1 to i32
        %sign3A_420 = arith.subi %sign3A_416, %sign3A_419 : i32
        %sign3A_421 = arith.constant 0 : i32
        %sign3A_422 = arith.cmpi sgt, %jit3A, %sign3A_421 : i32
        %sign3A_423 = arith.extui %sign3A_422 : i1 to i32
        %sign3A_424 = arith.constant 0 : i32
        %sign3A_425 = arith.cmpi slt, %jit3A, %sign3A_424 : i32
        %sign3A_426 = arith.extui %sign3A_425 : i1 to i32
        %sign3A_427 = arith.subi %sign3A_423, %sign3A_426 : i32
        %ne3A = arith.cmpi ne, %sign3A_420, %sign3A_427 : i32
        %rem3A = arith.remsi %add3A_414, %jit3A : i32
        %ne3A_428 = arith.constant 0 : i32
        %ne3A_429 = arith.cmpi ne, %rem3A, %ne3A_428 : i32
        %and3A = arith.andi %ne3A, %ne3A_429 : i1
        %sub3A = arith.constant 1 : i32
        %sub3A_430 = arith.subi %div3A, %sub3A : i32
        %select_n3A = arith.select %and3A, %sub3A_430, %div3A : i32
        %add3A_431 = arith.constant 4 : i32
        %add3A_432 = arith.addi %add3A_431, %select_n3A : i32
        %jit3A_433 = arith.constant 4 : i32
        %eq3A = arith.constant 0 : i32
        %eq3A_434 = arith.cmpi eq, %jit3A_433, %eq3A : i32
        %jit3A_435 = arith.constant 1 : i32
        %select_n3A_436 = arith.select %eq3A_434, %jit3A_435, %jit3A_433 : i32
        %rem3A_437 = arith.remsi %add3A_414, %select_n3A_436 : i32
        %ne3A_438 = arith.constant 0 : i32
        %ne3A_439 = arith.cmpi ne, %rem3A_437, %ne3A_438 : i32
        %lt3A_440 = arith.constant 0 : i32
        %lt3A_441 = arith.cmpi slt, %rem3A_437, %lt3A_440 : i32
        %lt3A_442 = arith.constant 0 : i32
        %lt3A_443 = arith.cmpi slt, %select_n3A_436, %lt3A_442 : i32
        %ne3A_444 = arith.xori %lt3A_441, %lt3A_443 : i1
        %and3A_445 = arith.andi %ne3A_444, %ne3A_439 : i1
        %add3A_446 = arith.addi %rem3A_437, %select_n3A_436 : i32
        %select_n3A_447 = arith.select %and3A_445, %add3A_446, %rem3A_437 : i32
        %mul3A_448 = arith.constant 4096 : i32
        %mul3A_449 = arith.muli %select_n3A_447, %mul3A_448 : i32
        %dma_start3A_450 = arith.constant 0 : i32
        %dma_start3A_451 = tpu.memref_slice %arg0[%add3A_432, %mul3A_449, %dma_start3A_450] : memref<32x16384x128xf32, #tpu.memory_space<hbm>> -> memref<1x4096x128xf32, #tpu.memory_space<hbm>>
        %dma_start3A_452 = tpu.memref_squeeze %dma_start3A_451 : memref<1x4096x128xf32, #tpu.memory_space<hbm>> -> memref<4096x128xf32, #tpu.memory_space<hbm>>
        tpu.enqueue_dma source(%dma_start3A_452 : memref<4096x128xf32, #tpu.memory_space<hbm>>) target(%arg10 : memref<4096x128xf32, #tpu.memory_space<vmem>>) target_semaphore(%arg26 : memref<!tpu.dma_semaphore, #tpu.memory_space<semaphore_mem>>)
      } else {
      }
      %mul3A_98 = arith.constant 16 : i32
      %mul3A_99 = arith.muli %scan3A_82, %mul3A_98 : i32
      %add3A_100 = arith.constant 1 : i32
      %add3A_101 = arith.addi %mul3A_99, %add3A_100 : i32
      %lt3A_102 = arith.constant 112 : i32
      %lt3A_103 = arith.cmpi slt, %add3A_101, %lt3A_102 : i32
      %convert_element_type3A_104 = arith.extui %lt3A_103 : i1 to i32
      %cond3A_105 = arith.constant 0 : i32
      %cond3A_106 = arith.cmpi ne, %convert_element_type3A_104, %cond3A_105 : i32
      scf.if %cond3A_106 {
        %jit3A = arith.constant 4 : i32
        %div3A = arith.divsi %add3A_101, %jit3A : i32
        %sign3A = arith.constant 0 : i32
        %sign3A_413 = arith.cmpi sgt, %add3A_101, %sign3A : i32
        %sign3A_414 = arith.extui %sign3A_413 : i1 to i32
        %sign3A_415 = arith.constant 0 : i32
        %sign3A_416 = arith.cmpi slt, %add3A_101, %sign3A_415 : i32
        %sign3A_417 = arith.extui %sign3A_416 : i1 to i32
        %sign3A_418 = arith.subi %sign3A_414, %sign3A_417 : i32
        %sign3A_419 = arith.constant 0 : i32
        %sign3A_420 = arith.cmpi sgt, %jit3A, %sign3A_419 : i32
        %sign3A_421 = arith.extui %sign3A_420 : i1 to i32
        %sign3A_422 = arith.constant 0 : i32
        %sign3A_423 = arith.cmpi slt, %jit3A, %sign3A_422 : i32
        %sign3A_424 = arith.extui %sign3A_423 : i1 to i32
        %sign3A_425 = arith.subi %sign3A_421, %sign3A_424 : i32
        %ne3A = arith.cmpi ne, %sign3A_418, %sign3A_425 : i32
        %rem3A = arith.remsi %add3A_101, %jit3A : i32
        %ne3A_426 = arith.constant 0 : i32
        %ne3A_427 = arith.cmpi ne, %rem3A, %ne3A_426 : i32
        %and3A = arith.andi %ne3A, %ne3A_427 : i1
        %sub3A = arith.constant 1 : i32
        %sub3A_428 = arith.subi %div3A, %sub3A : i32
        %select_n3A = arith.select %and3A, %sub3A_428, %div3A : i32
        %add3A_429 = arith.constant 4 : i32
        %add3A_430 = arith.addi %add3A_429, %select_n3A : i32
        %jit3A_431 = arith.constant 4 : i32
        %eq3A = arith.constant 0 : i32
        %eq3A_432 = arith.cmpi eq, %jit3A_431, %eq3A : i32
        %jit3A_433 = arith.constant 1 : i32
        %select_n3A_434 = arith.select %eq3A_432, %jit3A_433, %jit3A_431 : i32
        %rem3A_435 = arith.remsi %add3A_101, %select_n3A_434 : i32
        %ne3A_436 = arith.constant 0 : i32
        %ne3A_437 = arith.cmpi ne, %rem3A_435, %ne3A_436 : i32
        %lt3A_438 = arith.constant 0 : i32
        %lt3A_439 = arith.cmpi slt, %rem3A_435, %lt3A_438 : i32
        %lt3A_440 = arith.constant 0 : i32
        %lt3A_441 = arith.cmpi slt, %select_n3A_434, %lt3A_440 : i32
        %ne3A_442 = arith.xori %lt3A_439, %lt3A_441 : i1
        %and3A_443 = arith.andi %ne3A_442, %ne3A_437 : i1
        %add3A_444 = arith.addi %rem3A_435, %select_n3A_434 : i32
        %select_n3A_445 = arith.select %and3A_443, %add3A_444, %rem3A_435 : i32
        %mul3A_446 = arith.constant 4096 : i32
        %mul3A_447 = arith.muli %select_n3A_445, %mul3A_446 : i32
        %dma_wait3A_448 = arith.constant 0 : i32
        %dma_wait3A_449 = tpu.memref_slice %arg0[%add3A_430, %mul3A_447, %dma_wait3A_448] : memref<32x16384x128xf32, #tpu.memory_space<hbm>> -> memref<1x4096x128xf32, #tpu.memory_space<hbm>>
        %dma_wait3A_450 = tpu.memref_squeeze %dma_wait3A_449 : memref<1x4096x128xf32, #tpu.memory_space<hbm>> -> memref<4096x128xf32, #tpu.memory_space<hbm>>
        tpu.wait_dma2 semaphore(%arg19 : memref<!tpu.dma_semaphore, #tpu.memory_space<semaphore_mem>>) src(%dma_wait3A_450 : memref<4096x128xf32, #tpu.memory_space<hbm>>) dst(%arg3 : memref<4096x128xf32, #tpu.memory_space<vmem>>)
        %jit3A_451 = arith.constant 4 : i32
        %div3A_452 = arith.divsi %add3A_101, %jit3A_451 : i32
        %sign3A_453 = arith.constant 0 : i32
        %sign3A_454 = arith.cmpi sgt, %add3A_101, %sign3A_453 : i32
        %sign3A_455 = arith.extui %sign3A_454 : i1 to i32
        %sign3A_456 = arith.constant 0 : i32
        %sign3A_457 = arith.cmpi slt, %add3A_101, %sign3A_456 : i32
        %sign3A_458 = arith.extui %sign3A_457 : i1 to i32
        %sign3A_459 = arith.subi %sign3A_455, %sign3A_458 : i32
        %sign3A_460 = arith.constant 0 : i32
        %sign3A_461 = arith.cmpi sgt, %jit3A_451, %sign3A_460 : i32
        %sign3A_462 = arith.extui %sign3A_461 : i1 to i32
        %sign3A_463 = arith.constant 0 : i32
        %sign3A_464 = arith.cmpi slt, %jit3A_451, %sign3A_463 : i32
        %sign3A_465 = arith.extui %sign3A_464 : i1 to i32
        %sign3A_466 = arith.subi %sign3A_462, %sign3A_465 : i32
        %ne3A_467 = arith.cmpi ne, %sign3A_459, %sign3A_466 : i32
        %rem3A_468 = arith.remsi %add3A_101, %jit3A_451 : i32
        %ne3A_469 = arith.constant 0 : i32
        %ne3A_470 = arith.cmpi ne, %rem3A_468, %ne3A_469 : i32
        %and3A_471 = arith.andi %ne3A_467, %ne3A_470 : i1
        %sub3A_472 = arith.constant 1 : i32
        %sub3A_473 = arith.subi %div3A_452, %sub3A_472 : i32
        %select_n3A_474 = arith.select %and3A_471, %sub3A_473, %div3A_452 : i32
        %add3A_475 = arith.constant 4 : i32
        %add3A_476 = arith.addi %add3A_475, %select_n3A_474 : i32
        %jit3A_477 = arith.constant 4 : i32
        %eq3A_478 = arith.constant 0 : i32
        %eq3A_479 = arith.cmpi eq, %jit3A_477, %eq3A_478 : i32
        %jit3A_480 = arith.constant 1 : i32
        %select_n3A_481 = arith.select %eq3A_479, %jit3A_480, %jit3A_477 : i32
        %rem3A_482 = arith.remsi %add3A_101, %select_n3A_481 : i32
        %ne3A_483 = arith.constant 0 : i32
        %ne3A_484 = arith.cmpi ne, %rem3A_482, %ne3A_483 : i32
        %lt3A_485 = arith.constant 0 : i32
        %lt3A_486 = arith.cmpi slt, %rem3A_482, %lt3A_485 : i32
        %lt3A_487 = arith.constant 0 : i32
        %lt3A_488 = arith.cmpi slt, %select_n3A_481, %lt3A_487 : i32
        %ne3A_489 = arith.xori %lt3A_486, %lt3A_488 : i1
        %and3A_490 = arith.andi %ne3A_489, %ne3A_484 : i1
        %add3A_491 = arith.addi %rem3A_482, %select_n3A_481 : i32
        %select_n3A_492 = arith.select %and3A_490, %add3A_491, %rem3A_482 : i32
        %mul3A_493 = arith.constant 4096 : i32
        %mul3A_494 = arith.muli %select_n3A_492, %mul3A_493 : i32
        %dma_start3A_495 = arith.constant 0 : i32
        %dma_start3A_496 = tpu.memref_slice %arg1[%add3A_476, %mul3A_494, %dma_start3A_495] : memref<32x16384x128xf32, #tpu.memory_space<hbm>> -> memref<1x4096x128xf32, #tpu.memory_space<hbm>>
        %dma_start3A_497 = tpu.memref_squeeze %dma_start3A_496 : memref<1x4096x128xf32, #tpu.memory_space<hbm>> -> memref<4096x128xf32, #tpu.memory_space<hbm>>
        tpu.enqueue_dma source(%arg3 : memref<4096x128xf32, #tpu.memory_space<vmem>>) target(%dma_start3A_497 : memref<4096x128xf32, #tpu.memory_space<hbm>>) target_semaphore(%arg35 : memref<!tpu.dma_semaphore, #tpu.memory_space<semaphore_mem>>)
      } else {
      }
      %ge3A_107 = arith.constant 8 : i32
      %ge3A_108 = arith.cmpi sge, %add3A_101, %ge3A_107 : i32
      %convert_element_type3A_109 = arith.extui %ge3A_108 : i1 to i32
      %cond3A_110 = arith.constant 0 : i32
      %cond3A_111 = arith.cmpi ne, %convert_element_type3A_109, %cond3A_110 : i32
      scf.if %cond3A_111 {
        %sub3A = arith.constant 8 : i32
        %sub3A_413 = arith.subi %add3A_101, %sub3A : i32
        %jit3A = arith.constant 4 : i32
        %div3A = arith.divsi %sub3A_413, %jit3A : i32
        %sign3A = arith.constant 0 : i32
        %sign3A_414 = arith.cmpi sgt, %sub3A_413, %sign3A : i32
        %sign3A_415 = arith.extui %sign3A_414 : i1 to i32
        %sign3A_416 = arith.constant 0 : i32
        %sign3A_417 = arith.cmpi slt, %sub3A_413, %sign3A_416 : i32
        %sign3A_418 = arith.extui %sign3A_417 : i1 to i32
        %sign3A_419 = arith.subi %sign3A_415, %sign3A_418 : i32
        %sign3A_420 = arith.constant 0 : i32
        %sign3A_421 = arith.cmpi sgt, %jit3A, %sign3A_420 : i32
        %sign3A_422 = arith.extui %sign3A_421 : i1 to i32
        %sign3A_423 = arith.constant 0 : i32
        %sign3A_424 = arith.cmpi slt, %jit3A, %sign3A_423 : i32
        %sign3A_425 = arith.extui %sign3A_424 : i1 to i32
        %sign3A_426 = arith.subi %sign3A_422, %sign3A_425 : i32
        %ne3A = arith.cmpi ne, %sign3A_419, %sign3A_426 : i32
        %rem3A = arith.remsi %sub3A_413, %jit3A : i32
        %ne3A_427 = arith.constant 0 : i32
        %ne3A_428 = arith.cmpi ne, %rem3A, %ne3A_427 : i32
        %and3A = arith.andi %ne3A, %ne3A_428 : i1
        %sub3A_429 = arith.constant 1 : i32
        %sub3A_430 = arith.subi %div3A, %sub3A_429 : i32
        %select_n3A = arith.select %and3A, %sub3A_430, %div3A : i32
        %add3A_431 = arith.constant 4 : i32
        %add3A_432 = arith.addi %add3A_431, %select_n3A : i32
        %jit3A_433 = arith.constant 4 : i32
        %eq3A = arith.constant 0 : i32
        %eq3A_434 = arith.cmpi eq, %jit3A_433, %eq3A : i32
        %jit3A_435 = arith.constant 1 : i32
        %select_n3A_436 = arith.select %eq3A_434, %jit3A_435, %jit3A_433 : i32
        %rem3A_437 = arith.remsi %sub3A_413, %select_n3A_436 : i32
        %ne3A_438 = arith.constant 0 : i32
        %ne3A_439 = arith.cmpi ne, %rem3A_437, %ne3A_438 : i32
        %lt3A_440 = arith.constant 0 : i32
        %lt3A_441 = arith.cmpi slt, %rem3A_437, %lt3A_440 : i32
        %lt3A_442 = arith.constant 0 : i32
        %lt3A_443 = arith.cmpi slt, %select_n3A_436, %lt3A_442 : i32
        %ne3A_444 = arith.xori %lt3A_441, %lt3A_443 : i1
        %and3A_445 = arith.andi %ne3A_444, %ne3A_439 : i1
        %add3A_446 = arith.addi %rem3A_437, %select_n3A_436 : i32
        %select_n3A_447 = arith.select %and3A_445, %add3A_446, %rem3A_437 : i32
        %mul3A_448 = arith.constant 4096 : i32
        %mul3A_449 = arith.muli %select_n3A_447, %mul3A_448 : i32
        %dma_wait3A_450 = arith.constant 0 : i32
        %dma_wait3A_451 = tpu.memref_slice %arg1[%add3A_432, %mul3A_449, %dma_wait3A_450] : memref<32x16384x128xf32, #tpu.memory_space<hbm>> -> memref<1x4096x128xf32, #tpu.memory_space<hbm>>
        %dma_wait3A_452 = tpu.memref_squeeze %dma_wait3A_451 : memref<1x4096x128xf32, #tpu.memory_space<hbm>> -> memref<4096x128xf32, #tpu.memory_space<hbm>>
        tpu.wait_dma2 semaphore(%arg43 : memref<!tpu.dma_semaphore, #tpu.memory_space<semaphore_mem>>) src(%arg11 : memref<4096x128xf32, #tpu.memory_space<vmem>>) dst(%dma_wait3A_452 : memref<4096x128xf32, #tpu.memory_space<hbm>>)
      } else {
      }
      %add3A_112 = arith.constant 8 : i32
      %add3A_113 = arith.addi %add3A_101, %add3A_112 : i32
      %lt3A_114 = arith.constant 112 : i32
      %lt3A_115 = arith.cmpi slt, %add3A_113, %lt3A_114 : i32
      %convert_element_type3A_116 = arith.extui %lt3A_115 : i1 to i32
      %cond3A_117 = arith.constant 0 : i32
      %cond3A_118 = arith.cmpi ne, %convert_element_type3A_116, %cond3A_117 : i32
      scf.if %cond3A_118 {
        %add3A_413 = arith.constant 8 : i32
        %add3A_414 = arith.addi %add3A_101, %add3A_413 : i32
        %jit3A = arith.constant 4 : i32
        %div3A = arith.divsi %add3A_414, %jit3A : i32
        %sign3A = arith.constant 0 : i32
        %sign3A_415 = arith.cmpi sgt, %add3A_414, %sign3A : i32
        %sign3A_416 = arith.extui %sign3A_415 : i1 to i32
        %sign3A_417 = arith.constant 0 : i32
        %sign3A_418 = arith.cmpi slt, %add3A_414, %sign3A_417 : i32
        %sign3A_419 = arith.extui %sign3A_418 : i1 to i32
        %sign3A_420 = arith.subi %sign3A_416, %sign3A_419 : i32
        %sign3A_421 = arith.constant 0 : i32
        %sign3A_422 = arith.cmpi sgt, %jit3A, %sign3A_421 : i32
        %sign3A_423 = arith.extui %sign3A_422 : i1 to i32
        %sign3A_424 = arith.constant 0 : i32
        %sign3A_425 = arith.cmpi slt, %jit3A, %sign3A_424 : i32
        %sign3A_426 = arith.extui %sign3A_425 : i1 to i32
        %sign3A_427 = arith.subi %sign3A_423, %sign3A_426 : i32
        %ne3A = arith.cmpi ne, %sign3A_420, %sign3A_427 : i32
        %rem3A = arith.remsi %add3A_414, %jit3A : i32
        %ne3A_428 = arith.constant 0 : i32
        %ne3A_429 = arith.cmpi ne, %rem3A, %ne3A_428 : i32
        %and3A = arith.andi %ne3A, %ne3A_429 : i1
        %sub3A = arith.constant 1 : i32
        %sub3A_430 = arith.subi %div3A, %sub3A : i32
        %select_n3A = arith.select %and3A, %sub3A_430, %div3A : i32
        %add3A_431 = arith.constant 4 : i32
        %add3A_432 = arith.addi %add3A_431, %select_n3A : i32
        %jit3A_433 = arith.constant 4 : i32
        %eq3A = arith.constant 0 : i32
        %eq3A_434 = arith.cmpi eq, %jit3A_433, %eq3A : i32
        %jit3A_435 = arith.constant 1 : i32
        %select_n3A_436 = arith.select %eq3A_434, %jit3A_435, %jit3A_433 : i32
        %rem3A_437 = arith.remsi %add3A_414, %select_n3A_436 : i32
        %ne3A_438 = arith.constant 0 : i32
        %ne3A_439 = arith.cmpi ne, %rem3A_437, %ne3A_438 : i32
        %lt3A_440 = arith.constant 0 : i32
        %lt3A_441 = arith.cmpi slt, %rem3A_437, %lt3A_440 : i32
        %lt3A_442 = arith.constant 0 : i32
        %lt3A_443 = arith.cmpi slt, %select_n3A_436, %lt3A_442 : i32
        %ne3A_444 = arith.xori %lt3A_441, %lt3A_443 : i1
        %and3A_445 = arith.andi %ne3A_444, %ne3A_439 : i1
        %add3A_446 = arith.addi %rem3A_437, %select_n3A_436 : i32
        %select_n3A_447 = arith.select %and3A_445, %add3A_446, %rem3A_437 : i32
        %mul3A_448 = arith.constant 4096 : i32
        %mul3A_449 = arith.muli %select_n3A_447, %mul3A_448 : i32
        %dma_start3A_450 = arith.constant 0 : i32
        %dma_start3A_451 = tpu.memref_slice %arg0[%add3A_432, %mul3A_449, %dma_start3A_450] : memref<32x16384x128xf32, #tpu.memory_space<hbm>> -> memref<1x4096x128xf32, #tpu.memory_space<hbm>>
        %dma_start3A_452 = tpu.memref_squeeze %dma_start3A_451 : memref<1x4096x128xf32, #tpu.memory_space<hbm>> -> memref<4096x128xf32, #tpu.memory_space<hbm>>
        tpu.enqueue_dma source(%dma_start3A_452 : memref<4096x128xf32, #tpu.memory_space<hbm>>) target(%arg11 : memref<4096x128xf32, #tpu.memory_space<vmem>>) target_semaphore(%arg27 : memref<!tpu.dma_semaphore, #tpu.memory_space<semaphore_mem>>)
      } else {
      }
      %mul3A_119 = arith.constant 16 : i32
      %mul3A_120 = arith.muli %scan3A_82, %mul3A_119 : i32
      %add3A_121 = arith.constant 2 : i32
      %add3A_122 = arith.addi %mul3A_120, %add3A_121 : i32
      %lt3A_123 = arith.constant 112 : i32
      %lt3A_124 = arith.cmpi slt, %add3A_122, %lt3A_123 : i32
      %convert_element_type3A_125 = arith.extui %lt3A_124 : i1 to i32
      %cond3A_126 = arith.constant 0 : i32
      %cond3A_127 = arith.cmpi ne, %convert_element_type3A_125, %cond3A_126 : i32
      scf.if %cond3A_127 {
        %jit3A = arith.constant 4 : i32
        %div3A = arith.divsi %add3A_122, %jit3A : i32
        %sign3A = arith.constant 0 : i32
        %sign3A_413 = arith.cmpi sgt, %add3A_122, %sign3A : i32
        %sign3A_414 = arith.extui %sign3A_413 : i1 to i32
        %sign3A_415 = arith.constant 0 : i32
        %sign3A_416 = arith.cmpi slt, %add3A_122, %sign3A_415 : i32
        %sign3A_417 = arith.extui %sign3A_416 : i1 to i32
        %sign3A_418 = arith.subi %sign3A_414, %sign3A_417 : i32
        %sign3A_419 = arith.constant 0 : i32
        %sign3A_420 = arith.cmpi sgt, %jit3A, %sign3A_419 : i32
        %sign3A_421 = arith.extui %sign3A_420 : i1 to i32
        %sign3A_422 = arith.constant 0 : i32
        %sign3A_423 = arith.cmpi slt, %jit3A, %sign3A_422 : i32
        %sign3A_424 = arith.extui %sign3A_423 : i1 to i32
        %sign3A_425 = arith.subi %sign3A_421, %sign3A_424 : i32
        %ne3A = arith.cmpi ne, %sign3A_418, %sign3A_425 : i32
        %rem3A = arith.remsi %add3A_122, %jit3A : i32
        %ne3A_426 = arith.constant 0 : i32
        %ne3A_427 = arith.cmpi ne, %rem3A, %ne3A_426 : i32
        %and3A = arith.andi %ne3A, %ne3A_427 : i1
        %sub3A = arith.constant 1 : i32
        %sub3A_428 = arith.subi %div3A, %sub3A : i32
        %select_n3A = arith.select %and3A, %sub3A_428, %div3A : i32
        %add3A_429 = arith.constant 4 : i32
        %add3A_430 = arith.addi %add3A_429, %select_n3A : i32
        %jit3A_431 = arith.constant 4 : i32
        %eq3A = arith.constant 0 : i32
        %eq3A_432 = arith.cmpi eq, %jit3A_431, %eq3A : i32
        %jit3A_433 = arith.constant 1 : i32
        %select_n3A_434 = arith.select %eq3A_432, %jit3A_433, %jit3A_431 : i32
        %rem3A_435 = arith.remsi %add3A_122, %select_n3A_434 : i32
        %ne3A_436 = arith.constant 0 : i32
        %ne3A_437 = arith.cmpi ne, %rem3A_435, %ne3A_436 : i32
        %lt3A_438 = arith.constant 0 : i32
        %lt3A_439 = arith.cmpi slt, %rem3A_435, %lt3A_438 : i32
        %lt3A_440 = arith.constant 0 : i32
        %lt3A_441 = arith.cmpi slt, %select_n3A_434, %lt3A_440 : i32
        %ne3A_442 = arith.xori %lt3A_439, %lt3A_441 : i1
        %and3A_443 = arith.andi %ne3A_442, %ne3A_437 : i1
        %add3A_444 = arith.addi %rem3A_435, %select_n3A_434 : i32
        %select_n3A_445 = arith.select %and3A_443, %add3A_444, %rem3A_435 : i32
        %mul3A_446 = arith.constant 4096 : i32
        %mul3A_447 = arith.muli %select_n3A_445, %mul3A_446 : i32
        %dma_wait3A_448 = arith.constant 0 : i32
        %dma_wait3A_449 = tpu.memref_slice %arg0[%add3A_430, %mul3A_447, %dma_wait3A_448] : memref<32x16384x128xf32, #tpu.memory_space<hbm>> -> memref<1x4096x128xf32, #tpu.memory_space<hbm>>
        %dma_wait3A_450 = tpu.memref_squeeze %dma_wait3A_449 : memref<1x4096x128xf32, #tpu.memory_space<hbm>> -> memref<4096x128xf32, #tpu.memory_space<hbm>>
        tpu.wait_dma2 semaphore(%arg20 : memref<!tpu.dma_semaphore, #tpu.memory_space<semaphore_mem>>) src(%dma_wait3A_450 : memref<4096x128xf32, #tpu.memory_space<hbm>>) dst(%arg4 : memref<4096x128xf32, #tpu.memory_space<vmem>>)
        %jit3A_451 = arith.constant 4 : i32
        %div3A_452 = arith.divsi %add3A_122, %jit3A_451 : i32
        %sign3A_453 = arith.constant 0 : i32
        %sign3A_454 = arith.cmpi sgt, %add3A_122, %sign3A_453 : i32
        %sign3A_455 = arith.extui %sign3A_454 : i1 to i32
        %sign3A_456 = arith.constant 0 : i32
        %sign3A_457 = arith.cmpi slt, %add3A_122, %sign3A_456 : i32
        %sign3A_458 = arith.extui %sign3A_457 : i1 to i32
        %sign3A_459 = arith.subi %sign3A_455, %sign3A_458 : i32
        %sign3A_460 = arith.constant 0 : i32
        %sign3A_461 = arith.cmpi sgt, %jit3A_451, %sign3A_460 : i32
        %sign3A_462 = arith.extui %sign3A_461 : i1 to i32
        %sign3A_463 = arith.constant 0 : i32
        %sign3A_464 = arith.cmpi slt, %jit3A_451, %sign3A_463 : i32
        %sign3A_465 = arith.extui %sign3A_464 : i1 to i32
        %sign3A_466 = arith.subi %sign3A_462, %sign3A_465 : i32
        %ne3A_467 = arith.cmpi ne, %sign3A_459, %sign3A_466 : i32
        %rem3A_468 = arith.remsi %add3A_122, %jit3A_451 : i32
        %ne3A_469 = arith.constant 0 : i32
        %ne3A_470 = arith.cmpi ne, %rem3A_468, %ne3A_469 : i32
        %and3A_471 = arith.andi %ne3A_467, %ne3A_470 : i1
        %sub3A_472 = arith.constant 1 : i32
        %sub3A_473 = arith.subi %div3A_452, %sub3A_472 : i32
        %select_n3A_474 = arith.select %and3A_471, %sub3A_473, %div3A_452 : i32
        %add3A_475 = arith.constant 4 : i32
        %add3A_476 = arith.addi %add3A_475, %select_n3A_474 : i32
        %jit3A_477 = arith.constant 4 : i32
        %eq3A_478 = arith.constant 0 : i32
        %eq3A_479 = arith.cmpi eq, %jit3A_477, %eq3A_478 : i32
        %jit3A_480 = arith.constant 1 : i32
        %select_n3A_481 = arith.select %eq3A_479, %jit3A_480, %jit3A_477 : i32
        %rem3A_482 = arith.remsi %add3A_122, %select_n3A_481 : i32
        %ne3A_483 = arith.constant 0 : i32
        %ne3A_484 = arith.cmpi ne, %rem3A_482, %ne3A_483 : i32
        %lt3A_485 = arith.constant 0 : i32
        %lt3A_486 = arith.cmpi slt, %rem3A_482, %lt3A_485 : i32
        %lt3A_487 = arith.constant 0 : i32
        %lt3A_488 = arith.cmpi slt, %select_n3A_481, %lt3A_487 : i32
        %ne3A_489 = arith.xori %lt3A_486, %lt3A_488 : i1
        %and3A_490 = arith.andi %ne3A_489, %ne3A_484 : i1
        %add3A_491 = arith.addi %rem3A_482, %select_n3A_481 : i32
        %select_n3A_492 = arith.select %and3A_490, %add3A_491, %rem3A_482 : i32
        %mul3A_493 = arith.constant 4096 : i32
        %mul3A_494 = arith.muli %select_n3A_492, %mul3A_493 : i32
        %dma_start3A_495 = arith.constant 0 : i32
        %dma_start3A_496 = tpu.memref_slice %arg1[%add3A_476, %mul3A_494, %dma_start3A_495] : memref<32x16384x128xf32, #tpu.memory_space<hbm>> -> memref<1x4096x128xf32, #tpu.memory_space<hbm>>
        %dma_start3A_497 = tpu.memref_squeeze %dma_start3A_496 : memref<1x4096x128xf32, #tpu.memory_space<hbm>> -> memref<4096x128xf32, #tpu.memory_space<hbm>>
        tpu.enqueue_dma source(%arg4 : memref<4096x128xf32, #tpu.memory_space<vmem>>) target(%dma_start3A_497 : memref<4096x128xf32, #tpu.memory_space<hbm>>) target_semaphore(%arg36 : memref<!tpu.dma_semaphore, #tpu.memory_space<semaphore_mem>>)
      } else {
      }
      %ge3A_128 = arith.constant 8 : i32
      %ge3A_129 = arith.cmpi sge, %add3A_122, %ge3A_128 : i32
      %convert_element_type3A_130 = arith.extui %ge3A_129 : i1 to i32
      %cond3A_131 = arith.constant 0 : i32
      %cond3A_132 = arith.cmpi ne, %convert_element_type3A_130, %cond3A_131 : i32
      scf.if %cond3A_132 {
        %sub3A = arith.constant 8 : i32
        %sub3A_413 = arith.subi %add3A_122, %sub3A : i32
        %jit3A = arith.constant 4 : i32
        %div3A = arith.divsi %sub3A_413, %jit3A : i32
        %sign3A = arith.constant 0 : i32
        %sign3A_414 = arith.cmpi sgt, %sub3A_413, %sign3A : i32
        %sign3A_415 = arith.extui %sign3A_414 : i1 to i32
        %sign3A_416 = arith.constant 0 : i32
        %sign3A_417 = arith.cmpi slt, %sub3A_413, %sign3A_416 : i32
        %sign3A_418 = arith.extui %sign3A_417 : i1 to i32
        %sign3A_419 = arith.subi %sign3A_415, %sign3A_418 : i32
        %sign3A_420 = arith.constant 0 : i32
        %sign3A_421 = arith.cmpi sgt, %jit3A, %sign3A_420 : i32
        %sign3A_422 = arith.extui %sign3A_421 : i1 to i32
        %sign3A_423 = arith.constant 0 : i32
        %sign3A_424 = arith.cmpi slt, %jit3A, %sign3A_423 : i32
        %sign3A_425 = arith.extui %sign3A_424 : i1 to i32
        %sign3A_426 = arith.subi %sign3A_422, %sign3A_425 : i32
        %ne3A = arith.cmpi ne, %sign3A_419, %sign3A_426 : i32
        %rem3A = arith.remsi %sub3A_413, %jit3A : i32
        %ne3A_427 = arith.constant 0 : i32
        %ne3A_428 = arith.cmpi ne, %rem3A, %ne3A_427 : i32
        %and3A = arith.andi %ne3A, %ne3A_428 : i1
        %sub3A_429 = arith.constant 1 : i32
        %sub3A_430 = arith.subi %div3A, %sub3A_429 : i32
        %select_n3A = arith.select %and3A, %sub3A_430, %div3A : i32
        %add3A_431 = arith.constant 4 : i32
        %add3A_432 = arith.addi %add3A_431, %select_n3A : i32
        %jit3A_433 = arith.constant 4 : i32
        %eq3A = arith.constant 0 : i32
        %eq3A_434 = arith.cmpi eq, %jit3A_433, %eq3A : i32
        %jit3A_435 = arith.constant 1 : i32
        %select_n3A_436 = arith.select %eq3A_434, %jit3A_435, %jit3A_433 : i32
        %rem3A_437 = arith.remsi %sub3A_413, %select_n3A_436 : i32
        %ne3A_438 = arith.constant 0 : i32
        %ne3A_439 = arith.cmpi ne, %rem3A_437, %ne3A_438 : i32
        %lt3A_440 = arith.constant 0 : i32
        %lt3A_441 = arith.cmpi slt, %rem3A_437, %lt3A_440 : i32
        %lt3A_442 = arith.constant 0 : i32
        %lt3A_443 = arith.cmpi slt, %select_n3A_436, %lt3A_442 : i32
        %ne3A_444 = arith.xori %lt3A_441, %lt3A_443 : i1
        %and3A_445 = arith.andi %ne3A_444, %ne3A_439 : i1
        %add3A_446 = arith.addi %rem3A_437, %select_n3A_436 : i32
        %select_n3A_447 = arith.select %and3A_445, %add3A_446, %rem3A_437 : i32
        %mul3A_448 = arith.constant 4096 : i32
        %mul3A_449 = arith.muli %select_n3A_447, %mul3A_448 : i32
        %dma_wait3A_450 = arith.constant 0 : i32
        %dma_wait3A_451 = tpu.memref_slice %arg1[%add3A_432, %mul3A_449, %dma_wait3A_450] : memref<32x16384x128xf32, #tpu.memory_space<hbm>> -> memref<1x4096x128xf32, #tpu.memory_space<hbm>>
        %dma_wait3A_452 = tpu.memref_squeeze %dma_wait3A_451 : memref<1x4096x128xf32, #tpu.memory_space<hbm>> -> memref<4096x128xf32, #tpu.memory_space<hbm>>
        tpu.wait_dma2 semaphore(%arg44 : memref<!tpu.dma_semaphore, #tpu.memory_space<semaphore_mem>>) src(%arg12 : memref<4096x128xf32, #tpu.memory_space<vmem>>) dst(%dma_wait3A_452 : memref<4096x128xf32, #tpu.memory_space<hbm>>)
      } else {
      }
      %add3A_133 = arith.constant 8 : i32
      %add3A_134 = arith.addi %add3A_122, %add3A_133 : i32
      %lt3A_135 = arith.constant 112 : i32
      %lt3A_136 = arith.cmpi slt, %add3A_134, %lt3A_135 : i32
      %convert_element_type3A_137 = arith.extui %lt3A_136 : i1 to i32
      %cond3A_138 = arith.constant 0 : i32
      %cond3A_139 = arith.cmpi ne, %convert_element_type3A_137, %cond3A_138 : i32
      scf.if %cond3A_139 {
        %add3A_413 = arith.constant 8 : i32
        %add3A_414 = arith.addi %add3A_122, %add3A_413 : i32
        %jit3A = arith.constant 4 : i32
        %div3A = arith.divsi %add3A_414, %jit3A : i32
        %sign3A = arith.constant 0 : i32
        %sign3A_415 = arith.cmpi sgt, %add3A_414, %sign3A : i32
        %sign3A_416 = arith.extui %sign3A_415 : i1 to i32
        %sign3A_417 = arith.constant 0 : i32
        %sign3A_418 = arith.cmpi slt, %add3A_414, %sign3A_417 : i32
        %sign3A_419 = arith.extui %sign3A_418 : i1 to i32
        %sign3A_420 = arith.subi %sign3A_416, %sign3A_419 : i32
        %sign3A_421 = arith.constant 0 : i32
        %sign3A_422 = arith.cmpi sgt, %jit3A, %sign3A_421 : i32
        %sign3A_423 = arith.extui %sign3A_422 : i1 to i32
        %sign3A_424 = arith.constant 0 : i32
        %sign3A_425 = arith.cmpi slt, %jit3A, %sign3A_424 : i32
        %sign3A_426 = arith.extui %sign3A_425 : i1 to i32
        %sign3A_427 = arith.subi %sign3A_423, %sign3A_426 : i32
        %ne3A = arith.cmpi ne, %sign3A_420, %sign3A_427 : i32
        %rem3A = arith.remsi %add3A_414, %jit3A : i32
        %ne3A_428 = arith.constant 0 : i32
        %ne3A_429 = arith.cmpi ne, %rem3A, %ne3A_428 : i32
        %and3A = arith.andi %ne3A, %ne3A_429 : i1
        %sub3A = arith.constant 1 : i32
        %sub3A_430 = arith.subi %div3A, %sub3A : i32
        %select_n3A = arith.select %and3A, %sub3A_430, %div3A : i32
        %add3A_431 = arith.constant 4 : i32
        %add3A_432 = arith.addi %add3A_431, %select_n3A : i32
        %jit3A_433 = arith.constant 4 : i32
        %eq3A = arith.constant 0 : i32
        %eq3A_434 = arith.cmpi eq, %jit3A_433, %eq3A : i32
        %jit3A_435 = arith.constant 1 : i32
        %select_n3A_436 = arith.select %eq3A_434, %jit3A_435, %jit3A_433 : i32
        %rem3A_437 = arith.remsi %add3A_414, %select_n3A_436 : i32
        %ne3A_438 = arith.constant 0 : i32
        %ne3A_439 = arith.cmpi ne, %rem3A_437, %ne3A_438 : i32
        %lt3A_440 = arith.constant 0 : i32
        %lt3A_441 = arith.cmpi slt, %rem3A_437, %lt3A_440 : i32
        %lt3A_442 = arith.constant 0 : i32
        %lt3A_443 = arith.cmpi slt, %select_n3A_436, %lt3A_442 : i32
        %ne3A_444 = arith.xori %lt3A_441, %lt3A_443 : i1
        %and3A_445 = arith.andi %ne3A_444, %ne3A_439 : i1
        %add3A_446 = arith.addi %rem3A_437, %select_n3A_436 : i32
        %select_n3A_447 = arith.select %and3A_445, %add3A_446, %rem3A_437 : i32
        %mul3A_448 = arith.constant 4096 : i32
        %mul3A_449 = arith.muli %select_n3A_447, %mul3A_448 : i32
        %dma_start3A_450 = arith.constant 0 : i32
        %dma_start3A_451 = tpu.memref_slice %arg0[%add3A_432, %mul3A_449, %dma_start3A_450] : memref<32x16384x128xf32, #tpu.memory_space<hbm>> -> memref<1x4096x128xf32, #tpu.memory_space<hbm>>
        %dma_start3A_452 = tpu.memref_squeeze %dma_start3A_451 : memref<1x4096x128xf32, #tpu.memory_space<hbm>> -> memref<4096x128xf32, #tpu.memory_space<hbm>>
        tpu.enqueue_dma source(%dma_start3A_452 : memref<4096x128xf32, #tpu.memory_space<hbm>>) target(%arg12 : memref<4096x128xf32, #tpu.memory_space<vmem>>) target_semaphore(%arg28 : memref<!tpu.dma_semaphore, #tpu.memory_space<semaphore_mem>>)
      } else {
      }
      %mul3A_140 = arith.constant 16 : i32
      %mul3A_141 = arith.muli %scan3A_82, %mul3A_140 : i32
      %add3A_142 = arith.constant 3 : i32
      %add3A_143 = arith.addi %mul3A_141, %add3A_142 : i32
      %lt3A_144 = arith.constant 112 : i32
      %lt3A_145 = arith.cmpi slt, %add3A_143, %lt3A_144 : i32
      %convert_element_type3A_146 = arith.extui %lt3A_145 : i1 to i32
      %cond3A_147 = arith.constant 0 : i32
      %cond3A_148 = arith.cmpi ne, %convert_element_type3A_146, %cond3A_147 : i32
      scf.if %cond3A_148 {
        %jit3A = arith.constant 4 : i32
        %div3A = arith.divsi %add3A_143, %jit3A : i32
        %sign3A = arith.constant 0 : i32
        %sign3A_413 = arith.cmpi sgt, %add3A_143, %sign3A : i32
        %sign3A_414 = arith.extui %sign3A_413 : i1 to i32
        %sign3A_415 = arith.constant 0 : i32
        %sign3A_416 = arith.cmpi slt, %add3A_143, %sign3A_415 : i32
        %sign3A_417 = arith.extui %sign3A_416 : i1 to i32
        %sign3A_418 = arith.subi %sign3A_414, %sign3A_417 : i32
        %sign3A_419 = arith.constant 0 : i32
        %sign3A_420 = arith.cmpi sgt, %jit3A, %sign3A_419 : i32
        %sign3A_421 = arith.extui %sign3A_420 : i1 to i32
        %sign3A_422 = arith.constant 0 : i32
        %sign3A_423 = arith.cmpi slt, %jit3A, %sign3A_422 : i32
        %sign3A_424 = arith.extui %sign3A_423 : i1 to i32
        %sign3A_425 = arith.subi %sign3A_421, %sign3A_424 : i32
        %ne3A = arith.cmpi ne, %sign3A_418, %sign3A_425 : i32
        %rem3A = arith.remsi %add3A_143, %jit3A : i32
        %ne3A_426 = arith.constant 0 : i32
        %ne3A_427 = arith.cmpi ne, %rem3A, %ne3A_426 : i32
        %and3A = arith.andi %ne3A, %ne3A_427 : i1
        %sub3A = arith.constant 1 : i32
        %sub3A_428 = arith.subi %div3A, %sub3A : i32
        %select_n3A = arith.select %and3A, %sub3A_428, %div3A : i32
        %add3A_429 = arith.constant 4 : i32
        %add3A_430 = arith.addi %add3A_429, %select_n3A : i32
        %jit3A_431 = arith.constant 4 : i32
        %eq3A = arith.constant 0 : i32
        %eq3A_432 = arith.cmpi eq, %jit3A_431, %eq3A : i32
        %jit3A_433 = arith.constant 1 : i32
        %select_n3A_434 = arith.select %eq3A_432, %jit3A_433, %jit3A_431 : i32
        %rem3A_435 = arith.remsi %add3A_143, %select_n3A_434 : i32
        %ne3A_436 = arith.constant 0 : i32
        %ne3A_437 = arith.cmpi ne, %rem3A_435, %ne3A_436 : i32
        %lt3A_438 = arith.constant 0 : i32
        %lt3A_439 = arith.cmpi slt, %rem3A_435, %lt3A_438 : i32
        %lt3A_440 = arith.constant 0 : i32
        %lt3A_441 = arith.cmpi slt, %select_n3A_434, %lt3A_440 : i32
        %ne3A_442 = arith.xori %lt3A_439, %lt3A_441 : i1
        %and3A_443 = arith.andi %ne3A_442, %ne3A_437 : i1
        %add3A_444 = arith.addi %rem3A_435, %select_n3A_434 : i32
        %select_n3A_445 = arith.select %and3A_443, %add3A_444, %rem3A_435 : i32
        %mul3A_446 = arith.constant 4096 : i32
        %mul3A_447 = arith.muli %select_n3A_445, %mul3A_446 : i32
        %dma_wait3A_448 = arith.constant 0 : i32
        %dma_wait3A_449 = tpu.memref_slice %arg0[%add3A_430, %mul3A_447, %dma_wait3A_448] : memref<32x16384x128xf32, #tpu.memory_space<hbm>> -> memref<1x4096x128xf32, #tpu.memory_space<hbm>>
        %dma_wait3A_450 = tpu.memref_squeeze %dma_wait3A_449 : memref<1x4096x128xf32, #tpu.memory_space<hbm>> -> memref<4096x128xf32, #tpu.memory_space<hbm>>
        tpu.wait_dma2 semaphore(%arg21 : memref<!tpu.dma_semaphore, #tpu.memory_space<semaphore_mem>>) src(%dma_wait3A_450 : memref<4096x128xf32, #tpu.memory_space<hbm>>) dst(%arg5 : memref<4096x128xf32, #tpu.memory_space<vmem>>)
        %jit3A_451 = arith.constant 4 : i32
        %div3A_452 = arith.divsi %add3A_143, %jit3A_451 : i32
        %sign3A_453 = arith.constant 0 : i32
        %sign3A_454 = arith.cmpi sgt, %add3A_143, %sign3A_453 : i32
        %sign3A_455 = arith.extui %sign3A_454 : i1 to i32
        %sign3A_456 = arith.constant 0 : i32
        %sign3A_457 = arith.cmpi slt, %add3A_143, %sign3A_456 : i32
        %sign3A_458 = arith.extui %sign3A_457 : i1 to i32
        %sign3A_459 = arith.subi %sign3A_455, %sign3A_458 : i32
        %sign3A_460 = arith.constant 0 : i32
        %sign3A_461 = arith.cmpi sgt, %jit3A_451, %sign3A_460 : i32
        %sign3A_462 = arith.extui %sign3A_461 : i1 to i32
        %sign3A_463 = arith.constant 0 : i32
        %sign3A_464 = arith.cmpi slt, %jit3A_451, %sign3A_463 : i32
        %sign3A_465 = arith.extui %sign3A_464 : i1 to i32
        %sign3A_466 = arith.subi %sign3A_462, %sign3A_465 : i32
        %ne3A_467 = arith.cmpi ne, %sign3A_459, %sign3A_466 : i32
        %rem3A_468 = arith.remsi %add3A_143, %jit3A_451 : i32
        %ne3A_469 = arith.constant 0 : i32
        %ne3A_470 = arith.cmpi ne, %rem3A_468, %ne3A_469 : i32
        %and3A_471 = arith.andi %ne3A_467, %ne3A_470 : i1
        %sub3A_472 = arith.constant 1 : i32
        %sub3A_473 = arith.subi %div3A_452, %sub3A_472 : i32
        %select_n3A_474 = arith.select %and3A_471, %sub3A_473, %div3A_452 : i32
        %add3A_475 = arith.constant 4 : i32
        %add3A_476 = arith.addi %add3A_475, %select_n3A_474 : i32
        %jit3A_477 = arith.constant 4 : i32
        %eq3A_478 = arith.constant 0 : i32
        %eq3A_479 = arith.cmpi eq, %jit3A_477, %eq3A_478 : i32
        %jit3A_480 = arith.constant 1 : i32
        %select_n3A_481 = arith.select %eq3A_479, %jit3A_480, %jit3A_477 : i32
        %rem3A_482 = arith.remsi %add3A_143, %select_n3A_481 : i32
        %ne3A_483 = arith.constant 0 : i32
        %ne3A_484 = arith.cmpi ne, %rem3A_482, %ne3A_483 : i32
        %lt3A_485 = arith.constant 0 : i32
        %lt3A_486 = arith.cmpi slt, %rem3A_482, %lt3A_485 : i32
        %lt3A_487 = arith.constant 0 : i32
        %lt3A_488 = arith.cmpi slt, %select_n3A_481, %lt3A_487 : i32
        %ne3A_489 = arith.xori %lt3A_486, %lt3A_488 : i1
        %and3A_490 = arith.andi %ne3A_489, %ne3A_484 : i1
        %add3A_491 = arith.addi %rem3A_482, %select_n3A_481 : i32
        %select_n3A_492 = arith.select %and3A_490, %add3A_491, %rem3A_482 : i32
        %mul3A_493 = arith.constant 4096 : i32
        %mul3A_494 = arith.muli %select_n3A_492, %mul3A_493 : i32
        %dma_start3A_495 = arith.constant 0 : i32
        %dma_start3A_496 = tpu.memref_slice %arg1[%add3A_476, %mul3A_494, %dma_start3A_495] : memref<32x16384x128xf32, #tpu.memory_space<hbm>> -> memref<1x4096x128xf32, #tpu.memory_space<hbm>>
        %dma_start3A_497 = tpu.memref_squeeze %dma_start3A_496 : memref<1x4096x128xf32, #tpu.memory_space<hbm>> -> memref<4096x128xf32, #tpu.memory_space<hbm>>
        tpu.enqueue_dma source(%arg5 : memref<4096x128xf32, #tpu.memory_space<vmem>>) target(%dma_start3A_497 : memref<4096x128xf32, #tpu.memory_space<hbm>>) target_semaphore(%arg37 : memref<!tpu.dma_semaphore, #tpu.memory_space<semaphore_mem>>)
      } else {
      }
      %ge3A_149 = arith.constant 8 : i32
      %ge3A_150 = arith.cmpi sge, %add3A_143, %ge3A_149 : i32
      %convert_element_type3A_151 = arith.extui %ge3A_150 : i1 to i32
      %cond3A_152 = arith.constant 0 : i32
      %cond3A_153 = arith.cmpi ne, %convert_element_type3A_151, %cond3A_152 : i32
      scf.if %cond3A_153 {
        %sub3A = arith.constant 8 : i32
        %sub3A_413 = arith.subi %add3A_143, %sub3A : i32
        %jit3A = arith.constant 4 : i32
        %div3A = arith.divsi %sub3A_413, %jit3A : i32
        %sign3A = arith.constant 0 : i32
        %sign3A_414 = arith.cmpi sgt, %sub3A_413, %sign3A : i32
        %sign3A_415 = arith.extui %sign3A_414 : i1 to i32
        %sign3A_416 = arith.constant 0 : i32
        %sign3A_417 = arith.cmpi slt, %sub3A_413, %sign3A_416 : i32
        %sign3A_418 = arith.extui %sign3A_417 : i1 to i32
        %sign3A_419 = arith.subi %sign3A_415, %sign3A_418 : i32
        %sign3A_420 = arith.constant 0 : i32
        %sign3A_421 = arith.cmpi sgt, %jit3A, %sign3A_420 : i32
        %sign3A_422 = arith.extui %sign3A_421 : i1 to i32
        %sign3A_423 = arith.constant 0 : i32
        %sign3A_424 = arith.cmpi slt, %jit3A, %sign3A_423 : i32
        %sign3A_425 = arith.extui %sign3A_424 : i1 to i32
        %sign3A_426 = arith.subi %sign3A_422, %sign3A_425 : i32
        %ne3A = arith.cmpi ne, %sign3A_419, %sign3A_426 : i32
        %rem3A = arith.remsi %sub3A_413, %jit3A : i32
        %ne3A_427 = arith.constant 0 : i32
        %ne3A_428 = arith.cmpi ne, %rem3A, %ne3A_427 : i32
        %and3A = arith.andi %ne3A, %ne3A_428 : i1
        %sub3A_429 = arith.constant 1 : i32
        %sub3A_430 = arith.subi %div3A, %sub3A_429 : i32
        %select_n3A = arith.select %and3A, %sub3A_430, %div3A : i32
        %add3A_431 = arith.constant 4 : i32
        %add3A_432 = arith.addi %add3A_431, %select_n3A : i32
        %jit3A_433 = arith.constant 4 : i32
        %eq3A = arith.constant 0 : i32
        %eq3A_434 = arith.cmpi eq, %jit3A_433, %eq3A : i32
        %jit3A_435 = arith.constant 1 : i32
        %select_n3A_436 = arith.select %eq3A_434, %jit3A_435, %jit3A_433 : i32
        %rem3A_437 = arith.remsi %sub3A_413, %select_n3A_436 : i32
        %ne3A_438 = arith.constant 0 : i32
        %ne3A_439 = arith.cmpi ne, %rem3A_437, %ne3A_438 : i32
        %lt3A_440 = arith.constant 0 : i32
        %lt3A_441 = arith.cmpi slt, %rem3A_437, %lt3A_440 : i32
        %lt3A_442 = arith.constant 0 : i32
        %lt3A_443 = arith.cmpi slt, %select_n3A_436, %lt3A_442 : i32
        %ne3A_444 = arith.xori %lt3A_441, %lt3A_443 : i1
        %and3A_445 = arith.andi %ne3A_444, %ne3A_439 : i1
        %add3A_446 = arith.addi %rem3A_437, %select_n3A_436 : i32
        %select_n3A_447 = arith.select %and3A_445, %add3A_446, %rem3A_437 : i32
        %mul3A_448 = arith.constant 4096 : i32
        %mul3A_449 = arith.muli %select_n3A_447, %mul3A_448 : i32
        %dma_wait3A_450 = arith.constant 0 : i32
        %dma_wait3A_451 = tpu.memref_slice %arg1[%add3A_432, %mul3A_449, %dma_wait3A_450] : memref<32x16384x128xf32, #tpu.memory_space<hbm>> -> memref<1x4096x128xf32, #tpu.memory_space<hbm>>
        %dma_wait3A_452 = tpu.memref_squeeze %dma_wait3A_451 : memref<1x4096x128xf32, #tpu.memory_space<hbm>> -> memref<4096x128xf32, #tpu.memory_space<hbm>>
        tpu.wait_dma2 semaphore(%arg45 : memref<!tpu.dma_semaphore, #tpu.memory_space<semaphore_mem>>) src(%arg13 : memref<4096x128xf32, #tpu.memory_space<vmem>>) dst(%dma_wait3A_452 : memref<4096x128xf32, #tpu.memory_space<hbm>>)
      } else {
      }
      %add3A_154 = arith.constant 8 : i32
      %add3A_155 = arith.addi %add3A_143, %add3A_154 : i32
      %lt3A_156 = arith.constant 112 : i32
      %lt3A_157 = arith.cmpi slt, %add3A_155, %lt3A_156 : i32
      %convert_element_type3A_158 = arith.extui %lt3A_157 : i1 to i32
      %cond3A_159 = arith.constant 0 : i32
      %cond3A_160 = arith.cmpi ne, %convert_element_type3A_158, %cond3A_159 : i32
      scf.if %cond3A_160 {
        %add3A_413 = arith.constant 8 : i32
        %add3A_414 = arith.addi %add3A_143, %add3A_413 : i32
        %jit3A = arith.constant 4 : i32
        %div3A = arith.divsi %add3A_414, %jit3A : i32
        %sign3A = arith.constant 0 : i32
        %sign3A_415 = arith.cmpi sgt, %add3A_414, %sign3A : i32
        %sign3A_416 = arith.extui %sign3A_415 : i1 to i32
        %sign3A_417 = arith.constant 0 : i32
        %sign3A_418 = arith.cmpi slt, %add3A_414, %sign3A_417 : i32
        %sign3A_419 = arith.extui %sign3A_418 : i1 to i32
        %sign3A_420 = arith.subi %sign3A_416, %sign3A_419 : i32
        %sign3A_421 = arith.constant 0 : i32
        %sign3A_422 = arith.cmpi sgt, %jit3A, %sign3A_421 : i32
        %sign3A_423 = arith.extui %sign3A_422 : i1 to i32
        %sign3A_424 = arith.constant 0 : i32
        %sign3A_425 = arith.cmpi slt, %jit3A, %sign3A_424 : i32
        %sign3A_426 = arith.extui %sign3A_425 : i1 to i32
        %sign3A_427 = arith.subi %sign3A_423, %sign3A_426 : i32
        %ne3A = arith.cmpi ne, %sign3A_420, %sign3A_427 : i32
        %rem3A = arith.remsi %add3A_414, %jit3A : i32
        %ne3A_428 = arith.constant 0 : i32
        %ne3A_429 = arith.cmpi ne, %rem3A, %ne3A_428 : i32
        %and3A = arith.andi %ne3A, %ne3A_429 : i1
        %sub3A = arith.constant 1 : i32
        %sub3A_430 = arith.subi %div3A, %sub3A : i32
        %select_n3A = arith.select %and3A, %sub3A_430, %div3A : i32
        %add3A_431 = arith.constant 4 : i32
        %add3A_432 = arith.addi %add3A_431, %select_n3A : i32
        %jit3A_433 = arith.constant 4 : i32
        %eq3A = arith.constant 0 : i32
        %eq3A_434 = arith.cmpi eq, %jit3A_433, %eq3A : i32
        %jit3A_435 = arith.constant 1 : i32
        %select_n3A_436 = arith.select %eq3A_434, %jit3A_435, %jit3A_433 : i32
        %rem3A_437 = arith.remsi %add3A_414, %select_n3A_436 : i32
        %ne3A_438 = arith.constant 0 : i32
        %ne3A_439 = arith.cmpi ne, %rem3A_437, %ne3A_438 : i32
        %lt3A_440 = arith.constant 0 : i32
        %lt3A_441 = arith.cmpi slt, %rem3A_437, %lt3A_440 : i32
        %lt3A_442 = arith.constant 0 : i32
        %lt3A_443 = arith.cmpi slt, %select_n3A_436, %lt3A_442 : i32
        %ne3A_444 = arith.xori %lt3A_441, %lt3A_443 : i1
        %and3A_445 = arith.andi %ne3A_444, %ne3A_439 : i1
        %add3A_446 = arith.addi %rem3A_437, %select_n3A_436 : i32
        %select_n3A_447 = arith.select %and3A_445, %add3A_446, %rem3A_437 : i32
        %mul3A_448 = arith.constant 4096 : i32
        %mul3A_449 = arith.muli %select_n3A_447, %mul3A_448 : i32
        %dma_start3A_450 = arith.constant 0 : i32
        %dma_start3A_451 = tpu.memref_slice %arg0[%add3A_432, %mul3A_449, %dma_start3A_450] : memref<32x16384x128xf32, #tpu.memory_space<hbm>> -> memref<1x4096x128xf32, #tpu.memory_space<hbm>>
        %dma_start3A_452 = tpu.memref_squeeze %dma_start3A_451 : memref<1x4096x128xf32, #tpu.memory_space<hbm>> -> memref<4096x128xf32, #tpu.memory_space<hbm>>
        tpu.enqueue_dma source(%dma_start3A_452 : memref<4096x128xf32, #tpu.memory_space<hbm>>) target(%arg13 : memref<4096x128xf32, #tpu.memory_space<vmem>>) target_semaphore(%arg29 : memref<!tpu.dma_semaphore, #tpu.memory_space<semaphore_mem>>)
      } else {
      }
      %mul3A_161 = arith.constant 16 : i32
      %mul3A_162 = arith.muli %scan3A_82, %mul3A_161 : i32
      %add3A_163 = arith.constant 4 : i32
      %add3A_164 = arith.addi %mul3A_162, %add3A_163 : i32
      %lt3A_165 = arith.constant 112 : i32
      %lt3A_166 = arith.cmpi slt, %add3A_164, %lt3A_165 : i32
      %convert_element_type3A_167 = arith.extui %lt3A_166 : i1 to i32
      %cond3A_168 = arith.constant 0 : i32
      %cond3A_169 = arith.cmpi ne, %convert_element_type3A_167, %cond3A_168 : i32
      scf.if %cond3A_169 {
        %jit3A = arith.constant 4 : i32
        %div3A = arith.divsi %add3A_164, %jit3A : i32
        %sign3A = arith.constant 0 : i32
        %sign3A_413 = arith.cmpi sgt, %add3A_164, %sign3A : i32
        %sign3A_414 = arith.extui %sign3A_413 : i1 to i32
        %sign3A_415 = arith.constant 0 : i32
        %sign3A_416 = arith.cmpi slt, %add3A_164, %sign3A_415 : i32
        %sign3A_417 = arith.extui %sign3A_416 : i1 to i32
        %sign3A_418 = arith.subi %sign3A_414, %sign3A_417 : i32
        %sign3A_419 = arith.constant 0 : i32
        %sign3A_420 = arith.cmpi sgt, %jit3A, %sign3A_419 : i32
        %sign3A_421 = arith.extui %sign3A_420 : i1 to i32
        %sign3A_422 = arith.constant 0 : i32
        %sign3A_423 = arith.cmpi slt, %jit3A, %sign3A_422 : i32
        %sign3A_424 = arith.extui %sign3A_423 : i1 to i32
        %sign3A_425 = arith.subi %sign3A_421, %sign3A_424 : i32
        %ne3A = arith.cmpi ne, %sign3A_418, %sign3A_425 : i32
        %rem3A = arith.remsi %add3A_164, %jit3A : i32
        %ne3A_426 = arith.constant 0 : i32
        %ne3A_427 = arith.cmpi ne, %rem3A, %ne3A_426 : i32
        %and3A = arith.andi %ne3A, %ne3A_427 : i1
        %sub3A = arith.constant 1 : i32
        %sub3A_428 = arith.subi %div3A, %sub3A : i32
        %select_n3A = arith.select %and3A, %sub3A_428, %div3A : i32
        %add3A_429 = arith.constant 4 : i32
        %add3A_430 = arith.addi %add3A_429, %select_n3A : i32
        %jit3A_431 = arith.constant 4 : i32
        %eq3A = arith.constant 0 : i32
        %eq3A_432 = arith.cmpi eq, %jit3A_431, %eq3A : i32
        %jit3A_433 = arith.constant 1 : i32
        %select_n3A_434 = arith.select %eq3A_432, %jit3A_433, %jit3A_431 : i32
        %rem3A_435 = arith.remsi %add3A_164, %select_n3A_434 : i32
        %ne3A_436 = arith.constant 0 : i32
        %ne3A_437 = arith.cmpi ne, %rem3A_435, %ne3A_436 : i32
        %lt3A_438 = arith.constant 0 : i32
        %lt3A_439 = arith.cmpi slt, %rem3A_435, %lt3A_438 : i32
        %lt3A_440 = arith.constant 0 : i32
        %lt3A_441 = arith.cmpi slt, %select_n3A_434, %lt3A_440 : i32
        %ne3A_442 = arith.xori %lt3A_439, %lt3A_441 : i1
        %and3A_443 = arith.andi %ne3A_442, %ne3A_437 : i1
        %add3A_444 = arith.addi %rem3A_435, %select_n3A_434 : i32
        %select_n3A_445 = arith.select %and3A_443, %add3A_444, %rem3A_435 : i32
        %mul3A_446 = arith.constant 4096 : i32
        %mul3A_447 = arith.muli %select_n3A_445, %mul3A_446 : i32
        %dma_wait3A_448 = arith.constant 0 : i32
        %dma_wait3A_449 = tpu.memref_slice %arg0[%add3A_430, %mul3A_447, %dma_wait3A_448] : memref<32x16384x128xf32, #tpu.memory_space<hbm>> -> memref<1x4096x128xf32, #tpu.memory_space<hbm>>
        %dma_wait3A_450 = tpu.memref_squeeze %dma_wait3A_449 : memref<1x4096x128xf32, #tpu.memory_space<hbm>> -> memref<4096x128xf32, #tpu.memory_space<hbm>>
        tpu.wait_dma2 semaphore(%arg22 : memref<!tpu.dma_semaphore, #tpu.memory_space<semaphore_mem>>) src(%dma_wait3A_450 : memref<4096x128xf32, #tpu.memory_space<hbm>>) dst(%arg6 : memref<4096x128xf32, #tpu.memory_space<vmem>>)
        %jit3A_451 = arith.constant 4 : i32
        %div3A_452 = arith.divsi %add3A_164, %jit3A_451 : i32
        %sign3A_453 = arith.constant 0 : i32
        %sign3A_454 = arith.cmpi sgt, %add3A_164, %sign3A_453 : i32
        %sign3A_455 = arith.extui %sign3A_454 : i1 to i32
        %sign3A_456 = arith.constant 0 : i32
        %sign3A_457 = arith.cmpi slt, %add3A_164, %sign3A_456 : i32
        %sign3A_458 = arith.extui %sign3A_457 : i1 to i32
        %sign3A_459 = arith.subi %sign3A_455, %sign3A_458 : i32
        %sign3A_460 = arith.constant 0 : i32
        %sign3A_461 = arith.cmpi sgt, %jit3A_451, %sign3A_460 : i32
        %sign3A_462 = arith.extui %sign3A_461 : i1 to i32
        %sign3A_463 = arith.constant 0 : i32
        %sign3A_464 = arith.cmpi slt, %jit3A_451, %sign3A_463 : i32
        %sign3A_465 = arith.extui %sign3A_464 : i1 to i32
        %sign3A_466 = arith.subi %sign3A_462, %sign3A_465 : i32
        %ne3A_467 = arith.cmpi ne, %sign3A_459, %sign3A_466 : i32
        %rem3A_468 = arith.remsi %add3A_164, %jit3A_451 : i32
        %ne3A_469 = arith.constant 0 : i32
        %ne3A_470 = arith.cmpi ne, %rem3A_468, %ne3A_469 : i32
        %and3A_471 = arith.andi %ne3A_467, %ne3A_470 : i1
        %sub3A_472 = arith.constant 1 : i32
        %sub3A_473 = arith.subi %div3A_452, %sub3A_472 : i32
        %select_n3A_474 = arith.select %and3A_471, %sub3A_473, %div3A_452 : i32
        %add3A_475 = arith.constant 4 : i32
        %add3A_476 = arith.addi %add3A_475, %select_n3A_474 : i32
        %jit3A_477 = arith.constant 4 : i32
        %eq3A_478 = arith.constant 0 : i32
        %eq3A_479 = arith.cmpi eq, %jit3A_477, %eq3A_478 : i32
        %jit3A_480 = arith.constant 1 : i32
        %select_n3A_481 = arith.select %eq3A_479, %jit3A_480, %jit3A_477 : i32
        %rem3A_482 = arith.remsi %add3A_164, %select_n3A_481 : i32
        %ne3A_483 = arith.constant 0 : i32
        %ne3A_484 = arith.cmpi ne, %rem3A_482, %ne3A_483 : i32
        %lt3A_485 = arith.constant 0 : i32
        %lt3A_486 = arith.cmpi slt, %rem3A_482, %lt3A_485 : i32
        %lt3A_487 = arith.constant 0 : i32
        %lt3A_488 = arith.cmpi slt, %select_n3A_481, %lt3A_487 : i32
        %ne3A_489 = arith.xori %lt3A_486, %lt3A_488 : i1
        %and3A_490 = arith.andi %ne3A_489, %ne3A_484 : i1
        %add3A_491 = arith.addi %rem3A_482, %select_n3A_481 : i32
        %select_n3A_492 = arith.select %and3A_490, %add3A_491, %rem3A_482 : i32
        %mul3A_493 = arith.constant 4096 : i32
        %mul3A_494 = arith.muli %select_n3A_492, %mul3A_493 : i32
        %dma_start3A_495 = arith.constant 0 : i32
        %dma_start3A_496 = tpu.memref_slice %arg1[%add3A_476, %mul3A_494, %dma_start3A_495] : memref<32x16384x128xf32, #tpu.memory_space<hbm>> -> memref<1x4096x128xf32, #tpu.memory_space<hbm>>
        %dma_start3A_497 = tpu.memref_squeeze %dma_start3A_496 : memref<1x4096x128xf32, #tpu.memory_space<hbm>> -> memref<4096x128xf32, #tpu.memory_space<hbm>>
        tpu.enqueue_dma source(%arg6 : memref<4096x128xf32, #tpu.memory_space<vmem>>) target(%dma_start3A_497 : memref<4096x128xf32, #tpu.memory_space<hbm>>) target_semaphore(%arg38 : memref<!tpu.dma_semaphore, #tpu.memory_space<semaphore_mem>>)
      } else {
      }
      %ge3A_170 = arith.constant 8 : i32
      %ge3A_171 = arith.cmpi sge, %add3A_164, %ge3A_170 : i32
      %convert_element_type3A_172 = arith.extui %ge3A_171 : i1 to i32
      %cond3A_173 = arith.constant 0 : i32
      %cond3A_174 = arith.cmpi ne, %convert_element_type3A_172, %cond3A_173 : i32
      scf.if %cond3A_174 {
        %sub3A = arith.constant 8 : i32
        %sub3A_413 = arith.subi %add3A_164, %sub3A : i32
        %jit3A = arith.constant 4 : i32
        %div3A = arith.divsi %sub3A_413, %jit3A : i32
        %sign3A = arith.constant 0 : i32
        %sign3A_414 = arith.cmpi sgt, %sub3A_413, %sign3A : i32
        %sign3A_415 = arith.extui %sign3A_414 : i1 to i32
        %sign3A_416 = arith.constant 0 : i32
        %sign3A_417 = arith.cmpi slt, %sub3A_413, %sign3A_416 : i32
        %sign3A_418 = arith.extui %sign3A_417 : i1 to i32
        %sign3A_419 = arith.subi %sign3A_415, %sign3A_418 : i32
        %sign3A_420 = arith.constant 0 : i32
        %sign3A_421 = arith.cmpi sgt, %jit3A, %sign3A_420 : i32
        %sign3A_422 = arith.extui %sign3A_421 : i1 to i32
        %sign3A_423 = arith.constant 0 : i32
        %sign3A_424 = arith.cmpi slt, %jit3A, %sign3A_423 : i32
        %sign3A_425 = arith.extui %sign3A_424 : i1 to i32
        %sign3A_426 = arith.subi %sign3A_422, %sign3A_425 : i32
        %ne3A = arith.cmpi ne, %sign3A_419, %sign3A_426 : i32
        %rem3A = arith.remsi %sub3A_413, %jit3A : i32
        %ne3A_427 = arith.constant 0 : i32
        %ne3A_428 = arith.cmpi ne, %rem3A, %ne3A_427 : i32
        %and3A = arith.andi %ne3A, %ne3A_428 : i1
        %sub3A_429 = arith.constant 1 : i32
        %sub3A_430 = arith.subi %div3A, %sub3A_429 : i32
        %select_n3A = arith.select %and3A, %sub3A_430, %div3A : i32
        %add3A_431 = arith.constant 4 : i32
        %add3A_432 = arith.addi %add3A_431, %select_n3A : i32
        %jit3A_433 = arith.constant 4 : i32
        %eq3A = arith.constant 0 : i32
        %eq3A_434 = arith.cmpi eq, %jit3A_433, %eq3A : i32
        %jit3A_435 = arith.constant 1 : i32
        %select_n3A_436 = arith.select %eq3A_434, %jit3A_435, %jit3A_433 : i32
        %rem3A_437 = arith.remsi %sub3A_413, %select_n3A_436 : i32
        %ne3A_438 = arith.constant 0 : i32
        %ne3A_439 = arith.cmpi ne, %rem3A_437, %ne3A_438 : i32
        %lt3A_440 = arith.constant 0 : i32
        %lt3A_441 = arith.cmpi slt, %rem3A_437, %lt3A_440 : i32
        %lt3A_442 = arith.constant 0 : i32
        %lt3A_443 = arith.cmpi slt, %select_n3A_436, %lt3A_442 : i32
        %ne3A_444 = arith.xori %lt3A_441, %lt3A_443 : i1
        %and3A_445 = arith.andi %ne3A_444, %ne3A_439 : i1
        %add3A_446 = arith.addi %rem3A_437, %select_n3A_436 : i32
        %select_n3A_447 = arith.select %and3A_445, %add3A_446, %rem3A_437 : i32
        %mul3A_448 = arith.constant 4096 : i32
        %mul3A_449 = arith.muli %select_n3A_447, %mul3A_448 : i32
        %dma_wait3A_450 = arith.constant 0 : i32
        %dma_wait3A_451 = tpu.memref_slice %arg1[%add3A_432, %mul3A_449, %dma_wait3A_450] : memref<32x16384x128xf32, #tpu.memory_space<hbm>> -> memref<1x4096x128xf32, #tpu.memory_space<hbm>>
        %dma_wait3A_452 = tpu.memref_squeeze %dma_wait3A_451 : memref<1x4096x128xf32, #tpu.memory_space<hbm>> -> memref<4096x128xf32, #tpu.memory_space<hbm>>
        tpu.wait_dma2 semaphore(%arg46 : memref<!tpu.dma_semaphore, #tpu.memory_space<semaphore_mem>>) src(%arg14 : memref<4096x128xf32, #tpu.memory_space<vmem>>) dst(%dma_wait3A_452 : memref<4096x128xf32, #tpu.memory_space<hbm>>)
      } else {
      }
      %add3A_175 = arith.constant 8 : i32
      %add3A_176 = arith.addi %add3A_164, %add3A_175 : i32
      %lt3A_177 = arith.constant 112 : i32
      %lt3A_178 = arith.cmpi slt, %add3A_176, %lt3A_177 : i32
      %convert_element_type3A_179 = arith.extui %lt3A_178 : i1 to i32
      %cond3A_180 = arith.constant 0 : i32
      %cond3A_181 = arith.cmpi ne, %convert_element_type3A_179, %cond3A_180 : i32
      scf.if %cond3A_181 {
        %add3A_413 = arith.constant 8 : i32
        %add3A_414 = arith.addi %add3A_164, %add3A_413 : i32
        %jit3A = arith.constant 4 : i32
        %div3A = arith.divsi %add3A_414, %jit3A : i32
        %sign3A = arith.constant 0 : i32
        %sign3A_415 = arith.cmpi sgt, %add3A_414, %sign3A : i32
        %sign3A_416 = arith.extui %sign3A_415 : i1 to i32
        %sign3A_417 = arith.constant 0 : i32
        %sign3A_418 = arith.cmpi slt, %add3A_414, %sign3A_417 : i32
        %sign3A_419 = arith.extui %sign3A_418 : i1 to i32
        %sign3A_420 = arith.subi %sign3A_416, %sign3A_419 : i32
        %sign3A_421 = arith.constant 0 : i32
        %sign3A_422 = arith.cmpi sgt, %jit3A, %sign3A_421 : i32
        %sign3A_423 = arith.extui %sign3A_422 : i1 to i32
        %sign3A_424 = arith.constant 0 : i32
        %sign3A_425 = arith.cmpi slt, %jit3A, %sign3A_424 : i32
        %sign3A_426 = arith.extui %sign3A_425 : i1 to i32
        %sign3A_427 = arith.subi %sign3A_423, %sign3A_426 : i32
        %ne3A = arith.cmpi ne, %sign3A_420, %sign3A_427 : i32
        %rem3A = arith.remsi %add3A_414, %jit3A : i32
        %ne3A_428 = arith.constant 0 : i32
        %ne3A_429 = arith.cmpi ne, %rem3A, %ne3A_428 : i32
        %and3A = arith.andi %ne3A, %ne3A_429 : i1
        %sub3A = arith.constant 1 : i32
        %sub3A_430 = arith.subi %div3A, %sub3A : i32
        %select_n3A = arith.select %and3A, %sub3A_430, %div3A : i32
        %add3A_431 = arith.constant 4 : i32
        %add3A_432 = arith.addi %add3A_431, %select_n3A : i32
        %jit3A_433 = arith.constant 4 : i32
        %eq3A = arith.constant 0 : i32
        %eq3A_434 = arith.cmpi eq, %jit3A_433, %eq3A : i32
        %jit3A_435 = arith.constant 1 : i32
        %select_n3A_436 = arith.select %eq3A_434, %jit3A_435, %jit3A_433 : i32
        %rem3A_437 = arith.remsi %add3A_414, %select_n3A_436 : i32
        %ne3A_438 = arith.constant 0 : i32
        %ne3A_439 = arith.cmpi ne, %rem3A_437, %ne3A_438 : i32
        %lt3A_440 = arith.constant 0 : i32
        %lt3A_441 = arith.cmpi slt, %rem3A_437, %lt3A_440 : i32
        %lt3A_442 = arith.constant 0 : i32
        %lt3A_443 = arith.cmpi slt, %select_n3A_436, %lt3A_442 : i32
        %ne3A_444 = arith.xori %lt3A_441, %lt3A_443 : i1
        %and3A_445 = arith.andi %ne3A_444, %ne3A_439 : i1
        %add3A_446 = arith.addi %rem3A_437, %select_n3A_436 : i32
        %select_n3A_447 = arith.select %and3A_445, %add3A_446, %rem3A_437 : i32
        %mul3A_448 = arith.constant 4096 : i32
        %mul3A_449 = arith.muli %select_n3A_447, %mul3A_448 : i32
        %dma_start3A_450 = arith.constant 0 : i32
        %dma_start3A_451 = tpu.memref_slice %arg0[%add3A_432, %mul3A_449, %dma_start3A_450] : memref<32x16384x128xf32, #tpu.memory_space<hbm>> -> memref<1x4096x128xf32, #tpu.memory_space<hbm>>
        %dma_start3A_452 = tpu.memref_squeeze %dma_start3A_451 : memref<1x4096x128xf32, #tpu.memory_space<hbm>> -> memref<4096x128xf32, #tpu.memory_space<hbm>>
        tpu.enqueue_dma source(%dma_start3A_452 : memref<4096x128xf32, #tpu.memory_space<hbm>>) target(%arg14 : memref<4096x128xf32, #tpu.memory_space<vmem>>) target_semaphore(%arg30 : memref<!tpu.dma_semaphore, #tpu.memory_space<semaphore_mem>>)
      } else {
      }
      %mul3A_182 = arith.constant 16 : i32
      %mul3A_183 = arith.muli %scan3A_82, %mul3A_182 : i32
      %add3A_184 = arith.constant 5 : i32
      %add3A_185 = arith.addi %mul3A_183, %add3A_184 : i32
      %lt3A_186 = arith.constant 112 : i32
      %lt3A_187 = arith.cmpi slt, %add3A_185, %lt3A_186 : i32
      %convert_element_type3A_188 = arith.extui %lt3A_187 : i1 to i32
      %cond3A_189 = arith.constant 0 : i32
      %cond3A_190 = arith.cmpi ne, %convert_element_type3A_188, %cond3A_189 : i32
      scf.if %cond3A_190 {
        %jit3A = arith.constant 4 : i32
        %div3A = arith.divsi %add3A_185, %jit3A : i32
        %sign3A = arith.constant 0 : i32
        %sign3A_413 = arith.cmpi sgt, %add3A_185, %sign3A : i32
        %sign3A_414 = arith.extui %sign3A_413 : i1 to i32
        %sign3A_415 = arith.constant 0 : i32
        %sign3A_416 = arith.cmpi slt, %add3A_185, %sign3A_415 : i32
        %sign3A_417 = arith.extui %sign3A_416 : i1 to i32
        %sign3A_418 = arith.subi %sign3A_414, %sign3A_417 : i32
        %sign3A_419 = arith.constant 0 : i32
        %sign3A_420 = arith.cmpi sgt, %jit3A, %sign3A_419 : i32
        %sign3A_421 = arith.extui %sign3A_420 : i1 to i32
        %sign3A_422 = arith.constant 0 : i32
        %sign3A_423 = arith.cmpi slt, %jit3A, %sign3A_422 : i32
        %sign3A_424 = arith.extui %sign3A_423 : i1 to i32
        %sign3A_425 = arith.subi %sign3A_421, %sign3A_424 : i32
        %ne3A = arith.cmpi ne, %sign3A_418, %sign3A_425 : i32
        %rem3A = arith.remsi %add3A_185, %jit3A : i32
        %ne3A_426 = arith.constant 0 : i32
        %ne3A_427 = arith.cmpi ne, %rem3A, %ne3A_426 : i32
        %and3A = arith.andi %ne3A, %ne3A_427 : i1
        %sub3A = arith.constant 1 : i32
        %sub3A_428 = arith.subi %div3A, %sub3A : i32
        %select_n3A = arith.select %and3A, %sub3A_428, %div3A : i32
        %add3A_429 = arith.constant 4 : i32
        %add3A_430 = arith.addi %add3A_429, %select_n3A : i32
        %jit3A_431 = arith.constant 4 : i32
        %eq3A = arith.constant 0 : i32
        %eq3A_432 = arith.cmpi eq, %jit3A_431, %eq3A : i32
        %jit3A_433 = arith.constant 1 : i32
        %select_n3A_434 = arith.select %eq3A_432, %jit3A_433, %jit3A_431 : i32
        %rem3A_435 = arith.remsi %add3A_185, %select_n3A_434 : i32
        %ne3A_436 = arith.constant 0 : i32
        %ne3A_437 = arith.cmpi ne, %rem3A_435, %ne3A_436 : i32
        %lt3A_438 = arith.constant 0 : i32
        %lt3A_439 = arith.cmpi slt, %rem3A_435, %lt3A_438 : i32
        %lt3A_440 = arith.constant 0 : i32
        %lt3A_441 = arith.cmpi slt, %select_n3A_434, %lt3A_440 : i32
        %ne3A_442 = arith.xori %lt3A_439, %lt3A_441 : i1
        %and3A_443 = arith.andi %ne3A_442, %ne3A_437 : i1
        %add3A_444 = arith.addi %rem3A_435, %select_n3A_434 : i32
        %select_n3A_445 = arith.select %and3A_443, %add3A_444, %rem3A_435 : i32
        %mul3A_446 = arith.constant 4096 : i32
        %mul3A_447 = arith.muli %select_n3A_445, %mul3A_446 : i32
        %dma_wait3A_448 = arith.constant 0 : i32
        %dma_wait3A_449 = tpu.memref_slice %arg0[%add3A_430, %mul3A_447, %dma_wait3A_448] : memref<32x16384x128xf32, #tpu.memory_space<hbm>> -> memref<1x4096x128xf32, #tpu.memory_space<hbm>>
        %dma_wait3A_450 = tpu.memref_squeeze %dma_wait3A_449 : memref<1x4096x128xf32, #tpu.memory_space<hbm>> -> memref<4096x128xf32, #tpu.memory_space<hbm>>
        tpu.wait_dma2 semaphore(%arg23 : memref<!tpu.dma_semaphore, #tpu.memory_space<semaphore_mem>>) src(%dma_wait3A_450 : memref<4096x128xf32, #tpu.memory_space<hbm>>) dst(%arg7 : memref<4096x128xf32, #tpu.memory_space<vmem>>)
        %jit3A_451 = arith.constant 4 : i32
        %div3A_452 = arith.divsi %add3A_185, %jit3A_451 : i32
        %sign3A_453 = arith.constant 0 : i32
        %sign3A_454 = arith.cmpi sgt, %add3A_185, %sign3A_453 : i32
        %sign3A_455 = arith.extui %sign3A_454 : i1 to i32
        %sign3A_456 = arith.constant 0 : i32
        %sign3A_457 = arith.cmpi slt, %add3A_185, %sign3A_456 : i32
        %sign3A_458 = arith.extui %sign3A_457 : i1 to i32
        %sign3A_459 = arith.subi %sign3A_455, %sign3A_458 : i32
        %sign3A_460 = arith.constant 0 : i32
        %sign3A_461 = arith.cmpi sgt, %jit3A_451, %sign3A_460 : i32
        %sign3A_462 = arith.extui %sign3A_461 : i1 to i32
        %sign3A_463 = arith.constant 0 : i32
        %sign3A_464 = arith.cmpi slt, %jit3A_451, %sign3A_463 : i32
        %sign3A_465 = arith.extui %sign3A_464 : i1 to i32
        %sign3A_466 = arith.subi %sign3A_462, %sign3A_465 : i32
        %ne3A_467 = arith.cmpi ne, %sign3A_459, %sign3A_466 : i32
        %rem3A_468 = arith.remsi %add3A_185, %jit3A_451 : i32
        %ne3A_469 = arith.constant 0 : i32
        %ne3A_470 = arith.cmpi ne, %rem3A_468, %ne3A_469 : i32
        %and3A_471 = arith.andi %ne3A_467, %ne3A_470 : i1
        %sub3A_472 = arith.constant 1 : i32
        %sub3A_473 = arith.subi %div3A_452, %sub3A_472 : i32
        %select_n3A_474 = arith.select %and3A_471, %sub3A_473, %div3A_452 : i32
        %add3A_475 = arith.constant 4 : i32
        %add3A_476 = arith.addi %add3A_475, %select_n3A_474 : i32
        %jit3A_477 = arith.constant 4 : i32
        %eq3A_478 = arith.constant 0 : i32
        %eq3A_479 = arith.cmpi eq, %jit3A_477, %eq3A_478 : i32
        %jit3A_480 = arith.constant 1 : i32
        %select_n3A_481 = arith.select %eq3A_479, %jit3A_480, %jit3A_477 : i32
        %rem3A_482 = arith.remsi %add3A_185, %select_n3A_481 : i32
        %ne3A_483 = arith.constant 0 : i32
        %ne3A_484 = arith.cmpi ne, %rem3A_482, %ne3A_483 : i32
        %lt3A_485 = arith.constant 0 : i32
        %lt3A_486 = arith.cmpi slt, %rem3A_482, %lt3A_485 : i32
        %lt3A_487 = arith.constant 0 : i32
        %lt3A_488 = arith.cmpi slt, %select_n3A_481, %lt3A_487 : i32
        %ne3A_489 = arith.xori %lt3A_486, %lt3A_488 : i1
        %and3A_490 = arith.andi %ne3A_489, %ne3A_484 : i1
        %add3A_491 = arith.addi %rem3A_482, %select_n3A_481 : i32
        %select_n3A_492 = arith.select %and3A_490, %add3A_491, %rem3A_482 : i32
        %mul3A_493 = arith.constant 4096 : i32
        %mul3A_494 = arith.muli %select_n3A_492, %mul3A_493 : i32
        %dma_start3A_495 = arith.constant 0 : i32
        %dma_start3A_496 = tpu.memref_slice %arg1[%add3A_476, %mul3A_494, %dma_start3A_495] : memref<32x16384x128xf32, #tpu.memory_space<hbm>> -> memref<1x4096x128xf32, #tpu.memory_space<hbm>>
        %dma_start3A_497 = tpu.memref_squeeze %dma_start3A_496 : memref<1x4096x128xf32, #tpu.memory_space<hbm>> -> memref<4096x128xf32, #tpu.memory_space<hbm>>
        tpu.enqueue_dma source(%arg7 : memref<4096x128xf32, #tpu.memory_space<vmem>>) target(%dma_start3A_497 : memref<4096x128xf32, #tpu.memory_space<hbm>>) target_semaphore(%arg39 : memref<!tpu.dma_semaphore, #tpu.memory_space<semaphore_mem>>)
      } else {
      }
      %ge3A_191 = arith.constant 8 : i32
      %ge3A_192 = arith.cmpi sge, %add3A_185, %ge3A_191 : i32
      %convert_element_type3A_193 = arith.extui %ge3A_192 : i1 to i32
      %cond3A_194 = arith.constant 0 : i32
      %cond3A_195 = arith.cmpi ne, %convert_element_type3A_193, %cond3A_194 : i32
      scf.if %cond3A_195 {
        %sub3A = arith.constant 8 : i32
        %sub3A_413 = arith.subi %add3A_185, %sub3A : i32
        %jit3A = arith.constant 4 : i32
        %div3A = arith.divsi %sub3A_413, %jit3A : i32
        %sign3A = arith.constant 0 : i32
        %sign3A_414 = arith.cmpi sgt, %sub3A_413, %sign3A : i32
        %sign3A_415 = arith.extui %sign3A_414 : i1 to i32
        %sign3A_416 = arith.constant 0 : i32
        %sign3A_417 = arith.cmpi slt, %sub3A_413, %sign3A_416 : i32
        %sign3A_418 = arith.extui %sign3A_417 : i1 to i32
        %sign3A_419 = arith.subi %sign3A_415, %sign3A_418 : i32
        %sign3A_420 = arith.constant 0 : i32
        %sign3A_421 = arith.cmpi sgt, %jit3A, %sign3A_420 : i32
        %sign3A_422 = arith.extui %sign3A_421 : i1 to i32
        %sign3A_423 = arith.constant 0 : i32
        %sign3A_424 = arith.cmpi slt, %jit3A, %sign3A_423 : i32
        %sign3A_425 = arith.extui %sign3A_424 : i1 to i32
        %sign3A_426 = arith.subi %sign3A_422, %sign3A_425 : i32
        %ne3A = arith.cmpi ne, %sign3A_419, %sign3A_426 : i32
        %rem3A = arith.remsi %sub3A_413, %jit3A : i32
        %ne3A_427 = arith.constant 0 : i32
        %ne3A_428 = arith.cmpi ne, %rem3A, %ne3A_427 : i32
        %and3A = arith.andi %ne3A, %ne3A_428 : i1
        %sub3A_429 = arith.constant 1 : i32
        %sub3A_430 = arith.subi %div3A, %sub3A_429 : i32
        %select_n3A = arith.select %and3A, %sub3A_430, %div3A : i32
        %add3A_431 = arith.constant 4 : i32
        %add3A_432 = arith.addi %add3A_431, %select_n3A : i32
        %jit3A_433 = arith.constant 4 : i32
        %eq3A = arith.constant 0 : i32
        %eq3A_434 = arith.cmpi eq, %jit3A_433, %eq3A : i32
        %jit3A_435 = arith.constant 1 : i32
        %select_n3A_436 = arith.select %eq3A_434, %jit3A_435, %jit3A_433 : i32
        %rem3A_437 = arith.remsi %sub3A_413, %select_n3A_436 : i32
        %ne3A_438 = arith.constant 0 : i32
        %ne3A_439 = arith.cmpi ne, %rem3A_437, %ne3A_438 : i32
        %lt3A_440 = arith.constant 0 : i32
        %lt3A_441 = arith.cmpi slt, %rem3A_437, %lt3A_440 : i32
        %lt3A_442 = arith.constant 0 : i32
        %lt3A_443 = arith.cmpi slt, %select_n3A_436, %lt3A_442 : i32
        %ne3A_444 = arith.xori %lt3A_441, %lt3A_443 : i1
        %and3A_445 = arith.andi %ne3A_444, %ne3A_439 : i1
        %add3A_446 = arith.addi %rem3A_437, %select_n3A_436 : i32
        %select_n3A_447 = arith.select %and3A_445, %add3A_446, %rem3A_437 : i32
        %mul3A_448 = arith.constant 4096 : i32
        %mul3A_449 = arith.muli %select_n3A_447, %mul3A_448 : i32
        %dma_wait3A_450 = arith.constant 0 : i32
        %dma_wait3A_451 = tpu.memref_slice %arg1[%add3A_432, %mul3A_449, %dma_wait3A_450] : memref<32x16384x128xf32, #tpu.memory_space<hbm>> -> memref<1x4096x128xf32, #tpu.memory_space<hbm>>
        %dma_wait3A_452 = tpu.memref_squeeze %dma_wait3A_451 : memref<1x4096x128xf32, #tpu.memory_space<hbm>> -> memref<4096x128xf32, #tpu.memory_space<hbm>>
        tpu.wait_dma2 semaphore(%arg47 : memref<!tpu.dma_semaphore, #tpu.memory_space<semaphore_mem>>) src(%arg15 : memref<4096x128xf32, #tpu.memory_space<vmem>>) dst(%dma_wait3A_452 : memref<4096x128xf32, #tpu.memory_space<hbm>>)
      } else {
      }
      %add3A_196 = arith.constant 8 : i32
      %add3A_197 = arith.addi %add3A_185, %add3A_196 : i32
      %lt3A_198 = arith.constant 112 : i32
      %lt3A_199 = arith.cmpi slt, %add3A_197, %lt3A_198 : i32
      %convert_element_type3A_200 = arith.extui %lt3A_199 : i1 to i32
      %cond3A_201 = arith.constant 0 : i32
      %cond3A_202 = arith.cmpi ne, %convert_element_type3A_200, %cond3A_201 : i32
      scf.if %cond3A_202 {
        %add3A_413 = arith.constant 8 : i32
        %add3A_414 = arith.addi %add3A_185, %add3A_413 : i32
        %jit3A = arith.constant 4 : i32
        %div3A = arith.divsi %add3A_414, %jit3A : i32
        %sign3A = arith.constant 0 : i32
        %sign3A_415 = arith.cmpi sgt, %add3A_414, %sign3A : i32
        %sign3A_416 = arith.extui %sign3A_415 : i1 to i32
        %sign3A_417 = arith.constant 0 : i32
        %sign3A_418 = arith.cmpi slt, %add3A_414, %sign3A_417 : i32
        %sign3A_419 = arith.extui %sign3A_418 : i1 to i32
        %sign3A_420 = arith.subi %sign3A_416, %sign3A_419 : i32
        %sign3A_421 = arith.constant 0 : i32
        %sign3A_422 = arith.cmpi sgt, %jit3A, %sign3A_421 : i32
        %sign3A_423 = arith.extui %sign3A_422 : i1 to i32
        %sign3A_424 = arith.constant 0 : i32
        %sign3A_425 = arith.cmpi slt, %jit3A, %sign3A_424 : i32
        %sign3A_426 = arith.extui %sign3A_425 : i1 to i32
        %sign3A_427 = arith.subi %sign3A_423, %sign3A_426 : i32
        %ne3A = arith.cmpi ne, %sign3A_420, %sign3A_427 : i32
        %rem3A = arith.remsi %add3A_414, %jit3A : i32
        %ne3A_428 = arith.constant 0 : i32
        %ne3A_429 = arith.cmpi ne, %rem3A, %ne3A_428 : i32
        %and3A = arith.andi %ne3A, %ne3A_429 : i1
        %sub3A = arith.constant 1 : i32
        %sub3A_430 = arith.subi %div3A, %sub3A : i32
        %select_n3A = arith.select %and3A, %sub3A_430, %div3A : i32
        %add3A_431 = arith.constant 4 : i32
        %add3A_432 = arith.addi %add3A_431, %select_n3A : i32
        %jit3A_433 = arith.constant 4 : i32
        %eq3A = arith.constant 0 : i32
        %eq3A_434 = arith.cmpi eq, %jit3A_433, %eq3A : i32
        %jit3A_435 = arith.constant 1 : i32
        %select_n3A_436 = arith.select %eq3A_434, %jit3A_435, %jit3A_433 : i32
        %rem3A_437 = arith.remsi %add3A_414, %select_n3A_436 : i32
        %ne3A_438 = arith.constant 0 : i32
        %ne3A_439 = arith.cmpi ne, %rem3A_437, %ne3A_438 : i32
        %lt3A_440 = arith.constant 0 : i32
        %lt3A_441 = arith.cmpi slt, %rem3A_437, %lt3A_440 : i32
        %lt3A_442 = arith.constant 0 : i32
        %lt3A_443 = arith.cmpi slt, %select_n3A_436, %lt3A_442 : i32
        %ne3A_444 = arith.xori %lt3A_441, %lt3A_443 : i1
        %and3A_445 = arith.andi %ne3A_444, %ne3A_439 : i1
        %add3A_446 = arith.addi %rem3A_437, %select_n3A_436 : i32
        %select_n3A_447 = arith.select %and3A_445, %add3A_446, %rem3A_437 : i32
        %mul3A_448 = arith.constant 4096 : i32
        %mul3A_449 = arith.muli %select_n3A_447, %mul3A_448 : i32
        %dma_start3A_450 = arith.constant 0 : i32
        %dma_start3A_451 = tpu.memref_slice %arg0[%add3A_432, %mul3A_449, %dma_start3A_450] : memref<32x16384x128xf32, #tpu.memory_space<hbm>> -> memref<1x4096x128xf32, #tpu.memory_space<hbm>>
        %dma_start3A_452 = tpu.memref_squeeze %dma_start3A_451 : memref<1x4096x128xf32, #tpu.memory_space<hbm>> -> memref<4096x128xf32, #tpu.memory_space<hbm>>
        tpu.enqueue_dma source(%dma_start3A_452 : memref<4096x128xf32, #tpu.memory_space<hbm>>) target(%arg15 : memref<4096x128xf32, #tpu.memory_space<vmem>>) target_semaphore(%arg31 : memref<!tpu.dma_semaphore, #tpu.memory_space<semaphore_mem>>)
      } else {
      }
      %mul3A_203 = arith.constant 16 : i32
      %mul3A_204 = arith.muli %scan3A_82, %mul3A_203 : i32
      %add3A_205 = arith.constant 6 : i32
      %add3A_206 = arith.addi %mul3A_204, %add3A_205 : i32
      %lt3A_207 = arith.constant 112 : i32
      %lt3A_208 = arith.cmpi slt, %add3A_206, %lt3A_207 : i32
      %convert_element_type3A_209 = arith.extui %lt3A_208 : i1 to i32
      %cond3A_210 = arith.constant 0 : i32
      %cond3A_211 = arith.cmpi ne, %convert_element_type3A_209, %cond3A_210 : i32
      scf.if %cond3A_211 {
        %jit3A = arith.constant 4 : i32
        %div3A = arith.divsi %add3A_206, %jit3A : i32
        %sign3A = arith.constant 0 : i32
        %sign3A_413 = arith.cmpi sgt, %add3A_206, %sign3A : i32
        %sign3A_414 = arith.extui %sign3A_413 : i1 to i32
        %sign3A_415 = arith.constant 0 : i32
        %sign3A_416 = arith.cmpi slt, %add3A_206, %sign3A_415 : i32
        %sign3A_417 = arith.extui %sign3A_416 : i1 to i32
        %sign3A_418 = arith.subi %sign3A_414, %sign3A_417 : i32
        %sign3A_419 = arith.constant 0 : i32
        %sign3A_420 = arith.cmpi sgt, %jit3A, %sign3A_419 : i32
        %sign3A_421 = arith.extui %sign3A_420 : i1 to i32
        %sign3A_422 = arith.constant 0 : i32
        %sign3A_423 = arith.cmpi slt, %jit3A, %sign3A_422 : i32
        %sign3A_424 = arith.extui %sign3A_423 : i1 to i32
        %sign3A_425 = arith.subi %sign3A_421, %sign3A_424 : i32
        %ne3A = arith.cmpi ne, %sign3A_418, %sign3A_425 : i32
        %rem3A = arith.remsi %add3A_206, %jit3A : i32
        %ne3A_426 = arith.constant 0 : i32
        %ne3A_427 = arith.cmpi ne, %rem3A, %ne3A_426 : i32
        %and3A = arith.andi %ne3A, %ne3A_427 : i1
        %sub3A = arith.constant 1 : i32
        %sub3A_428 = arith.subi %div3A, %sub3A : i32
        %select_n3A = arith.select %and3A, %sub3A_428, %div3A : i32
        %add3A_429 = arith.constant 4 : i32
        %add3A_430 = arith.addi %add3A_429, %select_n3A : i32
        %jit3A_431 = arith.constant 4 : i32
        %eq3A = arith.constant 0 : i32
        %eq3A_432 = arith.cmpi eq, %jit3A_431, %eq3A : i32
        %jit3A_433 = arith.constant 1 : i32
        %select_n3A_434 = arith.select %eq3A_432, %jit3A_433, %jit3A_431 : i32
        %rem3A_435 = arith.remsi %add3A_206, %select_n3A_434 : i32
        %ne3A_436 = arith.constant 0 : i32
        %ne3A_437 = arith.cmpi ne, %rem3A_435, %ne3A_436 : i32
        %lt3A_438 = arith.constant 0 : i32
        %lt3A_439 = arith.cmpi slt, %rem3A_435, %lt3A_438 : i32
        %lt3A_440 = arith.constant 0 : i32
        %lt3A_441 = arith.cmpi slt, %select_n3A_434, %lt3A_440 : i32
        %ne3A_442 = arith.xori %lt3A_439, %lt3A_441 : i1
        %and3A_443 = arith.andi %ne3A_442, %ne3A_437 : i1
        %add3A_444 = arith.addi %rem3A_435, %select_n3A_434 : i32
        %select_n3A_445 = arith.select %and3A_443, %add3A_444, %rem3A_435 : i32
        %mul3A_446 = arith.constant 4096 : i32
        %mul3A_447 = arith.muli %select_n3A_445, %mul3A_446 : i32
        %dma_wait3A_448 = arith.constant 0 : i32
        %dma_wait3A_449 = tpu.memref_slice %arg0[%add3A_430, %mul3A_447, %dma_wait3A_448] : memref<32x16384x128xf32, #tpu.memory_space<hbm>> -> memref<1x4096x128xf32, #tpu.memory_space<hbm>>
        %dma_wait3A_450 = tpu.memref_squeeze %dma_wait3A_449 : memref<1x4096x128xf32, #tpu.memory_space<hbm>> -> memref<4096x128xf32, #tpu.memory_space<hbm>>
        tpu.wait_dma2 semaphore(%arg24 : memref<!tpu.dma_semaphore, #tpu.memory_space<semaphore_mem>>) src(%dma_wait3A_450 : memref<4096x128xf32, #tpu.memory_space<hbm>>) dst(%arg8 : memref<4096x128xf32, #tpu.memory_space<vmem>>)
        %jit3A_451 = arith.constant 4 : i32
        %div3A_452 = arith.divsi %add3A_206, %jit3A_451 : i32
        %sign3A_453 = arith.constant 0 : i32
        %sign3A_454 = arith.cmpi sgt, %add3A_206, %sign3A_453 : i32
        %sign3A_455 = arith.extui %sign3A_454 : i1 to i32
        %sign3A_456 = arith.constant 0 : i32
        %sign3A_457 = arith.cmpi slt, %add3A_206, %sign3A_456 : i32
        %sign3A_458 = arith.extui %sign3A_457 : i1 to i32
        %sign3A_459 = arith.subi %sign3A_455, %sign3A_458 : i32
        %sign3A_460 = arith.constant 0 : i32
        %sign3A_461 = arith.cmpi sgt, %jit3A_451, %sign3A_460 : i32
        %sign3A_462 = arith.extui %sign3A_461 : i1 to i32
        %sign3A_463 = arith.constant 0 : i32
        %sign3A_464 = arith.cmpi slt, %jit3A_451, %sign3A_463 : i32
        %sign3A_465 = arith.extui %sign3A_464 : i1 to i32
        %sign3A_466 = arith.subi %sign3A_462, %sign3A_465 : i32
        %ne3A_467 = arith.cmpi ne, %sign3A_459, %sign3A_466 : i32
        %rem3A_468 = arith.remsi %add3A_206, %jit3A_451 : i32
        %ne3A_469 = arith.constant 0 : i32
        %ne3A_470 = arith.cmpi ne, %rem3A_468, %ne3A_469 : i32
        %and3A_471 = arith.andi %ne3A_467, %ne3A_470 : i1
        %sub3A_472 = arith.constant 1 : i32
        %sub3A_473 = arith.subi %div3A_452, %sub3A_472 : i32
        %select_n3A_474 = arith.select %and3A_471, %sub3A_473, %div3A_452 : i32
        %add3A_475 = arith.constant 4 : i32
        %add3A_476 = arith.addi %add3A_475, %select_n3A_474 : i32
        %jit3A_477 = arith.constant 4 : i32
        %eq3A_478 = arith.constant 0 : i32
        %eq3A_479 = arith.cmpi eq, %jit3A_477, %eq3A_478 : i32
        %jit3A_480 = arith.constant 1 : i32
        %select_n3A_481 = arith.select %eq3A_479, %jit3A_480, %jit3A_477 : i32
        %rem3A_482 = arith.remsi %add3A_206, %select_n3A_481 : i32
        %ne3A_483 = arith.constant 0 : i32
        %ne3A_484 = arith.cmpi ne, %rem3A_482, %ne3A_483 : i32
        %lt3A_485 = arith.constant 0 : i32
        %lt3A_486 = arith.cmpi slt, %rem3A_482, %lt3A_485 : i32
        %lt3A_487 = arith.constant 0 : i32
        %lt3A_488 = arith.cmpi slt, %select_n3A_481, %lt3A_487 : i32
        %ne3A_489 = arith.xori %lt3A_486, %lt3A_488 : i1
        %and3A_490 = arith.andi %ne3A_489, %ne3A_484 : i1
        %add3A_491 = arith.addi %rem3A_482, %select_n3A_481 : i32
        %select_n3A_492 = arith.select %and3A_490, %add3A_491, %rem3A_482 : i32
        %mul3A_493 = arith.constant 4096 : i32
        %mul3A_494 = arith.muli %select_n3A_492, %mul3A_493 : i32
        %dma_start3A_495 = arith.constant 0 : i32
        %dma_start3A_496 = tpu.memref_slice %arg1[%add3A_476, %mul3A_494, %dma_start3A_495] : memref<32x16384x128xf32, #tpu.memory_space<hbm>> -> memref<1x4096x128xf32, #tpu.memory_space<hbm>>
        %dma_start3A_497 = tpu.memref_squeeze %dma_start3A_496 : memref<1x4096x128xf32, #tpu.memory_space<hbm>> -> memref<4096x128xf32, #tpu.memory_space<hbm>>
        tpu.enqueue_dma source(%arg8 : memref<4096x128xf32, #tpu.memory_space<vmem>>) target(%dma_start3A_497 : memref<4096x128xf32, #tpu.memory_space<hbm>>) target_semaphore(%arg40 : memref<!tpu.dma_semaphore, #tpu.memory_space<semaphore_mem>>)
      } else {
      }
      %ge3A_212 = arith.constant 8 : i32
      %ge3A_213 = arith.cmpi sge, %add3A_206, %ge3A_212 : i32
      %convert_element_type3A_214 = arith.extui %ge3A_213 : i1 to i32
      %cond3A_215 = arith.constant 0 : i32
      %cond3A_216 = arith.cmpi ne, %convert_element_type3A_214, %cond3A_215 : i32
      scf.if %cond3A_216 {
        %sub3A = arith.constant 8 : i32
        %sub3A_413 = arith.subi %add3A_206, %sub3A : i32
        %jit3A = arith.constant 4 : i32
        %div3A = arith.divsi %sub3A_413, %jit3A : i32
        %sign3A = arith.constant 0 : i32
        %sign3A_414 = arith.cmpi sgt, %sub3A_413, %sign3A : i32
        %sign3A_415 = arith.extui %sign3A_414 : i1 to i32
        %sign3A_416 = arith.constant 0 : i32
        %sign3A_417 = arith.cmpi slt, %sub3A_413, %sign3A_416 : i32
        %sign3A_418 = arith.extui %sign3A_417 : i1 to i32
        %sign3A_419 = arith.subi %sign3A_415, %sign3A_418 : i32
        %sign3A_420 = arith.constant 0 : i32
        %sign3A_421 = arith.cmpi sgt, %jit3A, %sign3A_420 : i32
        %sign3A_422 = arith.extui %sign3A_421 : i1 to i32
        %sign3A_423 = arith.constant 0 : i32
        %sign3A_424 = arith.cmpi slt, %jit3A, %sign3A_423 : i32
        %sign3A_425 = arith.extui %sign3A_424 : i1 to i32
        %sign3A_426 = arith.subi %sign3A_422, %sign3A_425 : i32
        %ne3A = arith.cmpi ne, %sign3A_419, %sign3A_426 : i32
        %rem3A = arith.remsi %sub3A_413, %jit3A : i32
        %ne3A_427 = arith.constant 0 : i32
        %ne3A_428 = arith.cmpi ne, %rem3A, %ne3A_427 : i32
        %and3A = arith.andi %ne3A, %ne3A_428 : i1
        %sub3A_429 = arith.constant 1 : i32
        %sub3A_430 = arith.subi %div3A, %sub3A_429 : i32
        %select_n3A = arith.select %and3A, %sub3A_430, %div3A : i32
        %add3A_431 = arith.constant 4 : i32
        %add3A_432 = arith.addi %add3A_431, %select_n3A : i32
        %jit3A_433 = arith.constant 4 : i32
        %eq3A = arith.constant 0 : i32
        %eq3A_434 = arith.cmpi eq, %jit3A_433, %eq3A : i32
        %jit3A_435 = arith.constant 1 : i32
        %select_n3A_436 = arith.select %eq3A_434, %jit3A_435, %jit3A_433 : i32
        %rem3A_437 = arith.remsi %sub3A_413, %select_n3A_436 : i32
        %ne3A_438 = arith.constant 0 : i32
        %ne3A_439 = arith.cmpi ne, %rem3A_437, %ne3A_438 : i32
        %lt3A_440 = arith.constant 0 : i32
        %lt3A_441 = arith.cmpi slt, %rem3A_437, %lt3A_440 : i32
        %lt3A_442 = arith.constant 0 : i32
        %lt3A_443 = arith.cmpi slt, %select_n3A_436, %lt3A_442 : i32
        %ne3A_444 = arith.xori %lt3A_441, %lt3A_443 : i1
        %and3A_445 = arith.andi %ne3A_444, %ne3A_439 : i1
        %add3A_446 = arith.addi %rem3A_437, %select_n3A_436 : i32
        %select_n3A_447 = arith.select %and3A_445, %add3A_446, %rem3A_437 : i32
        %mul3A_448 = arith.constant 4096 : i32
        %mul3A_449 = arith.muli %select_n3A_447, %mul3A_448 : i32
        %dma_wait3A_450 = arith.constant 0 : i32
        %dma_wait3A_451 = tpu.memref_slice %arg1[%add3A_432, %mul3A_449, %dma_wait3A_450] : memref<32x16384x128xf32, #tpu.memory_space<hbm>> -> memref<1x4096x128xf32, #tpu.memory_space<hbm>>
        %dma_wait3A_452 = tpu.memref_squeeze %dma_wait3A_451 : memref<1x4096x128xf32, #tpu.memory_space<hbm>> -> memref<4096x128xf32, #tpu.memory_space<hbm>>
        tpu.wait_dma2 semaphore(%arg48 : memref<!tpu.dma_semaphore, #tpu.memory_space<semaphore_mem>>) src(%arg16 : memref<4096x128xf32, #tpu.memory_space<vmem>>) dst(%dma_wait3A_452 : memref<4096x128xf32, #tpu.memory_space<hbm>>)
      } else {
      }
      %add3A_217 = arith.constant 8 : i32
      %add3A_218 = arith.addi %add3A_206, %add3A_217 : i32
      %lt3A_219 = arith.constant 112 : i32
      %lt3A_220 = arith.cmpi slt, %add3A_218, %lt3A_219 : i32
      %convert_element_type3A_221 = arith.extui %lt3A_220 : i1 to i32
      %cond3A_222 = arith.constant 0 : i32
      %cond3A_223 = arith.cmpi ne, %convert_element_type3A_221, %cond3A_222 : i32
      scf.if %cond3A_223 {
        %add3A_413 = arith.constant 8 : i32
        %add3A_414 = arith.addi %add3A_206, %add3A_413 : i32
        %jit3A = arith.constant 4 : i32
        %div3A = arith.divsi %add3A_414, %jit3A : i32
        %sign3A = arith.constant 0 : i32
        %sign3A_415 = arith.cmpi sgt, %add3A_414, %sign3A : i32
        %sign3A_416 = arith.extui %sign3A_415 : i1 to i32
        %sign3A_417 = arith.constant 0 : i32
        %sign3A_418 = arith.cmpi slt, %add3A_414, %sign3A_417 : i32
        %sign3A_419 = arith.extui %sign3A_418 : i1 to i32
        %sign3A_420 = arith.subi %sign3A_416, %sign3A_419 : i32
        %sign3A_421 = arith.constant 0 : i32
        %sign3A_422 = arith.cmpi sgt, %jit3A, %sign3A_421 : i32
        %sign3A_423 = arith.extui %sign3A_422 : i1 to i32
        %sign3A_424 = arith.constant 0 : i32
        %sign3A_425 = arith.cmpi slt, %jit3A, %sign3A_424 : i32
        %sign3A_426 = arith.extui %sign3A_425 : i1 to i32
        %sign3A_427 = arith.subi %sign3A_423, %sign3A_426 : i32
        %ne3A = arith.cmpi ne, %sign3A_420, %sign3A_427 : i32
        %rem3A = arith.remsi %add3A_414, %jit3A : i32
        %ne3A_428 = arith.constant 0 : i32
        %ne3A_429 = arith.cmpi ne, %rem3A, %ne3A_428 : i32
        %and3A = arith.andi %ne3A, %ne3A_429 : i1
        %sub3A = arith.constant 1 : i32
        %sub3A_430 = arith.subi %div3A, %sub3A : i32
        %select_n3A = arith.select %and3A, %sub3A_430, %div3A : i32
        %add3A_431 = arith.constant 4 : i32
        %add3A_432 = arith.addi %add3A_431, %select_n3A : i32
        %jit3A_433 = arith.constant 4 : i32
        %eq3A = arith.constant 0 : i32
        %eq3A_434 = arith.cmpi eq, %jit3A_433, %eq3A : i32
        %jit3A_435 = arith.constant 1 : i32
        %select_n3A_436 = arith.select %eq3A_434, %jit3A_435, %jit3A_433 : i32
        %rem3A_437 = arith.remsi %add3A_414, %select_n3A_436 : i32
        %ne3A_438 = arith.constant 0 : i32
        %ne3A_439 = arith.cmpi ne, %rem3A_437, %ne3A_438 : i32
        %lt3A_440 = arith.constant 0 : i32
        %lt3A_441 = arith.cmpi slt, %rem3A_437, %lt3A_440 : i32
        %lt3A_442 = arith.constant 0 : i32
        %lt3A_443 = arith.cmpi slt, %select_n3A_436, %lt3A_442 : i32
        %ne3A_444 = arith.xori %lt3A_441, %lt3A_443 : i1
        %and3A_445 = arith.andi %ne3A_444, %ne3A_439 : i1
        %add3A_446 = arith.addi %rem3A_437, %select_n3A_436 : i32
        %select_n3A_447 = arith.select %and3A_445, %add3A_446, %rem3A_437 : i32
        %mul3A_448 = arith.constant 4096 : i32
        %mul3A_449 = arith.muli %select_n3A_447, %mul3A_448 : i32
        %dma_start3A_450 = arith.constant 0 : i32
        %dma_start3A_451 = tpu.memref_slice %arg0[%add3A_432, %mul3A_449, %dma_start3A_450] : memref<32x16384x128xf32, #tpu.memory_space<hbm>> -> memref<1x4096x128xf32, #tpu.memory_space<hbm>>
        %dma_start3A_452 = tpu.memref_squeeze %dma_start3A_451 : memref<1x4096x128xf32, #tpu.memory_space<hbm>> -> memref<4096x128xf32, #tpu.memory_space<hbm>>
        tpu.enqueue_dma source(%dma_start3A_452 : memref<4096x128xf32, #tpu.memory_space<hbm>>) target(%arg16 : memref<4096x128xf32, #tpu.memory_space<vmem>>) target_semaphore(%arg32 : memref<!tpu.dma_semaphore, #tpu.memory_space<semaphore_mem>>)
      } else {
      }
      %mul3A_224 = arith.constant 16 : i32
      %mul3A_225 = arith.muli %scan3A_82, %mul3A_224 : i32
      %add3A_226 = arith.constant 7 : i32
      %add3A_227 = arith.addi %mul3A_225, %add3A_226 : i32
      %lt3A_228 = arith.constant 112 : i32
      %lt3A_229 = arith.cmpi slt, %add3A_227, %lt3A_228 : i32
      %convert_element_type3A_230 = arith.extui %lt3A_229 : i1 to i32
      %cond3A_231 = arith.constant 0 : i32
      %cond3A_232 = arith.cmpi ne, %convert_element_type3A_230, %cond3A_231 : i32
      scf.if %cond3A_232 {
        %jit3A = arith.constant 4 : i32
        %div3A = arith.divsi %add3A_227, %jit3A : i32
        %sign3A = arith.constant 0 : i32
        %sign3A_413 = arith.cmpi sgt, %add3A_227, %sign3A : i32
        %sign3A_414 = arith.extui %sign3A_413 : i1 to i32
        %sign3A_415 = arith.constant 0 : i32
        %sign3A_416 = arith.cmpi slt, %add3A_227, %sign3A_415 : i32
        %sign3A_417 = arith.extui %sign3A_416 : i1 to i32
        %sign3A_418 = arith.subi %sign3A_414, %sign3A_417 : i32
        %sign3A_419 = arith.constant 0 : i32
        %sign3A_420 = arith.cmpi sgt, %jit3A, %sign3A_419 : i32
        %sign3A_421 = arith.extui %sign3A_420 : i1 to i32
        %sign3A_422 = arith.constant 0 : i32
        %sign3A_423 = arith.cmpi slt, %jit3A, %sign3A_422 : i32
        %sign3A_424 = arith.extui %sign3A_423 : i1 to i32
        %sign3A_425 = arith.subi %sign3A_421, %sign3A_424 : i32
        %ne3A = arith.cmpi ne, %sign3A_418, %sign3A_425 : i32
        %rem3A = arith.remsi %add3A_227, %jit3A : i32
        %ne3A_426 = arith.constant 0 : i32
        %ne3A_427 = arith.cmpi ne, %rem3A, %ne3A_426 : i32
        %and3A = arith.andi %ne3A, %ne3A_427 : i1
        %sub3A = arith.constant 1 : i32
        %sub3A_428 = arith.subi %div3A, %sub3A : i32
        %select_n3A = arith.select %and3A, %sub3A_428, %div3A : i32
        %add3A_429 = arith.constant 4 : i32
        %add3A_430 = arith.addi %add3A_429, %select_n3A : i32
        %jit3A_431 = arith.constant 4 : i32
        %eq3A = arith.constant 0 : i32
        %eq3A_432 = arith.cmpi eq, %jit3A_431, %eq3A : i32
        %jit3A_433 = arith.constant 1 : i32
        %select_n3A_434 = arith.select %eq3A_432, %jit3A_433, %jit3A_431 : i32
        %rem3A_435 = arith.remsi %add3A_227, %select_n3A_434 : i32
        %ne3A_436 = arith.constant 0 : i32
        %ne3A_437 = arith.cmpi ne, %rem3A_435, %ne3A_436 : i32
        %lt3A_438 = arith.constant 0 : i32
        %lt3A_439 = arith.cmpi slt, %rem3A_435, %lt3A_438 : i32
        %lt3A_440 = arith.constant 0 : i32
        %lt3A_441 = arith.cmpi slt, %select_n3A_434, %lt3A_440 : i32
        %ne3A_442 = arith.xori %lt3A_439, %lt3A_441 : i1
        %and3A_443 = arith.andi %ne3A_442, %ne3A_437 : i1
        %add3A_444 = arith.addi %rem3A_435, %select_n3A_434 : i32
        %select_n3A_445 = arith.select %and3A_443, %add3A_444, %rem3A_435 : i32
        %mul3A_446 = arith.constant 4096 : i32
        %mul3A_447 = arith.muli %select_n3A_445, %mul3A_446 : i32
        %dma_wait3A_448 = arith.constant 0 : i32
        %dma_wait3A_449 = tpu.memref_slice %arg0[%add3A_430, %mul3A_447, %dma_wait3A_448] : memref<32x16384x128xf32, #tpu.memory_space<hbm>> -> memref<1x4096x128xf32, #tpu.memory_space<hbm>>
        %dma_wait3A_450 = tpu.memref_squeeze %dma_wait3A_449 : memref<1x4096x128xf32, #tpu.memory_space<hbm>> -> memref<4096x128xf32, #tpu.memory_space<hbm>>
        tpu.wait_dma2 semaphore(%arg25 : memref<!tpu.dma_semaphore, #tpu.memory_space<semaphore_mem>>) src(%dma_wait3A_450 : memref<4096x128xf32, #tpu.memory_space<hbm>>) dst(%arg9 : memref<4096x128xf32, #tpu.memory_space<vmem>>)
        %jit3A_451 = arith.constant 4 : i32
        %div3A_452 = arith.divsi %add3A_227, %jit3A_451 : i32
        %sign3A_453 = arith.constant 0 : i32
        %sign3A_454 = arith.cmpi sgt, %add3A_227, %sign3A_453 : i32
        %sign3A_455 = arith.extui %sign3A_454 : i1 to i32
        %sign3A_456 = arith.constant 0 : i32
        %sign3A_457 = arith.cmpi slt, %add3A_227, %sign3A_456 : i32
        %sign3A_458 = arith.extui %sign3A_457 : i1 to i32
        %sign3A_459 = arith.subi %sign3A_455, %sign3A_458 : i32
        %sign3A_460 = arith.constant 0 : i32
        %sign3A_461 = arith.cmpi sgt, %jit3A_451, %sign3A_460 : i32
        %sign3A_462 = arith.extui %sign3A_461 : i1 to i32
        %sign3A_463 = arith.constant 0 : i32
        %sign3A_464 = arith.cmpi slt, %jit3A_451, %sign3A_463 : i32
        %sign3A_465 = arith.extui %sign3A_464 : i1 to i32
        %sign3A_466 = arith.subi %sign3A_462, %sign3A_465 : i32
        %ne3A_467 = arith.cmpi ne, %sign3A_459, %sign3A_466 : i32
        %rem3A_468 = arith.remsi %add3A_227, %jit3A_451 : i32
        %ne3A_469 = arith.constant 0 : i32
        %ne3A_470 = arith.cmpi ne, %rem3A_468, %ne3A_469 : i32
        %and3A_471 = arith.andi %ne3A_467, %ne3A_470 : i1
        %sub3A_472 = arith.constant 1 : i32
        %sub3A_473 = arith.subi %div3A_452, %sub3A_472 : i32
        %select_n3A_474 = arith.select %and3A_471, %sub3A_473, %div3A_452 : i32
        %add3A_475 = arith.constant 4 : i32
        %add3A_476 = arith.addi %add3A_475, %select_n3A_474 : i32
        %jit3A_477 = arith.constant 4 : i32
        %eq3A_478 = arith.constant 0 : i32
        %eq3A_479 = arith.cmpi eq, %jit3A_477, %eq3A_478 : i32
        %jit3A_480 = arith.constant 1 : i32
        %select_n3A_481 = arith.select %eq3A_479, %jit3A_480, %jit3A_477 : i32
        %rem3A_482 = arith.remsi %add3A_227, %select_n3A_481 : i32
        %ne3A_483 = arith.constant 0 : i32
        %ne3A_484 = arith.cmpi ne, %rem3A_482, %ne3A_483 : i32
        %lt3A_485 = arith.constant 0 : i32
        %lt3A_486 = arith.cmpi slt, %rem3A_482, %lt3A_485 : i32
        %lt3A_487 = arith.constant 0 : i32
        %lt3A_488 = arith.cmpi slt, %select_n3A_481, %lt3A_487 : i32
        %ne3A_489 = arith.xori %lt3A_486, %lt3A_488 : i1
        %and3A_490 = arith.andi %ne3A_489, %ne3A_484 : i1
        %add3A_491 = arith.addi %rem3A_482, %select_n3A_481 : i32
        %select_n3A_492 = arith.select %and3A_490, %add3A_491, %rem3A_482 : i32
        %mul3A_493 = arith.constant 4096 : i32
        %mul3A_494 = arith.muli %select_n3A_492, %mul3A_493 : i32
        %dma_start3A_495 = arith.constant 0 : i32
        %dma_start3A_496 = tpu.memref_slice %arg1[%add3A_476, %mul3A_494, %dma_start3A_495] : memref<32x16384x128xf32, #tpu.memory_space<hbm>> -> memref<1x4096x128xf32, #tpu.memory_space<hbm>>
        %dma_start3A_497 = tpu.memref_squeeze %dma_start3A_496 : memref<1x4096x128xf32, #tpu.memory_space<hbm>> -> memref<4096x128xf32, #tpu.memory_space<hbm>>
        tpu.enqueue_dma source(%arg9 : memref<4096x128xf32, #tpu.memory_space<vmem>>) target(%dma_start3A_497 : memref<4096x128xf32, #tpu.memory_space<hbm>>) target_semaphore(%arg41 : memref<!tpu.dma_semaphore, #tpu.memory_space<semaphore_mem>>)
      } else {
      }
      %ge3A_233 = arith.constant 8 : i32
      %ge3A_234 = arith.cmpi sge, %add3A_227, %ge3A_233 : i32
      %convert_element_type3A_235 = arith.extui %ge3A_234 : i1 to i32
      %cond3A_236 = arith.constant 0 : i32
      %cond3A_237 = arith.cmpi ne, %convert_element_type3A_235, %cond3A_236 : i32
      scf.if %cond3A_237 {
        %sub3A = arith.constant 8 : i32
        %sub3A_413 = arith.subi %add3A_227, %sub3A : i32
        %jit3A = arith.constant 4 : i32
        %div3A = arith.divsi %sub3A_413, %jit3A : i32
        %sign3A = arith.constant 0 : i32
        %sign3A_414 = arith.cmpi sgt, %sub3A_413, %sign3A : i32
        %sign3A_415 = arith.extui %sign3A_414 : i1 to i32
        %sign3A_416 = arith.constant 0 : i32
        %sign3A_417 = arith.cmpi slt, %sub3A_413, %sign3A_416 : i32
        %sign3A_418 = arith.extui %sign3A_417 : i1 to i32
        %sign3A_419 = arith.subi %sign3A_415, %sign3A_418 : i32
        %sign3A_420 = arith.constant 0 : i32
        %sign3A_421 = arith.cmpi sgt, %jit3A, %sign3A_420 : i32
        %sign3A_422 = arith.extui %sign3A_421 : i1 to i32
        %sign3A_423 = arith.constant 0 : i32
        %sign3A_424 = arith.cmpi slt, %jit3A, %sign3A_423 : i32
        %sign3A_425 = arith.extui %sign3A_424 : i1 to i32
        %sign3A_426 = arith.subi %sign3A_422, %sign3A_425 : i32
        %ne3A = arith.cmpi ne, %sign3A_419, %sign3A_426 : i32
        %rem3A = arith.remsi %sub3A_413, %jit3A : i32
        %ne3A_427 = arith.constant 0 : i32
        %ne3A_428 = arith.cmpi ne, %rem3A, %ne3A_427 : i32
        %and3A = arith.andi %ne3A, %ne3A_428 : i1
        %sub3A_429 = arith.constant 1 : i32
        %sub3A_430 = arith.subi %div3A, %sub3A_429 : i32
        %select_n3A = arith.select %and3A, %sub3A_430, %div3A : i32
        %add3A_431 = arith.constant 4 : i32
        %add3A_432 = arith.addi %add3A_431, %select_n3A : i32
        %jit3A_433 = arith.constant 4 : i32
        %eq3A = arith.constant 0 : i32
        %eq3A_434 = arith.cmpi eq, %jit3A_433, %eq3A : i32
        %jit3A_435 = arith.constant 1 : i32
        %select_n3A_436 = arith.select %eq3A_434, %jit3A_435, %jit3A_433 : i32
        %rem3A_437 = arith.remsi %sub3A_413, %select_n3A_436 : i32
        %ne3A_438 = arith.constant 0 : i32
        %ne3A_439 = arith.cmpi ne, %rem3A_437, %ne3A_438 : i32
        %lt3A_440 = arith.constant 0 : i32
        %lt3A_441 = arith.cmpi slt, %rem3A_437, %lt3A_440 : i32
        %lt3A_442 = arith.constant 0 : i32
        %lt3A_443 = arith.cmpi slt, %select_n3A_436, %lt3A_442 : i32
        %ne3A_444 = arith.xori %lt3A_441, %lt3A_443 : i1
        %and3A_445 = arith.andi %ne3A_444, %ne3A_439 : i1
        %add3A_446 = arith.addi %rem3A_437, %select_n3A_436 : i32
        %select_n3A_447 = arith.select %and3A_445, %add3A_446, %rem3A_437 : i32
        %mul3A_448 = arith.constant 4096 : i32
        %mul3A_449 = arith.muli %select_n3A_447, %mul3A_448 : i32
        %dma_wait3A_450 = arith.constant 0 : i32
        %dma_wait3A_451 = tpu.memref_slice %arg1[%add3A_432, %mul3A_449, %dma_wait3A_450] : memref<32x16384x128xf32, #tpu.memory_space<hbm>> -> memref<1x4096x128xf32, #tpu.memory_space<hbm>>
        %dma_wait3A_452 = tpu.memref_squeeze %dma_wait3A_451 : memref<1x4096x128xf32, #tpu.memory_space<hbm>> -> memref<4096x128xf32, #tpu.memory_space<hbm>>
        tpu.wait_dma2 semaphore(%arg49 : memref<!tpu.dma_semaphore, #tpu.memory_space<semaphore_mem>>) src(%arg17 : memref<4096x128xf32, #tpu.memory_space<vmem>>) dst(%dma_wait3A_452 : memref<4096x128xf32, #tpu.memory_space<hbm>>)
      } else {
      }
      %add3A_238 = arith.constant 8 : i32
      %add3A_239 = arith.addi %add3A_227, %add3A_238 : i32
      %lt3A_240 = arith.constant 112 : i32
      %lt3A_241 = arith.cmpi slt, %add3A_239, %lt3A_240 : i32
      %convert_element_type3A_242 = arith.extui %lt3A_241 : i1 to i32
      %cond3A_243 = arith.constant 0 : i32
      %cond3A_244 = arith.cmpi ne, %convert_element_type3A_242, %cond3A_243 : i32
      scf.if %cond3A_244 {
        %add3A_413 = arith.constant 8 : i32
        %add3A_414 = arith.addi %add3A_227, %add3A_413 : i32
        %jit3A = arith.constant 4 : i32
        %div3A = arith.divsi %add3A_414, %jit3A : i32
        %sign3A = arith.constant 0 : i32
        %sign3A_415 = arith.cmpi sgt, %add3A_414, %sign3A : i32
        %sign3A_416 = arith.extui %sign3A_415 : i1 to i32
        %sign3A_417 = arith.constant 0 : i32
        %sign3A_418 = arith.cmpi slt, %add3A_414, %sign3A_417 : i32
        %sign3A_419 = arith.extui %sign3A_418 : i1 to i32
        %sign3A_420 = arith.subi %sign3A_416, %sign3A_419 : i32
        %sign3A_421 = arith.constant 0 : i32
        %sign3A_422 = arith.cmpi sgt, %jit3A, %sign3A_421 : i32
        %sign3A_423 = arith.extui %sign3A_422 : i1 to i32
        %sign3A_424 = arith.constant 0 : i32
        %sign3A_425 = arith.cmpi slt, %jit3A, %sign3A_424 : i32
        %sign3A_426 = arith.extui %sign3A_425 : i1 to i32
        %sign3A_427 = arith.subi %sign3A_423, %sign3A_426 : i32
        %ne3A = arith.cmpi ne, %sign3A_420, %sign3A_427 : i32
        %rem3A = arith.remsi %add3A_414, %jit3A : i32
        %ne3A_428 = arith.constant 0 : i32
        %ne3A_429 = arith.cmpi ne, %rem3A, %ne3A_428 : i32
        %and3A = arith.andi %ne3A, %ne3A_429 : i1
        %sub3A = arith.constant 1 : i32
        %sub3A_430 = arith.subi %div3A, %sub3A : i32
        %select_n3A = arith.select %and3A, %sub3A_430, %div3A : i32
        %add3A_431 = arith.constant 4 : i32
        %add3A_432 = arith.addi %add3A_431, %select_n3A : i32
        %jit3A_433 = arith.constant 4 : i32
        %eq3A = arith.constant 0 : i32
        %eq3A_434 = arith.cmpi eq, %jit3A_433, %eq3A : i32
        %jit3A_435 = arith.constant 1 : i32
        %select_n3A_436 = arith.select %eq3A_434, %jit3A_435, %jit3A_433 : i32
        %rem3A_437 = arith.remsi %add3A_414, %select_n3A_436 : i32
        %ne3A_438 = arith.constant 0 : i32
        %ne3A_439 = arith.cmpi ne, %rem3A_437, %ne3A_438 : i32
        %lt3A_440 = arith.constant 0 : i32
        %lt3A_441 = arith.cmpi slt, %rem3A_437, %lt3A_440 : i32
        %lt3A_442 = arith.constant 0 : i32
        %lt3A_443 = arith.cmpi slt, %select_n3A_436, %lt3A_442 : i32
        %ne3A_444 = arith.xori %lt3A_441, %lt3A_443 : i1
        %and3A_445 = arith.andi %ne3A_444, %ne3A_439 : i1
        %add3A_446 = arith.addi %rem3A_437, %select_n3A_436 : i32
        %select_n3A_447 = arith.select %and3A_445, %add3A_446, %rem3A_437 : i32
        %mul3A_448 = arith.constant 4096 : i32
        %mul3A_449 = arith.muli %select_n3A_447, %mul3A_448 : i32
        %dma_start3A_450 = arith.constant 0 : i32
        %dma_start3A_451 = tpu.memref_slice %arg0[%add3A_432, %mul3A_449, %dma_start3A_450] : memref<32x16384x128xf32, #tpu.memory_space<hbm>> -> memref<1x4096x128xf32, #tpu.memory_space<hbm>>
        %dma_start3A_452 = tpu.memref_squeeze %dma_start3A_451 : memref<1x4096x128xf32, #tpu.memory_space<hbm>> -> memref<4096x128xf32, #tpu.memory_space<hbm>>
        tpu.enqueue_dma source(%dma_start3A_452 : memref<4096x128xf32, #tpu.memory_space<hbm>>) target(%arg17 : memref<4096x128xf32, #tpu.memory_space<vmem>>) target_semaphore(%arg33 : memref<!tpu.dma_semaphore, #tpu.memory_space<semaphore_mem>>)
      } else {
      }
      %mul3A_245 = arith.constant 16 : i32
      %mul3A_246 = arith.muli %scan3A_82, %mul3A_245 : i32
      %add3A_247 = arith.constant 8 : i32
      %add3A_248 = arith.addi %mul3A_246, %add3A_247 : i32
      %lt3A_249 = arith.constant 112 : i32
      %lt3A_250 = arith.cmpi slt, %add3A_248, %lt3A_249 : i32
      %convert_element_type3A_251 = arith.extui %lt3A_250 : i1 to i32
      %cond3A_252 = arith.constant 0 : i32
      %cond3A_253 = arith.cmpi ne, %convert_element_type3A_251, %cond3A_252 : i32
      scf.if %cond3A_253 {
        %jit3A = arith.constant 4 : i32
        %div3A = arith.divsi %add3A_248, %jit3A : i32
        %sign3A = arith.constant 0 : i32
        %sign3A_413 = arith.cmpi sgt, %add3A_248, %sign3A : i32
        %sign3A_414 = arith.extui %sign3A_413 : i1 to i32
        %sign3A_415 = arith.constant 0 : i32
        %sign3A_416 = arith.cmpi slt, %add3A_248, %sign3A_415 : i32
        %sign3A_417 = arith.extui %sign3A_416 : i1 to i32
        %sign3A_418 = arith.subi %sign3A_414, %sign3A_417 : i32
        %sign3A_419 = arith.constant 0 : i32
        %sign3A_420 = arith.cmpi sgt, %jit3A, %sign3A_419 : i32
        %sign3A_421 = arith.extui %sign3A_420 : i1 to i32
        %sign3A_422 = arith.constant 0 : i32
        %sign3A_423 = arith.cmpi slt, %jit3A, %sign3A_422 : i32
        %sign3A_424 = arith.extui %sign3A_423 : i1 to i32
        %sign3A_425 = arith.subi %sign3A_421, %sign3A_424 : i32
        %ne3A = arith.cmpi ne, %sign3A_418, %sign3A_425 : i32
        %rem3A = arith.remsi %add3A_248, %jit3A : i32
        %ne3A_426 = arith.constant 0 : i32
        %ne3A_427 = arith.cmpi ne, %rem3A, %ne3A_426 : i32
        %and3A = arith.andi %ne3A, %ne3A_427 : i1
        %sub3A = arith.constant 1 : i32
        %sub3A_428 = arith.subi %div3A, %sub3A : i32
        %select_n3A = arith.select %and3A, %sub3A_428, %div3A : i32
        %add3A_429 = arith.constant 4 : i32
        %add3A_430 = arith.addi %add3A_429, %select_n3A : i32
        %jit3A_431 = arith.constant 4 : i32
        %eq3A = arith.constant 0 : i32
        %eq3A_432 = arith.cmpi eq, %jit3A_431, %eq3A : i32
        %jit3A_433 = arith.constant 1 : i32
        %select_n3A_434 = arith.select %eq3A_432, %jit3A_433, %jit3A_431 : i32
        %rem3A_435 = arith.remsi %add3A_248, %select_n3A_434 : i32
        %ne3A_436 = arith.constant 0 : i32
        %ne3A_437 = arith.cmpi ne, %rem3A_435, %ne3A_436 : i32
        %lt3A_438 = arith.constant 0 : i32
        %lt3A_439 = arith.cmpi slt, %rem3A_435, %lt3A_438 : i32
        %lt3A_440 = arith.constant 0 : i32
        %lt3A_441 = arith.cmpi slt, %select_n3A_434, %lt3A_440 : i32
        %ne3A_442 = arith.xori %lt3A_439, %lt3A_441 : i1
        %and3A_443 = arith.andi %ne3A_442, %ne3A_437 : i1
        %add3A_444 = arith.addi %rem3A_435, %select_n3A_434 : i32
        %select_n3A_445 = arith.select %and3A_443, %add3A_444, %rem3A_435 : i32
        %mul3A_446 = arith.constant 4096 : i32
        %mul3A_447 = arith.muli %select_n3A_445, %mul3A_446 : i32
        %dma_wait3A_448 = arith.constant 0 : i32
        %dma_wait3A_449 = tpu.memref_slice %arg0[%add3A_430, %mul3A_447, %dma_wait3A_448] : memref<32x16384x128xf32, #tpu.memory_space<hbm>> -> memref<1x4096x128xf32, #tpu.memory_space<hbm>>
        %dma_wait3A_450 = tpu.memref_squeeze %dma_wait3A_449 : memref<1x4096x128xf32, #tpu.memory_space<hbm>> -> memref<4096x128xf32, #tpu.memory_space<hbm>>
        tpu.wait_dma2 semaphore(%arg26 : memref<!tpu.dma_semaphore, #tpu.memory_space<semaphore_mem>>) src(%dma_wait3A_450 : memref<4096x128xf32, #tpu.memory_space<hbm>>) dst(%arg10 : memref<4096x128xf32, #tpu.memory_space<vmem>>)
        %jit3A_451 = arith.constant 4 : i32
        %div3A_452 = arith.divsi %add3A_248, %jit3A_451 : i32
        %sign3A_453 = arith.constant 0 : i32
        %sign3A_454 = arith.cmpi sgt, %add3A_248, %sign3A_453 : i32
        %sign3A_455 = arith.extui %sign3A_454 : i1 to i32
        %sign3A_456 = arith.constant 0 : i32
        %sign3A_457 = arith.cmpi slt, %add3A_248, %sign3A_456 : i32
        %sign3A_458 = arith.extui %sign3A_457 : i1 to i32
        %sign3A_459 = arith.subi %sign3A_455, %sign3A_458 : i32
        %sign3A_460 = arith.constant 0 : i32
        %sign3A_461 = arith.cmpi sgt, %jit3A_451, %sign3A_460 : i32
        %sign3A_462 = arith.extui %sign3A_461 : i1 to i32
        %sign3A_463 = arith.constant 0 : i32
        %sign3A_464 = arith.cmpi slt, %jit3A_451, %sign3A_463 : i32
        %sign3A_465 = arith.extui %sign3A_464 : i1 to i32
        %sign3A_466 = arith.subi %sign3A_462, %sign3A_465 : i32
        %ne3A_467 = arith.cmpi ne, %sign3A_459, %sign3A_466 : i32
        %rem3A_468 = arith.remsi %add3A_248, %jit3A_451 : i32
        %ne3A_469 = arith.constant 0 : i32
        %ne3A_470 = arith.cmpi ne, %rem3A_468, %ne3A_469 : i32
        %and3A_471 = arith.andi %ne3A_467, %ne3A_470 : i1
        %sub3A_472 = arith.constant 1 : i32
        %sub3A_473 = arith.subi %div3A_452, %sub3A_472 : i32
        %select_n3A_474 = arith.select %and3A_471, %sub3A_473, %div3A_452 : i32
        %add3A_475 = arith.constant 4 : i32
        %add3A_476 = arith.addi %add3A_475, %select_n3A_474 : i32
        %jit3A_477 = arith.constant 4 : i32
        %eq3A_478 = arith.constant 0 : i32
        %eq3A_479 = arith.cmpi eq, %jit3A_477, %eq3A_478 : i32
        %jit3A_480 = arith.constant 1 : i32
        %select_n3A_481 = arith.select %eq3A_479, %jit3A_480, %jit3A_477 : i32
        %rem3A_482 = arith.remsi %add3A_248, %select_n3A_481 : i32
        %ne3A_483 = arith.constant 0 : i32
        %ne3A_484 = arith.cmpi ne, %rem3A_482, %ne3A_483 : i32
        %lt3A_485 = arith.constant 0 : i32
        %lt3A_486 = arith.cmpi slt, %rem3A_482, %lt3A_485 : i32
        %lt3A_487 = arith.constant 0 : i32
        %lt3A_488 = arith.cmpi slt, %select_n3A_481, %lt3A_487 : i32
        %ne3A_489 = arith.xori %lt3A_486, %lt3A_488 : i1
        %and3A_490 = arith.andi %ne3A_489, %ne3A_484 : i1
        %add3A_491 = arith.addi %rem3A_482, %select_n3A_481 : i32
        %select_n3A_492 = arith.select %and3A_490, %add3A_491, %rem3A_482 : i32
        %mul3A_493 = arith.constant 4096 : i32
        %mul3A_494 = arith.muli %select_n3A_492, %mul3A_493 : i32
        %dma_start3A_495 = arith.constant 0 : i32
        %dma_start3A_496 = tpu.memref_slice %arg1[%add3A_476, %mul3A_494, %dma_start3A_495] : memref<32x16384x128xf32, #tpu.memory_space<hbm>> -> memref<1x4096x128xf32, #tpu.memory_space<hbm>>
        %dma_start3A_497 = tpu.memref_squeeze %dma_start3A_496 : memref<1x4096x128xf32, #tpu.memory_space<hbm>> -> memref<4096x128xf32, #tpu.memory_space<hbm>>
        tpu.enqueue_dma source(%arg10 : memref<4096x128xf32, #tpu.memory_space<vmem>>) target(%dma_start3A_497 : memref<4096x128xf32, #tpu.memory_space<hbm>>) target_semaphore(%arg42 : memref<!tpu.dma_semaphore, #tpu.memory_space<semaphore_mem>>)
      } else {
      }
      %ge3A_254 = arith.constant 8 : i32
      %ge3A_255 = arith.cmpi sge, %add3A_248, %ge3A_254 : i32
      %convert_element_type3A_256 = arith.extui %ge3A_255 : i1 to i32
      %cond3A_257 = arith.constant 0 : i32
      %cond3A_258 = arith.cmpi ne, %convert_element_type3A_256, %cond3A_257 : i32
      scf.if %cond3A_258 {
        %sub3A = arith.constant 8 : i32
        %sub3A_413 = arith.subi %add3A_248, %sub3A : i32
        %jit3A = arith.constant 4 : i32
        %div3A = arith.divsi %sub3A_413, %jit3A : i32
        %sign3A = arith.constant 0 : i32
        %sign3A_414 = arith.cmpi sgt, %sub3A_413, %sign3A : i32
        %sign3A_415 = arith.extui %sign3A_414 : i1 to i32
        %sign3A_416 = arith.constant 0 : i32
        %sign3A_417 = arith.cmpi slt, %sub3A_413, %sign3A_416 : i32
        %sign3A_418 = arith.extui %sign3A_417 : i1 to i32
        %sign3A_419 = arith.subi %sign3A_415, %sign3A_418 : i32
        %sign3A_420 = arith.constant 0 : i32
        %sign3A_421 = arith.cmpi sgt, %jit3A, %sign3A_420 : i32
        %sign3A_422 = arith.extui %sign3A_421 : i1 to i32
        %sign3A_423 = arith.constant 0 : i32
        %sign3A_424 = arith.cmpi slt, %jit3A, %sign3A_423 : i32
        %sign3A_425 = arith.extui %sign3A_424 : i1 to i32
        %sign3A_426 = arith.subi %sign3A_422, %sign3A_425 : i32
        %ne3A = arith.cmpi ne, %sign3A_419, %sign3A_426 : i32
        %rem3A = arith.remsi %sub3A_413, %jit3A : i32
        %ne3A_427 = arith.constant 0 : i32
        %ne3A_428 = arith.cmpi ne, %rem3A, %ne3A_427 : i32
        %and3A = arith.andi %ne3A, %ne3A_428 : i1
        %sub3A_429 = arith.constant 1 : i32
        %sub3A_430 = arith.subi %div3A, %sub3A_429 : i32
        %select_n3A = arith.select %and3A, %sub3A_430, %div3A : i32
        %add3A_431 = arith.constant 4 : i32
        %add3A_432 = arith.addi %add3A_431, %select_n3A : i32
        %jit3A_433 = arith.constant 4 : i32
        %eq3A = arith.constant 0 : i32
        %eq3A_434 = arith.cmpi eq, %jit3A_433, %eq3A : i32
        %jit3A_435 = arith.constant 1 : i32
        %select_n3A_436 = arith.select %eq3A_434, %jit3A_435, %jit3A_433 : i32
        %rem3A_437 = arith.remsi %sub3A_413, %select_n3A_436 : i32
        %ne3A_438 = arith.constant 0 : i32
        %ne3A_439 = arith.cmpi ne, %rem3A_437, %ne3A_438 : i32
        %lt3A_440 = arith.constant 0 : i32
        %lt3A_441 = arith.cmpi slt, %rem3A_437, %lt3A_440 : i32
        %lt3A_442 = arith.constant 0 : i32
        %lt3A_443 = arith.cmpi slt, %select_n3A_436, %lt3A_442 : i32
        %ne3A_444 = arith.xori %lt3A_441, %lt3A_443 : i1
        %and3A_445 = arith.andi %ne3A_444, %ne3A_439 : i1
        %add3A_446 = arith.addi %rem3A_437, %select_n3A_436 : i32
        %select_n3A_447 = arith.select %and3A_445, %add3A_446, %rem3A_437 : i32
        %mul3A_448 = arith.constant 4096 : i32
        %mul3A_449 = arith.muli %select_n3A_447, %mul3A_448 : i32
        %dma_wait3A_450 = arith.constant 0 : i32
        %dma_wait3A_451 = tpu.memref_slice %arg1[%add3A_432, %mul3A_449, %dma_wait3A_450] : memref<32x16384x128xf32, #tpu.memory_space<hbm>> -> memref<1x4096x128xf32, #tpu.memory_space<hbm>>
        %dma_wait3A_452 = tpu.memref_squeeze %dma_wait3A_451 : memref<1x4096x128xf32, #tpu.memory_space<hbm>> -> memref<4096x128xf32, #tpu.memory_space<hbm>>
        tpu.wait_dma2 semaphore(%arg34 : memref<!tpu.dma_semaphore, #tpu.memory_space<semaphore_mem>>) src(%arg2 : memref<4096x128xf32, #tpu.memory_space<vmem>>) dst(%dma_wait3A_452 : memref<4096x128xf32, #tpu.memory_space<hbm>>)
      } else {
      }
      %add3A_259 = arith.constant 8 : i32
      %add3A_260 = arith.addi %add3A_248, %add3A_259 : i32
      %lt3A_261 = arith.constant 112 : i32
      %lt3A_262 = arith.cmpi slt, %add3A_260, %lt3A_261 : i32
      %convert_element_type3A_263 = arith.extui %lt3A_262 : i1 to i32
      %cond3A_264 = arith.constant 0 : i32
      %cond3A_265 = arith.cmpi ne, %convert_element_type3A_263, %cond3A_264 : i32
      scf.if %cond3A_265 {
        %add3A_413 = arith.constant 8 : i32
        %add3A_414 = arith.addi %add3A_248, %add3A_413 : i32
        %jit3A = arith.constant 4 : i32
        %div3A = arith.divsi %add3A_414, %jit3A : i32
        %sign3A = arith.constant 0 : i32
        %sign3A_415 = arith.cmpi sgt, %add3A_414, %sign3A : i32
        %sign3A_416 = arith.extui %sign3A_415 : i1 to i32
        %sign3A_417 = arith.constant 0 : i32
        %sign3A_418 = arith.cmpi slt, %add3A_414, %sign3A_417 : i32
        %sign3A_419 = arith.extui %sign3A_418 : i1 to i32
        %sign3A_420 = arith.subi %sign3A_416, %sign3A_419 : i32
        %sign3A_421 = arith.constant 0 : i32
        %sign3A_422 = arith.cmpi sgt, %jit3A, %sign3A_421 : i32
        %sign3A_423 = arith.extui %sign3A_422 : i1 to i32
        %sign3A_424 = arith.constant 0 : i32
        %sign3A_425 = arith.cmpi slt, %jit3A, %sign3A_424 : i32
        %sign3A_426 = arith.extui %sign3A_425 : i1 to i32
        %sign3A_427 = arith.subi %sign3A_423, %sign3A_426 : i32
        %ne3A = arith.cmpi ne, %sign3A_420, %sign3A_427 : i32
        %rem3A = arith.remsi %add3A_414, %jit3A : i32
        %ne3A_428 = arith.constant 0 : i32
        %ne3A_429 = arith.cmpi ne, %rem3A, %ne3A_428 : i32
        %and3A = arith.andi %ne3A, %ne3A_429 : i1
        %sub3A = arith.constant 1 : i32
        %sub3A_430 = arith.subi %div3A, %sub3A : i32
        %select_n3A = arith.select %and3A, %sub3A_430, %div3A : i32
        %add3A_431 = arith.constant 4 : i32
        %add3A_432 = arith.addi %add3A_431, %select_n3A : i32
        %jit3A_433 = arith.constant 4 : i32
        %eq3A = arith.constant 0 : i32
        %eq3A_434 = arith.cmpi eq, %jit3A_433, %eq3A : i32
        %jit3A_435 = arith.constant 1 : i32
        %select_n3A_436 = arith.select %eq3A_434, %jit3A_435, %jit3A_433 : i32
        %rem3A_437 = arith.remsi %add3A_414, %select_n3A_436 : i32
        %ne3A_438 = arith.constant 0 : i32
        %ne3A_439 = arith.cmpi ne, %rem3A_437, %ne3A_438 : i32
        %lt3A_440 = arith.constant 0 : i32
        %lt3A_441 = arith.cmpi slt, %rem3A_437, %lt3A_440 : i32
        %lt3A_442 = arith.constant 0 : i32
        %lt3A_443 = arith.cmpi slt, %select_n3A_436, %lt3A_442 : i32
        %ne3A_444 = arith.xori %lt3A_441, %lt3A_443 : i1
        %and3A_445 = arith.andi %ne3A_444, %ne3A_439 : i1
        %add3A_446 = arith.addi %rem3A_437, %select_n3A_436 : i32
        %select_n3A_447 = arith.select %and3A_445, %add3A_446, %rem3A_437 : i32
        %mul3A_448 = arith.constant 4096 : i32
        %mul3A_449 = arith.muli %select_n3A_447, %mul3A_448 : i32
        %dma_start3A_450 = arith.constant 0 : i32
        %dma_start3A_451 = tpu.memref_slice %arg0[%add3A_432, %mul3A_449, %dma_start3A_450] : memref<32x16384x128xf32, #tpu.memory_space<hbm>> -> memref<1x4096x128xf32, #tpu.memory_space<hbm>>
        %dma_start3A_452 = tpu.memref_squeeze %dma_start3A_451 : memref<1x4096x128xf32, #tpu.memory_space<hbm>> -> memref<4096x128xf32, #tpu.memory_space<hbm>>
        tpu.enqueue_dma source(%dma_start3A_452 : memref<4096x128xf32, #tpu.memory_space<hbm>>) target(%arg2 : memref<4096x128xf32, #tpu.memory_space<vmem>>) target_semaphore(%arg18 : memref<!tpu.dma_semaphore, #tpu.memory_space<semaphore_mem>>)
      } else {
      }
      %mul3A_266 = arith.constant 16 : i32
      %mul3A_267 = arith.muli %scan3A_82, %mul3A_266 : i32
      %add3A_268 = arith.constant 9 : i32
      %add3A_269 = arith.addi %mul3A_267, %add3A_268 : i32
      %lt3A_270 = arith.constant 112 : i32
      %lt3A_271 = arith.cmpi slt, %add3A_269, %lt3A_270 : i32
      %convert_element_type3A_272 = arith.extui %lt3A_271 : i1 to i32
      %cond3A_273 = arith.constant 0 : i32
      %cond3A_274 = arith.cmpi ne, %convert_element_type3A_272, %cond3A_273 : i32
      scf.if %cond3A_274 {
        %jit3A = arith.constant 4 : i32
        %div3A = arith.divsi %add3A_269, %jit3A : i32
        %sign3A = arith.constant 0 : i32
        %sign3A_413 = arith.cmpi sgt, %add3A_269, %sign3A : i32
        %sign3A_414 = arith.extui %sign3A_413 : i1 to i32
        %sign3A_415 = arith.constant 0 : i32
        %sign3A_416 = arith.cmpi slt, %add3A_269, %sign3A_415 : i32
        %sign3A_417 = arith.extui %sign3A_416 : i1 to i32
        %sign3A_418 = arith.subi %sign3A_414, %sign3A_417 : i32
        %sign3A_419 = arith.constant 0 : i32
        %sign3A_420 = arith.cmpi sgt, %jit3A, %sign3A_419 : i32
        %sign3A_421 = arith.extui %sign3A_420 : i1 to i32
        %sign3A_422 = arith.constant 0 : i32
        %sign3A_423 = arith.cmpi slt, %jit3A, %sign3A_422 : i32
        %sign3A_424 = arith.extui %sign3A_423 : i1 to i32
        %sign3A_425 = arith.subi %sign3A_421, %sign3A_424 : i32
        %ne3A = arith.cmpi ne, %sign3A_418, %sign3A_425 : i32
        %rem3A = arith.remsi %add3A_269, %jit3A : i32
        %ne3A_426 = arith.constant 0 : i32
        %ne3A_427 = arith.cmpi ne, %rem3A, %ne3A_426 : i32
        %and3A = arith.andi %ne3A, %ne3A_427 : i1
        %sub3A = arith.constant 1 : i32
        %sub3A_428 = arith.subi %div3A, %sub3A : i32
        %select_n3A = arith.select %and3A, %sub3A_428, %div3A : i32
        %add3A_429 = arith.constant 4 : i32
        %add3A_430 = arith.addi %add3A_429, %select_n3A : i32
        %jit3A_431 = arith.constant 4 : i32
        %eq3A = arith.constant 0 : i32
        %eq3A_432 = arith.cmpi eq, %jit3A_431, %eq3A : i32
        %jit3A_433 = arith.constant 1 : i32
        %select_n3A_434 = arith.select %eq3A_432, %jit3A_433, %jit3A_431 : i32
        %rem3A_435 = arith.remsi %add3A_269, %select_n3A_434 : i32
        %ne3A_436 = arith.constant 0 : i32
        %ne3A_437 = arith.cmpi ne, %rem3A_435, %ne3A_436 : i32
        %lt3A_438 = arith.constant 0 : i32
        %lt3A_439 = arith.cmpi slt, %rem3A_435, %lt3A_438 : i32
        %lt3A_440 = arith.constant 0 : i32
        %lt3A_441 = arith.cmpi slt, %select_n3A_434, %lt3A_440 : i32
        %ne3A_442 = arith.xori %lt3A_439, %lt3A_441 : i1
        %and3A_443 = arith.andi %ne3A_442, %ne3A_437 : i1
        %add3A_444 = arith.addi %rem3A_435, %select_n3A_434 : i32
        %select_n3A_445 = arith.select %and3A_443, %add3A_444, %rem3A_435 : i32
        %mul3A_446 = arith.constant 4096 : i32
        %mul3A_447 = arith.muli %select_n3A_445, %mul3A_446 : i32
        %dma_wait3A_448 = arith.constant 0 : i32
        %dma_wait3A_449 = tpu.memref_slice %arg0[%add3A_430, %mul3A_447, %dma_wait3A_448] : memref<32x16384x128xf32, #tpu.memory_space<hbm>> -> memref<1x4096x128xf32, #tpu.memory_space<hbm>>
        %dma_wait3A_450 = tpu.memref_squeeze %dma_wait3A_449 : memref<1x4096x128xf32, #tpu.memory_space<hbm>> -> memref<4096x128xf32, #tpu.memory_space<hbm>>
        tpu.wait_dma2 semaphore(%arg27 : memref<!tpu.dma_semaphore, #tpu.memory_space<semaphore_mem>>) src(%dma_wait3A_450 : memref<4096x128xf32, #tpu.memory_space<hbm>>) dst(%arg11 : memref<4096x128xf32, #tpu.memory_space<vmem>>)
        %jit3A_451 = arith.constant 4 : i32
        %div3A_452 = arith.divsi %add3A_269, %jit3A_451 : i32
        %sign3A_453 = arith.constant 0 : i32
        %sign3A_454 = arith.cmpi sgt, %add3A_269, %sign3A_453 : i32
        %sign3A_455 = arith.extui %sign3A_454 : i1 to i32
        %sign3A_456 = arith.constant 0 : i32
        %sign3A_457 = arith.cmpi slt, %add3A_269, %sign3A_456 : i32
        %sign3A_458 = arith.extui %sign3A_457 : i1 to i32
        %sign3A_459 = arith.subi %sign3A_455, %sign3A_458 : i32
        %sign3A_460 = arith.constant 0 : i32
        %sign3A_461 = arith.cmpi sgt, %jit3A_451, %sign3A_460 : i32
        %sign3A_462 = arith.extui %sign3A_461 : i1 to i32
        %sign3A_463 = arith.constant 0 : i32
        %sign3A_464 = arith.cmpi slt, %jit3A_451, %sign3A_463 : i32
        %sign3A_465 = arith.extui %sign3A_464 : i1 to i32
        %sign3A_466 = arith.subi %sign3A_462, %sign3A_465 : i32
        %ne3A_467 = arith.cmpi ne, %sign3A_459, %sign3A_466 : i32
        %rem3A_468 = arith.remsi %add3A_269, %jit3A_451 : i32
        %ne3A_469 = arith.constant 0 : i32
        %ne3A_470 = arith.cmpi ne, %rem3A_468, %ne3A_469 : i32
        %and3A_471 = arith.andi %ne3A_467, %ne3A_470 : i1
        %sub3A_472 = arith.constant 1 : i32
        %sub3A_473 = arith.subi %div3A_452, %sub3A_472 : i32
        %select_n3A_474 = arith.select %and3A_471, %sub3A_473, %div3A_452 : i32
        %add3A_475 = arith.constant 4 : i32
        %add3A_476 = arith.addi %add3A_475, %select_n3A_474 : i32
        %jit3A_477 = arith.constant 4 : i32
        %eq3A_478 = arith.constant 0 : i32
        %eq3A_479 = arith.cmpi eq, %jit3A_477, %eq3A_478 : i32
        %jit3A_480 = arith.constant 1 : i32
        %select_n3A_481 = arith.select %eq3A_479, %jit3A_480, %jit3A_477 : i32
        %rem3A_482 = arith.remsi %add3A_269, %select_n3A_481 : i32
        %ne3A_483 = arith.constant 0 : i32
        %ne3A_484 = arith.cmpi ne, %rem3A_482, %ne3A_483 : i32
        %lt3A_485 = arith.constant 0 : i32
        %lt3A_486 = arith.cmpi slt, %rem3A_482, %lt3A_485 : i32
        %lt3A_487 = arith.constant 0 : i32
        %lt3A_488 = arith.cmpi slt, %select_n3A_481, %lt3A_487 : i32
        %ne3A_489 = arith.xori %lt3A_486, %lt3A_488 : i1
        %and3A_490 = arith.andi %ne3A_489, %ne3A_484 : i1
        %add3A_491 = arith.addi %rem3A_482, %select_n3A_481 : i32
        %select_n3A_492 = arith.select %and3A_490, %add3A_491, %rem3A_482 : i32
        %mul3A_493 = arith.constant 4096 : i32
        %mul3A_494 = arith.muli %select_n3A_492, %mul3A_493 : i32
        %dma_start3A_495 = arith.constant 0 : i32
        %dma_start3A_496 = tpu.memref_slice %arg1[%add3A_476, %mul3A_494, %dma_start3A_495] : memref<32x16384x128xf32, #tpu.memory_space<hbm>> -> memref<1x4096x128xf32, #tpu.memory_space<hbm>>
        %dma_start3A_497 = tpu.memref_squeeze %dma_start3A_496 : memref<1x4096x128xf32, #tpu.memory_space<hbm>> -> memref<4096x128xf32, #tpu.memory_space<hbm>>
        tpu.enqueue_dma source(%arg11 : memref<4096x128xf32, #tpu.memory_space<vmem>>) target(%dma_start3A_497 : memref<4096x128xf32, #tpu.memory_space<hbm>>) target_semaphore(%arg43 : memref<!tpu.dma_semaphore, #tpu.memory_space<semaphore_mem>>)
      } else {
      }
      %ge3A_275 = arith.constant 8 : i32
      %ge3A_276 = arith.cmpi sge, %add3A_269, %ge3A_275 : i32
      %convert_element_type3A_277 = arith.extui %ge3A_276 : i1 to i32
      %cond3A_278 = arith.constant 0 : i32
      %cond3A_279 = arith.cmpi ne, %convert_element_type3A_277, %cond3A_278 : i32
      scf.if %cond3A_279 {
        %sub3A = arith.constant 8 : i32
        %sub3A_413 = arith.subi %add3A_269, %sub3A : i32
        %jit3A = arith.constant 4 : i32
        %div3A = arith.divsi %sub3A_413, %jit3A : i32
        %sign3A = arith.constant 0 : i32
        %sign3A_414 = arith.cmpi sgt, %sub3A_413, %sign3A : i32
        %sign3A_415 = arith.extui %sign3A_414 : i1 to i32
        %sign3A_416 = arith.constant 0 : i32
        %sign3A_417 = arith.cmpi slt, %sub3A_413, %sign3A_416 : i32
        %sign3A_418 = arith.extui %sign3A_417 : i1 to i32
        %sign3A_419 = arith.subi %sign3A_415, %sign3A_418 : i32
        %sign3A_420 = arith.constant 0 : i32
        %sign3A_421 = arith.cmpi sgt, %jit3A, %sign3A_420 : i32
        %sign3A_422 = arith.extui %sign3A_421 : i1 to i32
        %sign3A_423 = arith.constant 0 : i32
        %sign3A_424 = arith.cmpi slt, %jit3A, %sign3A_423 : i32
        %sign3A_425 = arith.extui %sign3A_424 : i1 to i32
        %sign3A_426 = arith.subi %sign3A_422, %sign3A_425 : i32
        %ne3A = arith.cmpi ne, %sign3A_419, %sign3A_426 : i32
        %rem3A = arith.remsi %sub3A_413, %jit3A : i32
        %ne3A_427 = arith.constant 0 : i32
        %ne3A_428 = arith.cmpi ne, %rem3A, %ne3A_427 : i32
        %and3A = arith.andi %ne3A, %ne3A_428 : i1
        %sub3A_429 = arith.constant 1 : i32
        %sub3A_430 = arith.subi %div3A, %sub3A_429 : i32
        %select_n3A = arith.select %and3A, %sub3A_430, %div3A : i32
        %add3A_431 = arith.constant 4 : i32
        %add3A_432 = arith.addi %add3A_431, %select_n3A : i32
        %jit3A_433 = arith.constant 4 : i32
        %eq3A = arith.constant 0 : i32
        %eq3A_434 = arith.cmpi eq, %jit3A_433, %eq3A : i32
        %jit3A_435 = arith.constant 1 : i32
        %select_n3A_436 = arith.select %eq3A_434, %jit3A_435, %jit3A_433 : i32
        %rem3A_437 = arith.remsi %sub3A_413, %select_n3A_436 : i32
        %ne3A_438 = arith.constant 0 : i32
        %ne3A_439 = arith.cmpi ne, %rem3A_437, %ne3A_438 : i32
        %lt3A_440 = arith.constant 0 : i32
        %lt3A_441 = arith.cmpi slt, %rem3A_437, %lt3A_440 : i32
        %lt3A_442 = arith.constant 0 : i32
        %lt3A_443 = arith.cmpi slt, %select_n3A_436, %lt3A_442 : i32
        %ne3A_444 = arith.xori %lt3A_441, %lt3A_443 : i1
        %and3A_445 = arith.andi %ne3A_444, %ne3A_439 : i1
        %add3A_446 = arith.addi %rem3A_437, %select_n3A_436 : i32
        %select_n3A_447 = arith.select %and3A_445, %add3A_446, %rem3A_437 : i32
        %mul3A_448 = arith.constant 4096 : i32
        %mul3A_449 = arith.muli %select_n3A_447, %mul3A_448 : i32
        %dma_wait3A_450 = arith.constant 0 : i32
        %dma_wait3A_451 = tpu.memref_slice %arg1[%add3A_432, %mul3A_449, %dma_wait3A_450] : memref<32x16384x128xf32, #tpu.memory_space<hbm>> -> memref<1x4096x128xf32, #tpu.memory_space<hbm>>
        %dma_wait3A_452 = tpu.memref_squeeze %dma_wait3A_451 : memref<1x4096x128xf32, #tpu.memory_space<hbm>> -> memref<4096x128xf32, #tpu.memory_space<hbm>>
        tpu.wait_dma2 semaphore(%arg35 : memref<!tpu.dma_semaphore, #tpu.memory_space<semaphore_mem>>) src(%arg3 : memref<4096x128xf32, #tpu.memory_space<vmem>>) dst(%dma_wait3A_452 : memref<4096x128xf32, #tpu.memory_space<hbm>>)
      } else {
      }
      %add3A_280 = arith.constant 8 : i32
      %add3A_281 = arith.addi %add3A_269, %add3A_280 : i32
      %lt3A_282 = arith.constant 112 : i32
      %lt3A_283 = arith.cmpi slt, %add3A_281, %lt3A_282 : i32
      %convert_element_type3A_284 = arith.extui %lt3A_283 : i1 to i32
      %cond3A_285 = arith.constant 0 : i32
      %cond3A_286 = arith.cmpi ne, %convert_element_type3A_284, %cond3A_285 : i32
      scf.if %cond3A_286 {
        %add3A_413 = arith.constant 8 : i32
        %add3A_414 = arith.addi %add3A_269, %add3A_413 : i32
        %jit3A = arith.constant 4 : i32
        %div3A = arith.divsi %add3A_414, %jit3A : i32
        %sign3A = arith.constant 0 : i32
        %sign3A_415 = arith.cmpi sgt, %add3A_414, %sign3A : i32
        %sign3A_416 = arith.extui %sign3A_415 : i1 to i32
        %sign3A_417 = arith.constant 0 : i32
        %sign3A_418 = arith.cmpi slt, %add3A_414, %sign3A_417 : i32
        %sign3A_419 = arith.extui %sign3A_418 : i1 to i32
        %sign3A_420 = arith.subi %sign3A_416, %sign3A_419 : i32
        %sign3A_421 = arith.constant 0 : i32
        %sign3A_422 = arith.cmpi sgt, %jit3A, %sign3A_421 : i32
        %sign3A_423 = arith.extui %sign3A_422 : i1 to i32
        %sign3A_424 = arith.constant 0 : i32
        %sign3A_425 = arith.cmpi slt, %jit3A, %sign3A_424 : i32
        %sign3A_426 = arith.extui %sign3A_425 : i1 to i32
        %sign3A_427 = arith.subi %sign3A_423, %sign3A_426 : i32
        %ne3A = arith.cmpi ne, %sign3A_420, %sign3A_427 : i32
        %rem3A = arith.remsi %add3A_414, %jit3A : i32
        %ne3A_428 = arith.constant 0 : i32
        %ne3A_429 = arith.cmpi ne, %rem3A, %ne3A_428 : i32
        %and3A = arith.andi %ne3A, %ne3A_429 : i1
        %sub3A = arith.constant 1 : i32
        %sub3A_430 = arith.subi %div3A, %sub3A : i32
        %select_n3A = arith.select %and3A, %sub3A_430, %div3A : i32
        %add3A_431 = arith.constant 4 : i32
        %add3A_432 = arith.addi %add3A_431, %select_n3A : i32
        %jit3A_433 = arith.constant 4 : i32
        %eq3A = arith.constant 0 : i32
        %eq3A_434 = arith.cmpi eq, %jit3A_433, %eq3A : i32
        %jit3A_435 = arith.constant 1 : i32
        %select_n3A_436 = arith.select %eq3A_434, %jit3A_435, %jit3A_433 : i32
        %rem3A_437 = arith.remsi %add3A_414, %select_n3A_436 : i32
        %ne3A_438 = arith.constant 0 : i32
        %ne3A_439 = arith.cmpi ne, %rem3A_437, %ne3A_438 : i32
        %lt3A_440 = arith.constant 0 : i32
        %lt3A_441 = arith.cmpi slt, %rem3A_437, %lt3A_440 : i32
        %lt3A_442 = arith.constant 0 : i32
        %lt3A_443 = arith.cmpi slt, %select_n3A_436, %lt3A_442 : i32
        %ne3A_444 = arith.xori %lt3A_441, %lt3A_443 : i1
        %and3A_445 = arith.andi %ne3A_444, %ne3A_439 : i1
        %add3A_446 = arith.addi %rem3A_437, %select_n3A_436 : i32
        %select_n3A_447 = arith.select %and3A_445, %add3A_446, %rem3A_437 : i32
        %mul3A_448 = arith.constant 4096 : i32
        %mul3A_449 = arith.muli %select_n3A_447, %mul3A_448 : i32
        %dma_start3A_450 = arith.constant 0 : i32
        %dma_start3A_451 = tpu.memref_slice %arg0[%add3A_432, %mul3A_449, %dma_start3A_450] : memref<32x16384x128xf32, #tpu.memory_space<hbm>> -> memref<1x4096x128xf32, #tpu.memory_space<hbm>>
        %dma_start3A_452 = tpu.memref_squeeze %dma_start3A_451 : memref<1x4096x128xf32, #tpu.memory_space<hbm>> -> memref<4096x128xf32, #tpu.memory_space<hbm>>
        tpu.enqueue_dma source(%dma_start3A_452 : memref<4096x128xf32, #tpu.memory_space<hbm>>) target(%arg3 : memref<4096x128xf32, #tpu.memory_space<vmem>>) target_semaphore(%arg19 : memref<!tpu.dma_semaphore, #tpu.memory_space<semaphore_mem>>)
      } else {
      }
      %mul3A_287 = arith.constant 16 : i32
      %mul3A_288 = arith.muli %scan3A_82, %mul3A_287 : i32
      %add3A_289 = arith.constant 10 : i32
      %add3A_290 = arith.addi %mul3A_288, %add3A_289 : i32
      %lt3A_291 = arith.constant 112 : i32
      %lt3A_292 = arith.cmpi slt, %add3A_290, %lt3A_291 : i32
      %convert_element_type3A_293 = arith.extui %lt3A_292 : i1 to i32
      %cond3A_294 = arith.constant 0 : i32
      %cond3A_295 = arith.cmpi ne, %convert_element_type3A_293, %cond3A_294 : i32
      scf.if %cond3A_295 {
        %jit3A = arith.constant 4 : i32
        %div3A = arith.divsi %add3A_290, %jit3A : i32
        %sign3A = arith.constant 0 : i32
        %sign3A_413 = arith.cmpi sgt, %add3A_290, %sign3A : i32
        %sign3A_414 = arith.extui %sign3A_413 : i1 to i32
        %sign3A_415 = arith.constant 0 : i32
        %sign3A_416 = arith.cmpi slt, %add3A_290, %sign3A_415 : i32
        %sign3A_417 = arith.extui %sign3A_416 : i1 to i32
        %sign3A_418 = arith.subi %sign3A_414, %sign3A_417 : i32
        %sign3A_419 = arith.constant 0 : i32
        %sign3A_420 = arith.cmpi sgt, %jit3A, %sign3A_419 : i32
        %sign3A_421 = arith.extui %sign3A_420 : i1 to i32
        %sign3A_422 = arith.constant 0 : i32
        %sign3A_423 = arith.cmpi slt, %jit3A, %sign3A_422 : i32
        %sign3A_424 = arith.extui %sign3A_423 : i1 to i32
        %sign3A_425 = arith.subi %sign3A_421, %sign3A_424 : i32
        %ne3A = arith.cmpi ne, %sign3A_418, %sign3A_425 : i32
        %rem3A = arith.remsi %add3A_290, %jit3A : i32
        %ne3A_426 = arith.constant 0 : i32
        %ne3A_427 = arith.cmpi ne, %rem3A, %ne3A_426 : i32
        %and3A = arith.andi %ne3A, %ne3A_427 : i1
        %sub3A = arith.constant 1 : i32
        %sub3A_428 = arith.subi %div3A, %sub3A : i32
        %select_n3A = arith.select %and3A, %sub3A_428, %div3A : i32
        %add3A_429 = arith.constant 4 : i32
        %add3A_430 = arith.addi %add3A_429, %select_n3A : i32
        %jit3A_431 = arith.constant 4 : i32
        %eq3A = arith.constant 0 : i32
        %eq3A_432 = arith.cmpi eq, %jit3A_431, %eq3A : i32
        %jit3A_433 = arith.constant 1 : i32
        %select_n3A_434 = arith.select %eq3A_432, %jit3A_433, %jit3A_431 : i32
        %rem3A_435 = arith.remsi %add3A_290, %select_n3A_434 : i32
        %ne3A_436 = arith.constant 0 : i32
        %ne3A_437 = arith.cmpi ne, %rem3A_435, %ne3A_436 : i32
        %lt3A_438 = arith.constant 0 : i32
        %lt3A_439 = arith.cmpi slt, %rem3A_435, %lt3A_438 : i32
        %lt3A_440 = arith.constant 0 : i32
        %lt3A_441 = arith.cmpi slt, %select_n3A_434, %lt3A_440 : i32
        %ne3A_442 = arith.xori %lt3A_439, %lt3A_441 : i1
        %and3A_443 = arith.andi %ne3A_442, %ne3A_437 : i1
        %add3A_444 = arith.addi %rem3A_435, %select_n3A_434 : i32
        %select_n3A_445 = arith.select %and3A_443, %add3A_444, %rem3A_435 : i32
        %mul3A_446 = arith.constant 4096 : i32
        %mul3A_447 = arith.muli %select_n3A_445, %mul3A_446 : i32
        %dma_wait3A_448 = arith.constant 0 : i32
        %dma_wait3A_449 = tpu.memref_slice %arg0[%add3A_430, %mul3A_447, %dma_wait3A_448] : memref<32x16384x128xf32, #tpu.memory_space<hbm>> -> memref<1x4096x128xf32, #tpu.memory_space<hbm>>
        %dma_wait3A_450 = tpu.memref_squeeze %dma_wait3A_449 : memref<1x4096x128xf32, #tpu.memory_space<hbm>> -> memref<4096x128xf32, #tpu.memory_space<hbm>>
        tpu.wait_dma2 semaphore(%arg28 : memref<!tpu.dma_semaphore, #tpu.memory_space<semaphore_mem>>) src(%dma_wait3A_450 : memref<4096x128xf32, #tpu.memory_space<hbm>>) dst(%arg12 : memref<4096x128xf32, #tpu.memory_space<vmem>>)
        %jit3A_451 = arith.constant 4 : i32
        %div3A_452 = arith.divsi %add3A_290, %jit3A_451 : i32
        %sign3A_453 = arith.constant 0 : i32
        %sign3A_454 = arith.cmpi sgt, %add3A_290, %sign3A_453 : i32
        %sign3A_455 = arith.extui %sign3A_454 : i1 to i32
        %sign3A_456 = arith.constant 0 : i32
        %sign3A_457 = arith.cmpi slt, %add3A_290, %sign3A_456 : i32
        %sign3A_458 = arith.extui %sign3A_457 : i1 to i32
        %sign3A_459 = arith.subi %sign3A_455, %sign3A_458 : i32
        %sign3A_460 = arith.constant 0 : i32
        %sign3A_461 = arith.cmpi sgt, %jit3A_451, %sign3A_460 : i32
        %sign3A_462 = arith.extui %sign3A_461 : i1 to i32
        %sign3A_463 = arith.constant 0 : i32
        %sign3A_464 = arith.cmpi slt, %jit3A_451, %sign3A_463 : i32
        %sign3A_465 = arith.extui %sign3A_464 : i1 to i32
        %sign3A_466 = arith.subi %sign3A_462, %sign3A_465 : i32
        %ne3A_467 = arith.cmpi ne, %sign3A_459, %sign3A_466 : i32
        %rem3A_468 = arith.remsi %add3A_290, %jit3A_451 : i32
        %ne3A_469 = arith.constant 0 : i32
        %ne3A_470 = arith.cmpi ne, %rem3A_468, %ne3A_469 : i32
        %and3A_471 = arith.andi %ne3A_467, %ne3A_470 : i1
        %sub3A_472 = arith.constant 1 : i32
        %sub3A_473 = arith.subi %div3A_452, %sub3A_472 : i32
        %select_n3A_474 = arith.select %and3A_471, %sub3A_473, %div3A_452 : i32
        %add3A_475 = arith.constant 4 : i32
        %add3A_476 = arith.addi %add3A_475, %select_n3A_474 : i32
        %jit3A_477 = arith.constant 4 : i32
        %eq3A_478 = arith.constant 0 : i32
        %eq3A_479 = arith.cmpi eq, %jit3A_477, %eq3A_478 : i32
        %jit3A_480 = arith.constant 1 : i32
        %select_n3A_481 = arith.select %eq3A_479, %jit3A_480, %jit3A_477 : i32
        %rem3A_482 = arith.remsi %add3A_290, %select_n3A_481 : i32
        %ne3A_483 = arith.constant 0 : i32
        %ne3A_484 = arith.cmpi ne, %rem3A_482, %ne3A_483 : i32
        %lt3A_485 = arith.constant 0 : i32
        %lt3A_486 = arith.cmpi slt, %rem3A_482, %lt3A_485 : i32
        %lt3A_487 = arith.constant 0 : i32
        %lt3A_488 = arith.cmpi slt, %select_n3A_481, %lt3A_487 : i32
        %ne3A_489 = arith.xori %lt3A_486, %lt3A_488 : i1
        %and3A_490 = arith.andi %ne3A_489, %ne3A_484 : i1
        %add3A_491 = arith.addi %rem3A_482, %select_n3A_481 : i32
        %select_n3A_492 = arith.select %and3A_490, %add3A_491, %rem3A_482 : i32
        %mul3A_493 = arith.constant 4096 : i32
        %mul3A_494 = arith.muli %select_n3A_492, %mul3A_493 : i32
        %dma_start3A_495 = arith.constant 0 : i32
        %dma_start3A_496 = tpu.memref_slice %arg1[%add3A_476, %mul3A_494, %dma_start3A_495] : memref<32x16384x128xf32, #tpu.memory_space<hbm>> -> memref<1x4096x128xf32, #tpu.memory_space<hbm>>
        %dma_start3A_497 = tpu.memref_squeeze %dma_start3A_496 : memref<1x4096x128xf32, #tpu.memory_space<hbm>> -> memref<4096x128xf32, #tpu.memory_space<hbm>>
        tpu.enqueue_dma source(%arg12 : memref<4096x128xf32, #tpu.memory_space<vmem>>) target(%dma_start3A_497 : memref<4096x128xf32, #tpu.memory_space<hbm>>) target_semaphore(%arg44 : memref<!tpu.dma_semaphore, #tpu.memory_space<semaphore_mem>>)
      } else {
      }
      %ge3A_296 = arith.constant 8 : i32
      %ge3A_297 = arith.cmpi sge, %add3A_290, %ge3A_296 : i32
      %convert_element_type3A_298 = arith.extui %ge3A_297 : i1 to i32
      %cond3A_299 = arith.constant 0 : i32
      %cond3A_300 = arith.cmpi ne, %convert_element_type3A_298, %cond3A_299 : i32
      scf.if %cond3A_300 {
        %sub3A = arith.constant 8 : i32
        %sub3A_413 = arith.subi %add3A_290, %sub3A : i32
        %jit3A = arith.constant 4 : i32
        %div3A = arith.divsi %sub3A_413, %jit3A : i32
        %sign3A = arith.constant 0 : i32
        %sign3A_414 = arith.cmpi sgt, %sub3A_413, %sign3A : i32
        %sign3A_415 = arith.extui %sign3A_414 : i1 to i32
        %sign3A_416 = arith.constant 0 : i32
        %sign3A_417 = arith.cmpi slt, %sub3A_413, %sign3A_416 : i32
        %sign3A_418 = arith.extui %sign3A_417 : i1 to i32
        %sign3A_419 = arith.subi %sign3A_415, %sign3A_418 : i32
        %sign3A_420 = arith.constant 0 : i32
        %sign3A_421 = arith.cmpi sgt, %jit3A, %sign3A_420 : i32
        %sign3A_422 = arith.extui %sign3A_421 : i1 to i32
        %sign3A_423 = arith.constant 0 : i32
        %sign3A_424 = arith.cmpi slt, %jit3A, %sign3A_423 : i32
        %sign3A_425 = arith.extui %sign3A_424 : i1 to i32
        %sign3A_426 = arith.subi %sign3A_422, %sign3A_425 : i32
        %ne3A = arith.cmpi ne, %sign3A_419, %sign3A_426 : i32
        %rem3A = arith.remsi %sub3A_413, %jit3A : i32
        %ne3A_427 = arith.constant 0 : i32
        %ne3A_428 = arith.cmpi ne, %rem3A, %ne3A_427 : i32
        %and3A = arith.andi %ne3A, %ne3A_428 : i1
        %sub3A_429 = arith.constant 1 : i32
        %sub3A_430 = arith.subi %div3A, %sub3A_429 : i32
        %select_n3A = arith.select %and3A, %sub3A_430, %div3A : i32
        %add3A_431 = arith.constant 4 : i32
        %add3A_432 = arith.addi %add3A_431, %select_n3A : i32
        %jit3A_433 = arith.constant 4 : i32
        %eq3A = arith.constant 0 : i32
        %eq3A_434 = arith.cmpi eq, %jit3A_433, %eq3A : i32
        %jit3A_435 = arith.constant 1 : i32
        %select_n3A_436 = arith.select %eq3A_434, %jit3A_435, %jit3A_433 : i32
        %rem3A_437 = arith.remsi %sub3A_413, %select_n3A_436 : i32
        %ne3A_438 = arith.constant 0 : i32
        %ne3A_439 = arith.cmpi ne, %rem3A_437, %ne3A_438 : i32
        %lt3A_440 = arith.constant 0 : i32
        %lt3A_441 = arith.cmpi slt, %rem3A_437, %lt3A_440 : i32
        %lt3A_442 = arith.constant 0 : i32
        %lt3A_443 = arith.cmpi slt, %select_n3A_436, %lt3A_442 : i32
        %ne3A_444 = arith.xori %lt3A_441, %lt3A_443 : i1
        %and3A_445 = arith.andi %ne3A_444, %ne3A_439 : i1
        %add3A_446 = arith.addi %rem3A_437, %select_n3A_436 : i32
        %select_n3A_447 = arith.select %and3A_445, %add3A_446, %rem3A_437 : i32
        %mul3A_448 = arith.constant 4096 : i32
        %mul3A_449 = arith.muli %select_n3A_447, %mul3A_448 : i32
        %dma_wait3A_450 = arith.constant 0 : i32
        %dma_wait3A_451 = tpu.memref_slice %arg1[%add3A_432, %mul3A_449, %dma_wait3A_450] : memref<32x16384x128xf32, #tpu.memory_space<hbm>> -> memref<1x4096x128xf32, #tpu.memory_space<hbm>>
        %dma_wait3A_452 = tpu.memref_squeeze %dma_wait3A_451 : memref<1x4096x128xf32, #tpu.memory_space<hbm>> -> memref<4096x128xf32, #tpu.memory_space<hbm>>
        tpu.wait_dma2 semaphore(%arg36 : memref<!tpu.dma_semaphore, #tpu.memory_space<semaphore_mem>>) src(%arg4 : memref<4096x128xf32, #tpu.memory_space<vmem>>) dst(%dma_wait3A_452 : memref<4096x128xf32, #tpu.memory_space<hbm>>)
      } else {
      }
      %add3A_301 = arith.constant 8 : i32
      %add3A_302 = arith.addi %add3A_290, %add3A_301 : i32
      %lt3A_303 = arith.constant 112 : i32
      %lt3A_304 = arith.cmpi slt, %add3A_302, %lt3A_303 : i32
      %convert_element_type3A_305 = arith.extui %lt3A_304 : i1 to i32
      %cond3A_306 = arith.constant 0 : i32
      %cond3A_307 = arith.cmpi ne, %convert_element_type3A_305, %cond3A_306 : i32
      scf.if %cond3A_307 {
        %add3A_413 = arith.constant 8 : i32
        %add3A_414 = arith.addi %add3A_290, %add3A_413 : i32
        %jit3A = arith.constant 4 : i32
        %div3A = arith.divsi %add3A_414, %jit3A : i32
        %sign3A = arith.constant 0 : i32
        %sign3A_415 = arith.cmpi sgt, %add3A_414, %sign3A : i32
        %sign3A_416 = arith.extui %sign3A_415 : i1 to i32
        %sign3A_417 = arith.constant 0 : i32
        %sign3A_418 = arith.cmpi slt, %add3A_414, %sign3A_417 : i32
        %sign3A_419 = arith.extui %sign3A_418 : i1 to i32
        %sign3A_420 = arith.subi %sign3A_416, %sign3A_419 : i32
        %sign3A_421 = arith.constant 0 : i32
        %sign3A_422 = arith.cmpi sgt, %jit3A, %sign3A_421 : i32
        %sign3A_423 = arith.extui %sign3A_422 : i1 to i32
        %sign3A_424 = arith.constant 0 : i32
        %sign3A_425 = arith.cmpi slt, %jit3A, %sign3A_424 : i32
        %sign3A_426 = arith.extui %sign3A_425 : i1 to i32
        %sign3A_427 = arith.subi %sign3A_423, %sign3A_426 : i32
        %ne3A = arith.cmpi ne, %sign3A_420, %sign3A_427 : i32
        %rem3A = arith.remsi %add3A_414, %jit3A : i32
        %ne3A_428 = arith.constant 0 : i32
        %ne3A_429 = arith.cmpi ne, %rem3A, %ne3A_428 : i32
        %and3A = arith.andi %ne3A, %ne3A_429 : i1
        %sub3A = arith.constant 1 : i32
        %sub3A_430 = arith.subi %div3A, %sub3A : i32
        %select_n3A = arith.select %and3A, %sub3A_430, %div3A : i32
        %add3A_431 = arith.constant 4 : i32
        %add3A_432 = arith.addi %add3A_431, %select_n3A : i32
        %jit3A_433 = arith.constant 4 : i32
        %eq3A = arith.constant 0 : i32
        %eq3A_434 = arith.cmpi eq, %jit3A_433, %eq3A : i32
        %jit3A_435 = arith.constant 1 : i32
        %select_n3A_436 = arith.select %eq3A_434, %jit3A_435, %jit3A_433 : i32
        %rem3A_437 = arith.remsi %add3A_414, %select_n3A_436 : i32
        %ne3A_438 = arith.constant 0 : i32
        %ne3A_439 = arith.cmpi ne, %rem3A_437, %ne3A_438 : i32
        %lt3A_440 = arith.constant 0 : i32
        %lt3A_441 = arith.cmpi slt, %rem3A_437, %lt3A_440 : i32
        %lt3A_442 = arith.constant 0 : i32
        %lt3A_443 = arith.cmpi slt, %select_n3A_436, %lt3A_442 : i32
        %ne3A_444 = arith.xori %lt3A_441, %lt3A_443 : i1
        %and3A_445 = arith.andi %ne3A_444, %ne3A_439 : i1
        %add3A_446 = arith.addi %rem3A_437, %select_n3A_436 : i32
        %select_n3A_447 = arith.select %and3A_445, %add3A_446, %rem3A_437 : i32
        %mul3A_448 = arith.constant 4096 : i32
        %mul3A_449 = arith.muli %select_n3A_447, %mul3A_448 : i32
        %dma_start3A_450 = arith.constant 0 : i32
        %dma_start3A_451 = tpu.memref_slice %arg0[%add3A_432, %mul3A_449, %dma_start3A_450] : memref<32x16384x128xf32, #tpu.memory_space<hbm>> -> memref<1x4096x128xf32, #tpu.memory_space<hbm>>
        %dma_start3A_452 = tpu.memref_squeeze %dma_start3A_451 : memref<1x4096x128xf32, #tpu.memory_space<hbm>> -> memref<4096x128xf32, #tpu.memory_space<hbm>>
        tpu.enqueue_dma source(%dma_start3A_452 : memref<4096x128xf32, #tpu.memory_space<hbm>>) target(%arg4 : memref<4096x128xf32, #tpu.memory_space<vmem>>) target_semaphore(%arg20 : memref<!tpu.dma_semaphore, #tpu.memory_space<semaphore_mem>>)
      } else {
      }
      %mul3A_308 = arith.constant 16 : i32
      %mul3A_309 = arith.muli %scan3A_82, %mul3A_308 : i32
      %add3A_310 = arith.constant 11 : i32
      %add3A_311 = arith.addi %mul3A_309, %add3A_310 : i32
      %lt3A_312 = arith.constant 112 : i32
      %lt3A_313 = arith.cmpi slt, %add3A_311, %lt3A_312 : i32
      %convert_element_type3A_314 = arith.extui %lt3A_313 : i1 to i32
      %cond3A_315 = arith.constant 0 : i32
      %cond3A_316 = arith.cmpi ne, %convert_element_type3A_314, %cond3A_315 : i32
      scf.if %cond3A_316 {
        %jit3A = arith.constant 4 : i32
        %div3A = arith.divsi %add3A_311, %jit3A : i32
        %sign3A = arith.constant 0 : i32
        %sign3A_413 = arith.cmpi sgt, %add3A_311, %sign3A : i32
        %sign3A_414 = arith.extui %sign3A_413 : i1 to i32
        %sign3A_415 = arith.constant 0 : i32
        %sign3A_416 = arith.cmpi slt, %add3A_311, %sign3A_415 : i32
        %sign3A_417 = arith.extui %sign3A_416 : i1 to i32
        %sign3A_418 = arith.subi %sign3A_414, %sign3A_417 : i32
        %sign3A_419 = arith.constant 0 : i32
        %sign3A_420 = arith.cmpi sgt, %jit3A, %sign3A_419 : i32
        %sign3A_421 = arith.extui %sign3A_420 : i1 to i32
        %sign3A_422 = arith.constant 0 : i32
        %sign3A_423 = arith.cmpi slt, %jit3A, %sign3A_422 : i32
        %sign3A_424 = arith.extui %sign3A_423 : i1 to i32
        %sign3A_425 = arith.subi %sign3A_421, %sign3A_424 : i32
        %ne3A = arith.cmpi ne, %sign3A_418, %sign3A_425 : i32
        %rem3A = arith.remsi %add3A_311, %jit3A : i32
        %ne3A_426 = arith.constant 0 : i32
        %ne3A_427 = arith.cmpi ne, %rem3A, %ne3A_426 : i32
        %and3A = arith.andi %ne3A, %ne3A_427 : i1
        %sub3A = arith.constant 1 : i32
        %sub3A_428 = arith.subi %div3A, %sub3A : i32
        %select_n3A = arith.select %and3A, %sub3A_428, %div3A : i32
        %add3A_429 = arith.constant 4 : i32
        %add3A_430 = arith.addi %add3A_429, %select_n3A : i32
        %jit3A_431 = arith.constant 4 : i32
        %eq3A = arith.constant 0 : i32
        %eq3A_432 = arith.cmpi eq, %jit3A_431, %eq3A : i32
        %jit3A_433 = arith.constant 1 : i32
        %select_n3A_434 = arith.select %eq3A_432, %jit3A_433, %jit3A_431 : i32
        %rem3A_435 = arith.remsi %add3A_311, %select_n3A_434 : i32
        %ne3A_436 = arith.constant 0 : i32
        %ne3A_437 = arith.cmpi ne, %rem3A_435, %ne3A_436 : i32
        %lt3A_438 = arith.constant 0 : i32
        %lt3A_439 = arith.cmpi slt, %rem3A_435, %lt3A_438 : i32
        %lt3A_440 = arith.constant 0 : i32
        %lt3A_441 = arith.cmpi slt, %select_n3A_434, %lt3A_440 : i32
        %ne3A_442 = arith.xori %lt3A_439, %lt3A_441 : i1
        %and3A_443 = arith.andi %ne3A_442, %ne3A_437 : i1
        %add3A_444 = arith.addi %rem3A_435, %select_n3A_434 : i32
        %select_n3A_445 = arith.select %and3A_443, %add3A_444, %rem3A_435 : i32
        %mul3A_446 = arith.constant 4096 : i32
        %mul3A_447 = arith.muli %select_n3A_445, %mul3A_446 : i32
        %dma_wait3A_448 = arith.constant 0 : i32
        %dma_wait3A_449 = tpu.memref_slice %arg0[%add3A_430, %mul3A_447, %dma_wait3A_448] : memref<32x16384x128xf32, #tpu.memory_space<hbm>> -> memref<1x4096x128xf32, #tpu.memory_space<hbm>>
        %dma_wait3A_450 = tpu.memref_squeeze %dma_wait3A_449 : memref<1x4096x128xf32, #tpu.memory_space<hbm>> -> memref<4096x128xf32, #tpu.memory_space<hbm>>
        tpu.wait_dma2 semaphore(%arg29 : memref<!tpu.dma_semaphore, #tpu.memory_space<semaphore_mem>>) src(%dma_wait3A_450 : memref<4096x128xf32, #tpu.memory_space<hbm>>) dst(%arg13 : memref<4096x128xf32, #tpu.memory_space<vmem>>)
        %jit3A_451 = arith.constant 4 : i32
        %div3A_452 = arith.divsi %add3A_311, %jit3A_451 : i32
        %sign3A_453 = arith.constant 0 : i32
        %sign3A_454 = arith.cmpi sgt, %add3A_311, %sign3A_453 : i32
        %sign3A_455 = arith.extui %sign3A_454 : i1 to i32
        %sign3A_456 = arith.constant 0 : i32
        %sign3A_457 = arith.cmpi slt, %add3A_311, %sign3A_456 : i32
        %sign3A_458 = arith.extui %sign3A_457 : i1 to i32
        %sign3A_459 = arith.subi %sign3A_455, %sign3A_458 : i32
        %sign3A_460 = arith.constant 0 : i32
        %sign3A_461 = arith.cmpi sgt, %jit3A_451, %sign3A_460 : i32
        %sign3A_462 = arith.extui %sign3A_461 : i1 to i32
        %sign3A_463 = arith.constant 0 : i32
        %sign3A_464 = arith.cmpi slt, %jit3A_451, %sign3A_463 : i32
        %sign3A_465 = arith.extui %sign3A_464 : i1 to i32
        %sign3A_466 = arith.subi %sign3A_462, %sign3A_465 : i32
        %ne3A_467 = arith.cmpi ne, %sign3A_459, %sign3A_466 : i32
        %rem3A_468 = arith.remsi %add3A_311, %jit3A_451 : i32
        %ne3A_469 = arith.constant 0 : i32
        %ne3A_470 = arith.cmpi ne, %rem3A_468, %ne3A_469 : i32
        %and3A_471 = arith.andi %ne3A_467, %ne3A_470 : i1
        %sub3A_472 = arith.constant 1 : i32
        %sub3A_473 = arith.subi %div3A_452, %sub3A_472 : i32
        %select_n3A_474 = arith.select %and3A_471, %sub3A_473, %div3A_452 : i32
        %add3A_475 = arith.constant 4 : i32
        %add3A_476 = arith.addi %add3A_475, %select_n3A_474 : i32
        %jit3A_477 = arith.constant 4 : i32
        %eq3A_478 = arith.constant 0 : i32
        %eq3A_479 = arith.cmpi eq, %jit3A_477, %eq3A_478 : i32
        %jit3A_480 = arith.constant 1 : i32
        %select_n3A_481 = arith.select %eq3A_479, %jit3A_480, %jit3A_477 : i32
        %rem3A_482 = arith.remsi %add3A_311, %select_n3A_481 : i32
        %ne3A_483 = arith.constant 0 : i32
        %ne3A_484 = arith.cmpi ne, %rem3A_482, %ne3A_483 : i32
        %lt3A_485 = arith.constant 0 : i32
        %lt3A_486 = arith.cmpi slt, %rem3A_482, %lt3A_485 : i32
        %lt3A_487 = arith.constant 0 : i32
        %lt3A_488 = arith.cmpi slt, %select_n3A_481, %lt3A_487 : i32
        %ne3A_489 = arith.xori %lt3A_486, %lt3A_488 : i1
        %and3A_490 = arith.andi %ne3A_489, %ne3A_484 : i1
        %add3A_491 = arith.addi %rem3A_482, %select_n3A_481 : i32
        %select_n3A_492 = arith.select %and3A_490, %add3A_491, %rem3A_482 : i32
        %mul3A_493 = arith.constant 4096 : i32
        %mul3A_494 = arith.muli %select_n3A_492, %mul3A_493 : i32
        %dma_start3A_495 = arith.constant 0 : i32
        %dma_start3A_496 = tpu.memref_slice %arg1[%add3A_476, %mul3A_494, %dma_start3A_495] : memref<32x16384x128xf32, #tpu.memory_space<hbm>> -> memref<1x4096x128xf32, #tpu.memory_space<hbm>>
        %dma_start3A_497 = tpu.memref_squeeze %dma_start3A_496 : memref<1x4096x128xf32, #tpu.memory_space<hbm>> -> memref<4096x128xf32, #tpu.memory_space<hbm>>
        tpu.enqueue_dma source(%arg13 : memref<4096x128xf32, #tpu.memory_space<vmem>>) target(%dma_start3A_497 : memref<4096x128xf32, #tpu.memory_space<hbm>>) target_semaphore(%arg45 : memref<!tpu.dma_semaphore, #tpu.memory_space<semaphore_mem>>)
      } else {
      }
      %ge3A_317 = arith.constant 8 : i32
      %ge3A_318 = arith.cmpi sge, %add3A_311, %ge3A_317 : i32
      %convert_element_type3A_319 = arith.extui %ge3A_318 : i1 to i32
      %cond3A_320 = arith.constant 0 : i32
      %cond3A_321 = arith.cmpi ne, %convert_element_type3A_319, %cond3A_320 : i32
      scf.if %cond3A_321 {
        %sub3A = arith.constant 8 : i32
        %sub3A_413 = arith.subi %add3A_311, %sub3A : i32
        %jit3A = arith.constant 4 : i32
        %div3A = arith.divsi %sub3A_413, %jit3A : i32
        %sign3A = arith.constant 0 : i32
        %sign3A_414 = arith.cmpi sgt, %sub3A_413, %sign3A : i32
        %sign3A_415 = arith.extui %sign3A_414 : i1 to i32
        %sign3A_416 = arith.constant 0 : i32
        %sign3A_417 = arith.cmpi slt, %sub3A_413, %sign3A_416 : i32
        %sign3A_418 = arith.extui %sign3A_417 : i1 to i32
        %sign3A_419 = arith.subi %sign3A_415, %sign3A_418 : i32
        %sign3A_420 = arith.constant 0 : i32
        %sign3A_421 = arith.cmpi sgt, %jit3A, %sign3A_420 : i32
        %sign3A_422 = arith.extui %sign3A_421 : i1 to i32
        %sign3A_423 = arith.constant 0 : i32
        %sign3A_424 = arith.cmpi slt, %jit3A, %sign3A_423 : i32
        %sign3A_425 = arith.extui %sign3A_424 : i1 to i32
        %sign3A_426 = arith.subi %sign3A_422, %sign3A_425 : i32
        %ne3A = arith.cmpi ne, %sign3A_419, %sign3A_426 : i32
        %rem3A = arith.remsi %sub3A_413, %jit3A : i32
        %ne3A_427 = arith.constant 0 : i32
        %ne3A_428 = arith.cmpi ne, %rem3A, %ne3A_427 : i32
        %and3A = arith.andi %ne3A, %ne3A_428 : i1
        %sub3A_429 = arith.constant 1 : i32
        %sub3A_430 = arith.subi %div3A, %sub3A_429 : i32
        %select_n3A = arith.select %and3A, %sub3A_430, %div3A : i32
        %add3A_431 = arith.constant 4 : i32
        %add3A_432 = arith.addi %add3A_431, %select_n3A : i32
        %jit3A_433 = arith.constant 4 : i32
        %eq3A = arith.constant 0 : i32
        %eq3A_434 = arith.cmpi eq, %jit3A_433, %eq3A : i32
        %jit3A_435 = arith.constant 1 : i32
        %select_n3A_436 = arith.select %eq3A_434, %jit3A_435, %jit3A_433 : i32
        %rem3A_437 = arith.remsi %sub3A_413, %select_n3A_436 : i32
        %ne3A_438 = arith.constant 0 : i32
        %ne3A_439 = arith.cmpi ne, %rem3A_437, %ne3A_438 : i32
        %lt3A_440 = arith.constant 0 : i32
        %lt3A_441 = arith.cmpi slt, %rem3A_437, %lt3A_440 : i32
        %lt3A_442 = arith.constant 0 : i32
        %lt3A_443 = arith.cmpi slt, %select_n3A_436, %lt3A_442 : i32
        %ne3A_444 = arith.xori %lt3A_441, %lt3A_443 : i1
        %and3A_445 = arith.andi %ne3A_444, %ne3A_439 : i1
        %add3A_446 = arith.addi %rem3A_437, %select_n3A_436 : i32
        %select_n3A_447 = arith.select %and3A_445, %add3A_446, %rem3A_437 : i32
        %mul3A_448 = arith.constant 4096 : i32
        %mul3A_449 = arith.muli %select_n3A_447, %mul3A_448 : i32
        %dma_wait3A_450 = arith.constant 0 : i32
        %dma_wait3A_451 = tpu.memref_slice %arg1[%add3A_432, %mul3A_449, %dma_wait3A_450] : memref<32x16384x128xf32, #tpu.memory_space<hbm>> -> memref<1x4096x128xf32, #tpu.memory_space<hbm>>
        %dma_wait3A_452 = tpu.memref_squeeze %dma_wait3A_451 : memref<1x4096x128xf32, #tpu.memory_space<hbm>> -> memref<4096x128xf32, #tpu.memory_space<hbm>>
        tpu.wait_dma2 semaphore(%arg37 : memref<!tpu.dma_semaphore, #tpu.memory_space<semaphore_mem>>) src(%arg5 : memref<4096x128xf32, #tpu.memory_space<vmem>>) dst(%dma_wait3A_452 : memref<4096x128xf32, #tpu.memory_space<hbm>>)
      } else {
      }
      %add3A_322 = arith.constant 8 : i32
      %add3A_323 = arith.addi %add3A_311, %add3A_322 : i32
      %lt3A_324 = arith.constant 112 : i32
      %lt3A_325 = arith.cmpi slt, %add3A_323, %lt3A_324 : i32
      %convert_element_type3A_326 = arith.extui %lt3A_325 : i1 to i32
      %cond3A_327 = arith.constant 0 : i32
      %cond3A_328 = arith.cmpi ne, %convert_element_type3A_326, %cond3A_327 : i32
      scf.if %cond3A_328 {
        %add3A_413 = arith.constant 8 : i32
        %add3A_414 = arith.addi %add3A_311, %add3A_413 : i32
        %jit3A = arith.constant 4 : i32
        %div3A = arith.divsi %add3A_414, %jit3A : i32
        %sign3A = arith.constant 0 : i32
        %sign3A_415 = arith.cmpi sgt, %add3A_414, %sign3A : i32
        %sign3A_416 = arith.extui %sign3A_415 : i1 to i32
        %sign3A_417 = arith.constant 0 : i32
        %sign3A_418 = arith.cmpi slt, %add3A_414, %sign3A_417 : i32
        %sign3A_419 = arith.extui %sign3A_418 : i1 to i32
        %sign3A_420 = arith.subi %sign3A_416, %sign3A_419 : i32
        %sign3A_421 = arith.constant 0 : i32
        %sign3A_422 = arith.cmpi sgt, %jit3A, %sign3A_421 : i32
        %sign3A_423 = arith.extui %sign3A_422 : i1 to i32
        %sign3A_424 = arith.constant 0 : i32
        %sign3A_425 = arith.cmpi slt, %jit3A, %sign3A_424 : i32
        %sign3A_426 = arith.extui %sign3A_425 : i1 to i32
        %sign3A_427 = arith.subi %sign3A_423, %sign3A_426 : i32
        %ne3A = arith.cmpi ne, %sign3A_420, %sign3A_427 : i32
        %rem3A = arith.remsi %add3A_414, %jit3A : i32
        %ne3A_428 = arith.constant 0 : i32
        %ne3A_429 = arith.cmpi ne, %rem3A, %ne3A_428 : i32
        %and3A = arith.andi %ne3A, %ne3A_429 : i1
        %sub3A = arith.constant 1 : i32
        %sub3A_430 = arith.subi %div3A, %sub3A : i32
        %select_n3A = arith.select %and3A, %sub3A_430, %div3A : i32
        %add3A_431 = arith.constant 4 : i32
        %add3A_432 = arith.addi %add3A_431, %select_n3A : i32
        %jit3A_433 = arith.constant 4 : i32
        %eq3A = arith.constant 0 : i32
        %eq3A_434 = arith.cmpi eq, %jit3A_433, %eq3A : i32
        %jit3A_435 = arith.constant 1 : i32
        %select_n3A_436 = arith.select %eq3A_434, %jit3A_435, %jit3A_433 : i32
        %rem3A_437 = arith.remsi %add3A_414, %select_n3A_436 : i32
        %ne3A_438 = arith.constant 0 : i32
        %ne3A_439 = arith.cmpi ne, %rem3A_437, %ne3A_438 : i32
        %lt3A_440 = arith.constant 0 : i32
        %lt3A_441 = arith.cmpi slt, %rem3A_437, %lt3A_440 : i32
        %lt3A_442 = arith.constant 0 : i32
        %lt3A_443 = arith.cmpi slt, %select_n3A_436, %lt3A_442 : i32
        %ne3A_444 = arith.xori %lt3A_441, %lt3A_443 : i1
        %and3A_445 = arith.andi %ne3A_444, %ne3A_439 : i1
        %add3A_446 = arith.addi %rem3A_437, %select_n3A_436 : i32
        %select_n3A_447 = arith.select %and3A_445, %add3A_446, %rem3A_437 : i32
        %mul3A_448 = arith.constant 4096 : i32
        %mul3A_449 = arith.muli %select_n3A_447, %mul3A_448 : i32
        %dma_start3A_450 = arith.constant 0 : i32
        %dma_start3A_451 = tpu.memref_slice %arg0[%add3A_432, %mul3A_449, %dma_start3A_450] : memref<32x16384x128xf32, #tpu.memory_space<hbm>> -> memref<1x4096x128xf32, #tpu.memory_space<hbm>>
        %dma_start3A_452 = tpu.memref_squeeze %dma_start3A_451 : memref<1x4096x128xf32, #tpu.memory_space<hbm>> -> memref<4096x128xf32, #tpu.memory_space<hbm>>
        tpu.enqueue_dma source(%dma_start3A_452 : memref<4096x128xf32, #tpu.memory_space<hbm>>) target(%arg5 : memref<4096x128xf32, #tpu.memory_space<vmem>>) target_semaphore(%arg21 : memref<!tpu.dma_semaphore, #tpu.memory_space<semaphore_mem>>)
      } else {
      }
      %mul3A_329 = arith.constant 16 : i32
      %mul3A_330 = arith.muli %scan3A_82, %mul3A_329 : i32
      %add3A_331 = arith.constant 12 : i32
      %add3A_332 = arith.addi %mul3A_330, %add3A_331 : i32
      %lt3A_333 = arith.constant 112 : i32
      %lt3A_334 = arith.cmpi slt, %add3A_332, %lt3A_333 : i32
      %convert_element_type3A_335 = arith.extui %lt3A_334 : i1 to i32
      %cond3A_336 = arith.constant 0 : i32
      %cond3A_337 = arith.cmpi ne, %convert_element_type3A_335, %cond3A_336 : i32
      scf.if %cond3A_337 {
        %jit3A = arith.constant 4 : i32
        %div3A = arith.divsi %add3A_332, %jit3A : i32
        %sign3A = arith.constant 0 : i32
        %sign3A_413 = arith.cmpi sgt, %add3A_332, %sign3A : i32
        %sign3A_414 = arith.extui %sign3A_413 : i1 to i32
        %sign3A_415 = arith.constant 0 : i32
        %sign3A_416 = arith.cmpi slt, %add3A_332, %sign3A_415 : i32
        %sign3A_417 = arith.extui %sign3A_416 : i1 to i32
        %sign3A_418 = arith.subi %sign3A_414, %sign3A_417 : i32
        %sign3A_419 = arith.constant 0 : i32
        %sign3A_420 = arith.cmpi sgt, %jit3A, %sign3A_419 : i32
        %sign3A_421 = arith.extui %sign3A_420 : i1 to i32
        %sign3A_422 = arith.constant 0 : i32
        %sign3A_423 = arith.cmpi slt, %jit3A, %sign3A_422 : i32
        %sign3A_424 = arith.extui %sign3A_423 : i1 to i32
        %sign3A_425 = arith.subi %sign3A_421, %sign3A_424 : i32
        %ne3A = arith.cmpi ne, %sign3A_418, %sign3A_425 : i32
        %rem3A = arith.remsi %add3A_332, %jit3A : i32
        %ne3A_426 = arith.constant 0 : i32
        %ne3A_427 = arith.cmpi ne, %rem3A, %ne3A_426 : i32
        %and3A = arith.andi %ne3A, %ne3A_427 : i1
        %sub3A = arith.constant 1 : i32
        %sub3A_428 = arith.subi %div3A, %sub3A : i32
        %select_n3A = arith.select %and3A, %sub3A_428, %div3A : i32
        %add3A_429 = arith.constant 4 : i32
        %add3A_430 = arith.addi %add3A_429, %select_n3A : i32
        %jit3A_431 = arith.constant 4 : i32
        %eq3A = arith.constant 0 : i32
        %eq3A_432 = arith.cmpi eq, %jit3A_431, %eq3A : i32
        %jit3A_433 = arith.constant 1 : i32
        %select_n3A_434 = arith.select %eq3A_432, %jit3A_433, %jit3A_431 : i32
        %rem3A_435 = arith.remsi %add3A_332, %select_n3A_434 : i32
        %ne3A_436 = arith.constant 0 : i32
        %ne3A_437 = arith.cmpi ne, %rem3A_435, %ne3A_436 : i32
        %lt3A_438 = arith.constant 0 : i32
        %lt3A_439 = arith.cmpi slt, %rem3A_435, %lt3A_438 : i32
        %lt3A_440 = arith.constant 0 : i32
        %lt3A_441 = arith.cmpi slt, %select_n3A_434, %lt3A_440 : i32
        %ne3A_442 = arith.xori %lt3A_439, %lt3A_441 : i1
        %and3A_443 = arith.andi %ne3A_442, %ne3A_437 : i1
        %add3A_444 = arith.addi %rem3A_435, %select_n3A_434 : i32
        %select_n3A_445 = arith.select %and3A_443, %add3A_444, %rem3A_435 : i32
        %mul3A_446 = arith.constant 4096 : i32
        %mul3A_447 = arith.muli %select_n3A_445, %mul3A_446 : i32
        %dma_wait3A_448 = arith.constant 0 : i32
        %dma_wait3A_449 = tpu.memref_slice %arg0[%add3A_430, %mul3A_447, %dma_wait3A_448] : memref<32x16384x128xf32, #tpu.memory_space<hbm>> -> memref<1x4096x128xf32, #tpu.memory_space<hbm>>
        %dma_wait3A_450 = tpu.memref_squeeze %dma_wait3A_449 : memref<1x4096x128xf32, #tpu.memory_space<hbm>> -> memref<4096x128xf32, #tpu.memory_space<hbm>>
        tpu.wait_dma2 semaphore(%arg30 : memref<!tpu.dma_semaphore, #tpu.memory_space<semaphore_mem>>) src(%dma_wait3A_450 : memref<4096x128xf32, #tpu.memory_space<hbm>>) dst(%arg14 : memref<4096x128xf32, #tpu.memory_space<vmem>>)
        %jit3A_451 = arith.constant 4 : i32
        %div3A_452 = arith.divsi %add3A_332, %jit3A_451 : i32
        %sign3A_453 = arith.constant 0 : i32
        %sign3A_454 = arith.cmpi sgt, %add3A_332, %sign3A_453 : i32
        %sign3A_455 = arith.extui %sign3A_454 : i1 to i32
        %sign3A_456 = arith.constant 0 : i32
        %sign3A_457 = arith.cmpi slt, %add3A_332, %sign3A_456 : i32
        %sign3A_458 = arith.extui %sign3A_457 : i1 to i32
        %sign3A_459 = arith.subi %sign3A_455, %sign3A_458 : i32
        %sign3A_460 = arith.constant 0 : i32
        %sign3A_461 = arith.cmpi sgt, %jit3A_451, %sign3A_460 : i32
        %sign3A_462 = arith.extui %sign3A_461 : i1 to i32
        %sign3A_463 = arith.constant 0 : i32
        %sign3A_464 = arith.cmpi slt, %jit3A_451, %sign3A_463 : i32
        %sign3A_465 = arith.extui %sign3A_464 : i1 to i32
        %sign3A_466 = arith.subi %sign3A_462, %sign3A_465 : i32
        %ne3A_467 = arith.cmpi ne, %sign3A_459, %sign3A_466 : i32
        %rem3A_468 = arith.remsi %add3A_332, %jit3A_451 : i32
        %ne3A_469 = arith.constant 0 : i32
        %ne3A_470 = arith.cmpi ne, %rem3A_468, %ne3A_469 : i32
        %and3A_471 = arith.andi %ne3A_467, %ne3A_470 : i1
        %sub3A_472 = arith.constant 1 : i32
        %sub3A_473 = arith.subi %div3A_452, %sub3A_472 : i32
        %select_n3A_474 = arith.select %and3A_471, %sub3A_473, %div3A_452 : i32
        %add3A_475 = arith.constant 4 : i32
        %add3A_476 = arith.addi %add3A_475, %select_n3A_474 : i32
        %jit3A_477 = arith.constant 4 : i32
        %eq3A_478 = arith.constant 0 : i32
        %eq3A_479 = arith.cmpi eq, %jit3A_477, %eq3A_478 : i32
        %jit3A_480 = arith.constant 1 : i32
        %select_n3A_481 = arith.select %eq3A_479, %jit3A_480, %jit3A_477 : i32
        %rem3A_482 = arith.remsi %add3A_332, %select_n3A_481 : i32
        %ne3A_483 = arith.constant 0 : i32
        %ne3A_484 = arith.cmpi ne, %rem3A_482, %ne3A_483 : i32
        %lt3A_485 = arith.constant 0 : i32
        %lt3A_486 = arith.cmpi slt, %rem3A_482, %lt3A_485 : i32
        %lt3A_487 = arith.constant 0 : i32
        %lt3A_488 = arith.cmpi slt, %select_n3A_481, %lt3A_487 : i32
        %ne3A_489 = arith.xori %lt3A_486, %lt3A_488 : i1
        %and3A_490 = arith.andi %ne3A_489, %ne3A_484 : i1
        %add3A_491 = arith.addi %rem3A_482, %select_n3A_481 : i32
        %select_n3A_492 = arith.select %and3A_490, %add3A_491, %rem3A_482 : i32
        %mul3A_493 = arith.constant 4096 : i32
        %mul3A_494 = arith.muli %select_n3A_492, %mul3A_493 : i32
        %dma_start3A_495 = arith.constant 0 : i32
        %dma_start3A_496 = tpu.memref_slice %arg1[%add3A_476, %mul3A_494, %dma_start3A_495] : memref<32x16384x128xf32, #tpu.memory_space<hbm>> -> memref<1x4096x128xf32, #tpu.memory_space<hbm>>
        %dma_start3A_497 = tpu.memref_squeeze %dma_start3A_496 : memref<1x4096x128xf32, #tpu.memory_space<hbm>> -> memref<4096x128xf32, #tpu.memory_space<hbm>>
        tpu.enqueue_dma source(%arg14 : memref<4096x128xf32, #tpu.memory_space<vmem>>) target(%dma_start3A_497 : memref<4096x128xf32, #tpu.memory_space<hbm>>) target_semaphore(%arg46 : memref<!tpu.dma_semaphore, #tpu.memory_space<semaphore_mem>>)
      } else {
      }
      %ge3A_338 = arith.constant 8 : i32
      %ge3A_339 = arith.cmpi sge, %add3A_332, %ge3A_338 : i32
      %convert_element_type3A_340 = arith.extui %ge3A_339 : i1 to i32
      %cond3A_341 = arith.constant 0 : i32
      %cond3A_342 = arith.cmpi ne, %convert_element_type3A_340, %cond3A_341 : i32
      scf.if %cond3A_342 {
        %sub3A = arith.constant 8 : i32
        %sub3A_413 = arith.subi %add3A_332, %sub3A : i32
        %jit3A = arith.constant 4 : i32
        %div3A = arith.divsi %sub3A_413, %jit3A : i32
        %sign3A = arith.constant 0 : i32
        %sign3A_414 = arith.cmpi sgt, %sub3A_413, %sign3A : i32
        %sign3A_415 = arith.extui %sign3A_414 : i1 to i32
        %sign3A_416 = arith.constant 0 : i32
        %sign3A_417 = arith.cmpi slt, %sub3A_413, %sign3A_416 : i32
        %sign3A_418 = arith.extui %sign3A_417 : i1 to i32
        %sign3A_419 = arith.subi %sign3A_415, %sign3A_418 : i32
        %sign3A_420 = arith.constant 0 : i32
        %sign3A_421 = arith.cmpi sgt, %jit3A, %sign3A_420 : i32
        %sign3A_422 = arith.extui %sign3A_421 : i1 to i32
        %sign3A_423 = arith.constant 0 : i32
        %sign3A_424 = arith.cmpi slt, %jit3A, %sign3A_423 : i32
        %sign3A_425 = arith.extui %sign3A_424 : i1 to i32
        %sign3A_426 = arith.subi %sign3A_422, %sign3A_425 : i32
        %ne3A = arith.cmpi ne, %sign3A_419, %sign3A_426 : i32
        %rem3A = arith.remsi %sub3A_413, %jit3A : i32
        %ne3A_427 = arith.constant 0 : i32
        %ne3A_428 = arith.cmpi ne, %rem3A, %ne3A_427 : i32
        %and3A = arith.andi %ne3A, %ne3A_428 : i1
        %sub3A_429 = arith.constant 1 : i32
        %sub3A_430 = arith.subi %div3A, %sub3A_429 : i32
        %select_n3A = arith.select %and3A, %sub3A_430, %div3A : i32
        %add3A_431 = arith.constant 4 : i32
        %add3A_432 = arith.addi %add3A_431, %select_n3A : i32
        %jit3A_433 = arith.constant 4 : i32
        %eq3A = arith.constant 0 : i32
        %eq3A_434 = arith.cmpi eq, %jit3A_433, %eq3A : i32
        %jit3A_435 = arith.constant 1 : i32
        %select_n3A_436 = arith.select %eq3A_434, %jit3A_435, %jit3A_433 : i32
        %rem3A_437 = arith.remsi %sub3A_413, %select_n3A_436 : i32
        %ne3A_438 = arith.constant 0 : i32
        %ne3A_439 = arith.cmpi ne, %rem3A_437, %ne3A_438 : i32
        %lt3A_440 = arith.constant 0 : i32
        %lt3A_441 = arith.cmpi slt, %rem3A_437, %lt3A_440 : i32
        %lt3A_442 = arith.constant 0 : i32
        %lt3A_443 = arith.cmpi slt, %select_n3A_436, %lt3A_442 : i32
        %ne3A_444 = arith.xori %lt3A_441, %lt3A_443 : i1
        %and3A_445 = arith.andi %ne3A_444, %ne3A_439 : i1
        %add3A_446 = arith.addi %rem3A_437, %select_n3A_436 : i32
        %select_n3A_447 = arith.select %and3A_445, %add3A_446, %rem3A_437 : i32
        %mul3A_448 = arith.constant 4096 : i32
        %mul3A_449 = arith.muli %select_n3A_447, %mul3A_448 : i32
        %dma_wait3A_450 = arith.constant 0 : i32
        %dma_wait3A_451 = tpu.memref_slice %arg1[%add3A_432, %mul3A_449, %dma_wait3A_450] : memref<32x16384x128xf32, #tpu.memory_space<hbm>> -> memref<1x4096x128xf32, #tpu.memory_space<hbm>>
        %dma_wait3A_452 = tpu.memref_squeeze %dma_wait3A_451 : memref<1x4096x128xf32, #tpu.memory_space<hbm>> -> memref<4096x128xf32, #tpu.memory_space<hbm>>
        tpu.wait_dma2 semaphore(%arg38 : memref<!tpu.dma_semaphore, #tpu.memory_space<semaphore_mem>>) src(%arg6 : memref<4096x128xf32, #tpu.memory_space<vmem>>) dst(%dma_wait3A_452 : memref<4096x128xf32, #tpu.memory_space<hbm>>)
      } else {
      }
      %add3A_343 = arith.constant 8 : i32
      %add3A_344 = arith.addi %add3A_332, %add3A_343 : i32
      %lt3A_345 = arith.constant 112 : i32
      %lt3A_346 = arith.cmpi slt, %add3A_344, %lt3A_345 : i32
      %convert_element_type3A_347 = arith.extui %lt3A_346 : i1 to i32
      %cond3A_348 = arith.constant 0 : i32
      %cond3A_349 = arith.cmpi ne, %convert_element_type3A_347, %cond3A_348 : i32
      scf.if %cond3A_349 {
        %add3A_413 = arith.constant 8 : i32
        %add3A_414 = arith.addi %add3A_332, %add3A_413 : i32
        %jit3A = arith.constant 4 : i32
        %div3A = arith.divsi %add3A_414, %jit3A : i32
        %sign3A = arith.constant 0 : i32
        %sign3A_415 = arith.cmpi sgt, %add3A_414, %sign3A : i32
        %sign3A_416 = arith.extui %sign3A_415 : i1 to i32
        %sign3A_417 = arith.constant 0 : i32
        %sign3A_418 = arith.cmpi slt, %add3A_414, %sign3A_417 : i32
        %sign3A_419 = arith.extui %sign3A_418 : i1 to i32
        %sign3A_420 = arith.subi %sign3A_416, %sign3A_419 : i32
        %sign3A_421 = arith.constant 0 : i32
        %sign3A_422 = arith.cmpi sgt, %jit3A, %sign3A_421 : i32
        %sign3A_423 = arith.extui %sign3A_422 : i1 to i32
        %sign3A_424 = arith.constant 0 : i32
        %sign3A_425 = arith.cmpi slt, %jit3A, %sign3A_424 : i32
        %sign3A_426 = arith.extui %sign3A_425 : i1 to i32
        %sign3A_427 = arith.subi %sign3A_423, %sign3A_426 : i32
        %ne3A = arith.cmpi ne, %sign3A_420, %sign3A_427 : i32
        %rem3A = arith.remsi %add3A_414, %jit3A : i32
        %ne3A_428 = arith.constant 0 : i32
        %ne3A_429 = arith.cmpi ne, %rem3A, %ne3A_428 : i32
        %and3A = arith.andi %ne3A, %ne3A_429 : i1
        %sub3A = arith.constant 1 : i32
        %sub3A_430 = arith.subi %div3A, %sub3A : i32
        %select_n3A = arith.select %and3A, %sub3A_430, %div3A : i32
        %add3A_431 = arith.constant 4 : i32
        %add3A_432 = arith.addi %add3A_431, %select_n3A : i32
        %jit3A_433 = arith.constant 4 : i32
        %eq3A = arith.constant 0 : i32
        %eq3A_434 = arith.cmpi eq, %jit3A_433, %eq3A : i32
        %jit3A_435 = arith.constant 1 : i32
        %select_n3A_436 = arith.select %eq3A_434, %jit3A_435, %jit3A_433 : i32
        %rem3A_437 = arith.remsi %add3A_414, %select_n3A_436 : i32
        %ne3A_438 = arith.constant 0 : i32
        %ne3A_439 = arith.cmpi ne, %rem3A_437, %ne3A_438 : i32
        %lt3A_440 = arith.constant 0 : i32
        %lt3A_441 = arith.cmpi slt, %rem3A_437, %lt3A_440 : i32
        %lt3A_442 = arith.constant 0 : i32
        %lt3A_443 = arith.cmpi slt, %select_n3A_436, %lt3A_442 : i32
        %ne3A_444 = arith.xori %lt3A_441, %lt3A_443 : i1
        %and3A_445 = arith.andi %ne3A_444, %ne3A_439 : i1
        %add3A_446 = arith.addi %rem3A_437, %select_n3A_436 : i32
        %select_n3A_447 = arith.select %and3A_445, %add3A_446, %rem3A_437 : i32
        %mul3A_448 = arith.constant 4096 : i32
        %mul3A_449 = arith.muli %select_n3A_447, %mul3A_448 : i32
        %dma_start3A_450 = arith.constant 0 : i32
        %dma_start3A_451 = tpu.memref_slice %arg0[%add3A_432, %mul3A_449, %dma_start3A_450] : memref<32x16384x128xf32, #tpu.memory_space<hbm>> -> memref<1x4096x128xf32, #tpu.memory_space<hbm>>
        %dma_start3A_452 = tpu.memref_squeeze %dma_start3A_451 : memref<1x4096x128xf32, #tpu.memory_space<hbm>> -> memref<4096x128xf32, #tpu.memory_space<hbm>>
        tpu.enqueue_dma source(%dma_start3A_452 : memref<4096x128xf32, #tpu.memory_space<hbm>>) target(%arg6 : memref<4096x128xf32, #tpu.memory_space<vmem>>) target_semaphore(%arg22 : memref<!tpu.dma_semaphore, #tpu.memory_space<semaphore_mem>>)
      } else {
      }
      %mul3A_350 = arith.constant 16 : i32
      %mul3A_351 = arith.muli %scan3A_82, %mul3A_350 : i32
      %add3A_352 = arith.constant 13 : i32
      %add3A_353 = arith.addi %mul3A_351, %add3A_352 : i32
      %lt3A_354 = arith.constant 112 : i32
      %lt3A_355 = arith.cmpi slt, %add3A_353, %lt3A_354 : i32
      %convert_element_type3A_356 = arith.extui %lt3A_355 : i1 to i32
      %cond3A_357 = arith.constant 0 : i32
      %cond3A_358 = arith.cmpi ne, %convert_element_type3A_356, %cond3A_357 : i32
      scf.if %cond3A_358 {
        %jit3A = arith.constant 4 : i32
        %div3A = arith.divsi %add3A_353, %jit3A : i32
        %sign3A = arith.constant 0 : i32
        %sign3A_413 = arith.cmpi sgt, %add3A_353, %sign3A : i32
        %sign3A_414 = arith.extui %sign3A_413 : i1 to i32
        %sign3A_415 = arith.constant 0 : i32
        %sign3A_416 = arith.cmpi slt, %add3A_353, %sign3A_415 : i32
        %sign3A_417 = arith.extui %sign3A_416 : i1 to i32
        %sign3A_418 = arith.subi %sign3A_414, %sign3A_417 : i32
        %sign3A_419 = arith.constant 0 : i32
        %sign3A_420 = arith.cmpi sgt, %jit3A, %sign3A_419 : i32
        %sign3A_421 = arith.extui %sign3A_420 : i1 to i32
        %sign3A_422 = arith.constant 0 : i32
        %sign3A_423 = arith.cmpi slt, %jit3A, %sign3A_422 : i32
        %sign3A_424 = arith.extui %sign3A_423 : i1 to i32
        %sign3A_425 = arith.subi %sign3A_421, %sign3A_424 : i32
        %ne3A = arith.cmpi ne, %sign3A_418, %sign3A_425 : i32
        %rem3A = arith.remsi %add3A_353, %jit3A : i32
        %ne3A_426 = arith.constant 0 : i32
        %ne3A_427 = arith.cmpi ne, %rem3A, %ne3A_426 : i32
        %and3A = arith.andi %ne3A, %ne3A_427 : i1
        %sub3A = arith.constant 1 : i32
        %sub3A_428 = arith.subi %div3A, %sub3A : i32
        %select_n3A = arith.select %and3A, %sub3A_428, %div3A : i32
        %add3A_429 = arith.constant 4 : i32
        %add3A_430 = arith.addi %add3A_429, %select_n3A : i32
        %jit3A_431 = arith.constant 4 : i32
        %eq3A = arith.constant 0 : i32
        %eq3A_432 = arith.cmpi eq, %jit3A_431, %eq3A : i32
        %jit3A_433 = arith.constant 1 : i32
        %select_n3A_434 = arith.select %eq3A_432, %jit3A_433, %jit3A_431 : i32
        %rem3A_435 = arith.remsi %add3A_353, %select_n3A_434 : i32
        %ne3A_436 = arith.constant 0 : i32
        %ne3A_437 = arith.cmpi ne, %rem3A_435, %ne3A_436 : i32
        %lt3A_438 = arith.constant 0 : i32
        %lt3A_439 = arith.cmpi slt, %rem3A_435, %lt3A_438 : i32
        %lt3A_440 = arith.constant 0 : i32
        %lt3A_441 = arith.cmpi slt, %select_n3A_434, %lt3A_440 : i32
        %ne3A_442 = arith.xori %lt3A_439, %lt3A_441 : i1
        %and3A_443 = arith.andi %ne3A_442, %ne3A_437 : i1
        %add3A_444 = arith.addi %rem3A_435, %select_n3A_434 : i32
        %select_n3A_445 = arith.select %and3A_443, %add3A_444, %rem3A_435 : i32
        %mul3A_446 = arith.constant 4096 : i32
        %mul3A_447 = arith.muli %select_n3A_445, %mul3A_446 : i32
        %dma_wait3A_448 = arith.constant 0 : i32
        %dma_wait3A_449 = tpu.memref_slice %arg0[%add3A_430, %mul3A_447, %dma_wait3A_448] : memref<32x16384x128xf32, #tpu.memory_space<hbm>> -> memref<1x4096x128xf32, #tpu.memory_space<hbm>>
        %dma_wait3A_450 = tpu.memref_squeeze %dma_wait3A_449 : memref<1x4096x128xf32, #tpu.memory_space<hbm>> -> memref<4096x128xf32, #tpu.memory_space<hbm>>
        tpu.wait_dma2 semaphore(%arg31 : memref<!tpu.dma_semaphore, #tpu.memory_space<semaphore_mem>>) src(%dma_wait3A_450 : memref<4096x128xf32, #tpu.memory_space<hbm>>) dst(%arg15 : memref<4096x128xf32, #tpu.memory_space<vmem>>)
        %jit3A_451 = arith.constant 4 : i32
        %div3A_452 = arith.divsi %add3A_353, %jit3A_451 : i32
        %sign3A_453 = arith.constant 0 : i32
        %sign3A_454 = arith.cmpi sgt, %add3A_353, %sign3A_453 : i32
        %sign3A_455 = arith.extui %sign3A_454 : i1 to i32
        %sign3A_456 = arith.constant 0 : i32
        %sign3A_457 = arith.cmpi slt, %add3A_353, %sign3A_456 : i32
        %sign3A_458 = arith.extui %sign3A_457 : i1 to i32
        %sign3A_459 = arith.subi %sign3A_455, %sign3A_458 : i32
        %sign3A_460 = arith.constant 0 : i32
        %sign3A_461 = arith.cmpi sgt, %jit3A_451, %sign3A_460 : i32
        %sign3A_462 = arith.extui %sign3A_461 : i1 to i32
        %sign3A_463 = arith.constant 0 : i32
        %sign3A_464 = arith.cmpi slt, %jit3A_451, %sign3A_463 : i32
        %sign3A_465 = arith.extui %sign3A_464 : i1 to i32
        %sign3A_466 = arith.subi %sign3A_462, %sign3A_465 : i32
        %ne3A_467 = arith.cmpi ne, %sign3A_459, %sign3A_466 : i32
        %rem3A_468 = arith.remsi %add3A_353, %jit3A_451 : i32
        %ne3A_469 = arith.constant 0 : i32
        %ne3A_470 = arith.cmpi ne, %rem3A_468, %ne3A_469 : i32
        %and3A_471 = arith.andi %ne3A_467, %ne3A_470 : i1
        %sub3A_472 = arith.constant 1 : i32
        %sub3A_473 = arith.subi %div3A_452, %sub3A_472 : i32
        %select_n3A_474 = arith.select %and3A_471, %sub3A_473, %div3A_452 : i32
        %add3A_475 = arith.constant 4 : i32
        %add3A_476 = arith.addi %add3A_475, %select_n3A_474 : i32
        %jit3A_477 = arith.constant 4 : i32
        %eq3A_478 = arith.constant 0 : i32
        %eq3A_479 = arith.cmpi eq, %jit3A_477, %eq3A_478 : i32
        %jit3A_480 = arith.constant 1 : i32
        %select_n3A_481 = arith.select %eq3A_479, %jit3A_480, %jit3A_477 : i32
        %rem3A_482 = arith.remsi %add3A_353, %select_n3A_481 : i32
        %ne3A_483 = arith.constant 0 : i32
        %ne3A_484 = arith.cmpi ne, %rem3A_482, %ne3A_483 : i32
        %lt3A_485 = arith.constant 0 : i32
        %lt3A_486 = arith.cmpi slt, %rem3A_482, %lt3A_485 : i32
        %lt3A_487 = arith.constant 0 : i32
        %lt3A_488 = arith.cmpi slt, %select_n3A_481, %lt3A_487 : i32
        %ne3A_489 = arith.xori %lt3A_486, %lt3A_488 : i1
        %and3A_490 = arith.andi %ne3A_489, %ne3A_484 : i1
        %add3A_491 = arith.addi %rem3A_482, %select_n3A_481 : i32
        %select_n3A_492 = arith.select %and3A_490, %add3A_491, %rem3A_482 : i32
        %mul3A_493 = arith.constant 4096 : i32
        %mul3A_494 = arith.muli %select_n3A_492, %mul3A_493 : i32
        %dma_start3A_495 = arith.constant 0 : i32
        %dma_start3A_496 = tpu.memref_slice %arg1[%add3A_476, %mul3A_494, %dma_start3A_495] : memref<32x16384x128xf32, #tpu.memory_space<hbm>> -> memref<1x4096x128xf32, #tpu.memory_space<hbm>>
        %dma_start3A_497 = tpu.memref_squeeze %dma_start3A_496 : memref<1x4096x128xf32, #tpu.memory_space<hbm>> -> memref<4096x128xf32, #tpu.memory_space<hbm>>
        tpu.enqueue_dma source(%arg15 : memref<4096x128xf32, #tpu.memory_space<vmem>>) target(%dma_start3A_497 : memref<4096x128xf32, #tpu.memory_space<hbm>>) target_semaphore(%arg47 : memref<!tpu.dma_semaphore, #tpu.memory_space<semaphore_mem>>)
      } else {
      }
      %ge3A_359 = arith.constant 8 : i32
      %ge3A_360 = arith.cmpi sge, %add3A_353, %ge3A_359 : i32
      %convert_element_type3A_361 = arith.extui %ge3A_360 : i1 to i32
      %cond3A_362 = arith.constant 0 : i32
      %cond3A_363 = arith.cmpi ne, %convert_element_type3A_361, %cond3A_362 : i32
      scf.if %cond3A_363 {
        %sub3A = arith.constant 8 : i32
        %sub3A_413 = arith.subi %add3A_353, %sub3A : i32
        %jit3A = arith.constant 4 : i32
        %div3A = arith.divsi %sub3A_413, %jit3A : i32
        %sign3A = arith.constant 0 : i32
        %sign3A_414 = arith.cmpi sgt, %sub3A_413, %sign3A : i32
        %sign3A_415 = arith.extui %sign3A_414 : i1 to i32
        %sign3A_416 = arith.constant 0 : i32
        %sign3A_417 = arith.cmpi slt, %sub3A_413, %sign3A_416 : i32
        %sign3A_418 = arith.extui %sign3A_417 : i1 to i32
        %sign3A_419 = arith.subi %sign3A_415, %sign3A_418 : i32
        %sign3A_420 = arith.constant 0 : i32
        %sign3A_421 = arith.cmpi sgt, %jit3A, %sign3A_420 : i32
        %sign3A_422 = arith.extui %sign3A_421 : i1 to i32
        %sign3A_423 = arith.constant 0 : i32
        %sign3A_424 = arith.cmpi slt, %jit3A, %sign3A_423 : i32
        %sign3A_425 = arith.extui %sign3A_424 : i1 to i32
        %sign3A_426 = arith.subi %sign3A_422, %sign3A_425 : i32
        %ne3A = arith.cmpi ne, %sign3A_419, %sign3A_426 : i32
        %rem3A = arith.remsi %sub3A_413, %jit3A : i32
        %ne3A_427 = arith.constant 0 : i32
        %ne3A_428 = arith.cmpi ne, %rem3A, %ne3A_427 : i32
        %and3A = arith.andi %ne3A, %ne3A_428 : i1
        %sub3A_429 = arith.constant 1 : i32
        %sub3A_430 = arith.subi %div3A, %sub3A_429 : i32
        %select_n3A = arith.select %and3A, %sub3A_430, %div3A : i32
        %add3A_431 = arith.constant 4 : i32
        %add3A_432 = arith.addi %add3A_431, %select_n3A : i32
        %jit3A_433 = arith.constant 4 : i32
        %eq3A = arith.constant 0 : i32
        %eq3A_434 = arith.cmpi eq, %jit3A_433, %eq3A : i32
        %jit3A_435 = arith.constant 1 : i32
        %select_n3A_436 = arith.select %eq3A_434, %jit3A_435, %jit3A_433 : i32
        %rem3A_437 = arith.remsi %sub3A_413, %select_n3A_436 : i32
        %ne3A_438 = arith.constant 0 : i32
        %ne3A_439 = arith.cmpi ne, %rem3A_437, %ne3A_438 : i32
        %lt3A_440 = arith.constant 0 : i32
        %lt3A_441 = arith.cmpi slt, %rem3A_437, %lt3A_440 : i32
        %lt3A_442 = arith.constant 0 : i32
        %lt3A_443 = arith.cmpi slt, %select_n3A_436, %lt3A_442 : i32
        %ne3A_444 = arith.xori %lt3A_441, %lt3A_443 : i1
        %and3A_445 = arith.andi %ne3A_444, %ne3A_439 : i1
        %add3A_446 = arith.addi %rem3A_437, %select_n3A_436 : i32
        %select_n3A_447 = arith.select %and3A_445, %add3A_446, %rem3A_437 : i32
        %mul3A_448 = arith.constant 4096 : i32
        %mul3A_449 = arith.muli %select_n3A_447, %mul3A_448 : i32
        %dma_wait3A_450 = arith.constant 0 : i32
        %dma_wait3A_451 = tpu.memref_slice %arg1[%add3A_432, %mul3A_449, %dma_wait3A_450] : memref<32x16384x128xf32, #tpu.memory_space<hbm>> -> memref<1x4096x128xf32, #tpu.memory_space<hbm>>
        %dma_wait3A_452 = tpu.memref_squeeze %dma_wait3A_451 : memref<1x4096x128xf32, #tpu.memory_space<hbm>> -> memref<4096x128xf32, #tpu.memory_space<hbm>>
        tpu.wait_dma2 semaphore(%arg39 : memref<!tpu.dma_semaphore, #tpu.memory_space<semaphore_mem>>) src(%arg7 : memref<4096x128xf32, #tpu.memory_space<vmem>>) dst(%dma_wait3A_452 : memref<4096x128xf32, #tpu.memory_space<hbm>>)
      } else {
      }
      %add3A_364 = arith.constant 8 : i32
      %add3A_365 = arith.addi %add3A_353, %add3A_364 : i32
      %lt3A_366 = arith.constant 112 : i32
      %lt3A_367 = arith.cmpi slt, %add3A_365, %lt3A_366 : i32
      %convert_element_type3A_368 = arith.extui %lt3A_367 : i1 to i32
      %cond3A_369 = arith.constant 0 : i32
      %cond3A_370 = arith.cmpi ne, %convert_element_type3A_368, %cond3A_369 : i32
      scf.if %cond3A_370 {
        %add3A_413 = arith.constant 8 : i32
        %add3A_414 = arith.addi %add3A_353, %add3A_413 : i32
        %jit3A = arith.constant 4 : i32
        %div3A = arith.divsi %add3A_414, %jit3A : i32
        %sign3A = arith.constant 0 : i32
        %sign3A_415 = arith.cmpi sgt, %add3A_414, %sign3A : i32
        %sign3A_416 = arith.extui %sign3A_415 : i1 to i32
        %sign3A_417 = arith.constant 0 : i32
        %sign3A_418 = arith.cmpi slt, %add3A_414, %sign3A_417 : i32
        %sign3A_419 = arith.extui %sign3A_418 : i1 to i32
        %sign3A_420 = arith.subi %sign3A_416, %sign3A_419 : i32
        %sign3A_421 = arith.constant 0 : i32
        %sign3A_422 = arith.cmpi sgt, %jit3A, %sign3A_421 : i32
        %sign3A_423 = arith.extui %sign3A_422 : i1 to i32
        %sign3A_424 = arith.constant 0 : i32
        %sign3A_425 = arith.cmpi slt, %jit3A, %sign3A_424 : i32
        %sign3A_426 = arith.extui %sign3A_425 : i1 to i32
        %sign3A_427 = arith.subi %sign3A_423, %sign3A_426 : i32
        %ne3A = arith.cmpi ne, %sign3A_420, %sign3A_427 : i32
        %rem3A = arith.remsi %add3A_414, %jit3A : i32
        %ne3A_428 = arith.constant 0 : i32
        %ne3A_429 = arith.cmpi ne, %rem3A, %ne3A_428 : i32
        %and3A = arith.andi %ne3A, %ne3A_429 : i1
        %sub3A = arith.constant 1 : i32
        %sub3A_430 = arith.subi %div3A, %sub3A : i32
        %select_n3A = arith.select %and3A, %sub3A_430, %div3A : i32
        %add3A_431 = arith.constant 4 : i32
        %add3A_432 = arith.addi %add3A_431, %select_n3A : i32
        %jit3A_433 = arith.constant 4 : i32
        %eq3A = arith.constant 0 : i32
        %eq3A_434 = arith.cmpi eq, %jit3A_433, %eq3A : i32
        %jit3A_435 = arith.constant 1 : i32
        %select_n3A_436 = arith.select %eq3A_434, %jit3A_435, %jit3A_433 : i32
        %rem3A_437 = arith.remsi %add3A_414, %select_n3A_436 : i32
        %ne3A_438 = arith.constant 0 : i32
        %ne3A_439 = arith.cmpi ne, %rem3A_437, %ne3A_438 : i32
        %lt3A_440 = arith.constant 0 : i32
        %lt3A_441 = arith.cmpi slt, %rem3A_437, %lt3A_440 : i32
        %lt3A_442 = arith.constant 0 : i32
        %lt3A_443 = arith.cmpi slt, %select_n3A_436, %lt3A_442 : i32
        %ne3A_444 = arith.xori %lt3A_441, %lt3A_443 : i1
        %and3A_445 = arith.andi %ne3A_444, %ne3A_439 : i1
        %add3A_446 = arith.addi %rem3A_437, %select_n3A_436 : i32
        %select_n3A_447 = arith.select %and3A_445, %add3A_446, %rem3A_437 : i32
        %mul3A_448 = arith.constant 4096 : i32
        %mul3A_449 = arith.muli %select_n3A_447, %mul3A_448 : i32
        %dma_start3A_450 = arith.constant 0 : i32
        %dma_start3A_451 = tpu.memref_slice %arg0[%add3A_432, %mul3A_449, %dma_start3A_450] : memref<32x16384x128xf32, #tpu.memory_space<hbm>> -> memref<1x4096x128xf32, #tpu.memory_space<hbm>>
        %dma_start3A_452 = tpu.memref_squeeze %dma_start3A_451 : memref<1x4096x128xf32, #tpu.memory_space<hbm>> -> memref<4096x128xf32, #tpu.memory_space<hbm>>
        tpu.enqueue_dma source(%dma_start3A_452 : memref<4096x128xf32, #tpu.memory_space<hbm>>) target(%arg7 : memref<4096x128xf32, #tpu.memory_space<vmem>>) target_semaphore(%arg23 : memref<!tpu.dma_semaphore, #tpu.memory_space<semaphore_mem>>)
      } else {
      }
      %mul3A_371 = arith.constant 16 : i32
      %mul3A_372 = arith.muli %scan3A_82, %mul3A_371 : i32
      %add3A_373 = arith.constant 14 : i32
      %add3A_374 = arith.addi %mul3A_372, %add3A_373 : i32
      %lt3A_375 = arith.constant 112 : i32
      %lt3A_376 = arith.cmpi slt, %add3A_374, %lt3A_375 : i32
      %convert_element_type3A_377 = arith.extui %lt3A_376 : i1 to i32
      %cond3A_378 = arith.constant 0 : i32
      %cond3A_379 = arith.cmpi ne, %convert_element_type3A_377, %cond3A_378 : i32
      scf.if %cond3A_379 {
        %jit3A = arith.constant 4 : i32
        %div3A = arith.divsi %add3A_374, %jit3A : i32
        %sign3A = arith.constant 0 : i32
        %sign3A_413 = arith.cmpi sgt, %add3A_374, %sign3A : i32
        %sign3A_414 = arith.extui %sign3A_413 : i1 to i32
        %sign3A_415 = arith.constant 0 : i32
        %sign3A_416 = arith.cmpi slt, %add3A_374, %sign3A_415 : i32
        %sign3A_417 = arith.extui %sign3A_416 : i1 to i32
        %sign3A_418 = arith.subi %sign3A_414, %sign3A_417 : i32
        %sign3A_419 = arith.constant 0 : i32
        %sign3A_420 = arith.cmpi sgt, %jit3A, %sign3A_419 : i32
        %sign3A_421 = arith.extui %sign3A_420 : i1 to i32
        %sign3A_422 = arith.constant 0 : i32
        %sign3A_423 = arith.cmpi slt, %jit3A, %sign3A_422 : i32
        %sign3A_424 = arith.extui %sign3A_423 : i1 to i32
        %sign3A_425 = arith.subi %sign3A_421, %sign3A_424 : i32
        %ne3A = arith.cmpi ne, %sign3A_418, %sign3A_425 : i32
        %rem3A = arith.remsi %add3A_374, %jit3A : i32
        %ne3A_426 = arith.constant 0 : i32
        %ne3A_427 = arith.cmpi ne, %rem3A, %ne3A_426 : i32
        %and3A = arith.andi %ne3A, %ne3A_427 : i1
        %sub3A = arith.constant 1 : i32
        %sub3A_428 = arith.subi %div3A, %sub3A : i32
        %select_n3A = arith.select %and3A, %sub3A_428, %div3A : i32
        %add3A_429 = arith.constant 4 : i32
        %add3A_430 = arith.addi %add3A_429, %select_n3A : i32
        %jit3A_431 = arith.constant 4 : i32
        %eq3A = arith.constant 0 : i32
        %eq3A_432 = arith.cmpi eq, %jit3A_431, %eq3A : i32
        %jit3A_433 = arith.constant 1 : i32
        %select_n3A_434 = arith.select %eq3A_432, %jit3A_433, %jit3A_431 : i32
        %rem3A_435 = arith.remsi %add3A_374, %select_n3A_434 : i32
        %ne3A_436 = arith.constant 0 : i32
        %ne3A_437 = arith.cmpi ne, %rem3A_435, %ne3A_436 : i32
        %lt3A_438 = arith.constant 0 : i32
        %lt3A_439 = arith.cmpi slt, %rem3A_435, %lt3A_438 : i32
        %lt3A_440 = arith.constant 0 : i32
        %lt3A_441 = arith.cmpi slt, %select_n3A_434, %lt3A_440 : i32
        %ne3A_442 = arith.xori %lt3A_439, %lt3A_441 : i1
        %and3A_443 = arith.andi %ne3A_442, %ne3A_437 : i1
        %add3A_444 = arith.addi %rem3A_435, %select_n3A_434 : i32
        %select_n3A_445 = arith.select %and3A_443, %add3A_444, %rem3A_435 : i32
        %mul3A_446 = arith.constant 4096 : i32
        %mul3A_447 = arith.muli %select_n3A_445, %mul3A_446 : i32
        %dma_wait3A_448 = arith.constant 0 : i32
        %dma_wait3A_449 = tpu.memref_slice %arg0[%add3A_430, %mul3A_447, %dma_wait3A_448] : memref<32x16384x128xf32, #tpu.memory_space<hbm>> -> memref<1x4096x128xf32, #tpu.memory_space<hbm>>
        %dma_wait3A_450 = tpu.memref_squeeze %dma_wait3A_449 : memref<1x4096x128xf32, #tpu.memory_space<hbm>> -> memref<4096x128xf32, #tpu.memory_space<hbm>>
        tpu.wait_dma2 semaphore(%arg32 : memref<!tpu.dma_semaphore, #tpu.memory_space<semaphore_mem>>) src(%dma_wait3A_450 : memref<4096x128xf32, #tpu.memory_space<hbm>>) dst(%arg16 : memref<4096x128xf32, #tpu.memory_space<vmem>>)
        %jit3A_451 = arith.constant 4 : i32
        %div3A_452 = arith.divsi %add3A_374, %jit3A_451 : i32
        %sign3A_453 = arith.constant 0 : i32
        %sign3A_454 = arith.cmpi sgt, %add3A_374, %sign3A_453 : i32
        %sign3A_455 = arith.extui %sign3A_454 : i1 to i32
        %sign3A_456 = arith.constant 0 : i32
        %sign3A_457 = arith.cmpi slt, %add3A_374, %sign3A_456 : i32
        %sign3A_458 = arith.extui %sign3A_457 : i1 to i32
        %sign3A_459 = arith.subi %sign3A_455, %sign3A_458 : i32
        %sign3A_460 = arith.constant 0 : i32
        %sign3A_461 = arith.cmpi sgt, %jit3A_451, %sign3A_460 : i32
        %sign3A_462 = arith.extui %sign3A_461 : i1 to i32
        %sign3A_463 = arith.constant 0 : i32
        %sign3A_464 = arith.cmpi slt, %jit3A_451, %sign3A_463 : i32
        %sign3A_465 = arith.extui %sign3A_464 : i1 to i32
        %sign3A_466 = arith.subi %sign3A_462, %sign3A_465 : i32
        %ne3A_467 = arith.cmpi ne, %sign3A_459, %sign3A_466 : i32
        %rem3A_468 = arith.remsi %add3A_374, %jit3A_451 : i32
        %ne3A_469 = arith.constant 0 : i32
        %ne3A_470 = arith.cmpi ne, %rem3A_468, %ne3A_469 : i32
        %and3A_471 = arith.andi %ne3A_467, %ne3A_470 : i1
        %sub3A_472 = arith.constant 1 : i32
        %sub3A_473 = arith.subi %div3A_452, %sub3A_472 : i32
        %select_n3A_474 = arith.select %and3A_471, %sub3A_473, %div3A_452 : i32
        %add3A_475 = arith.constant 4 : i32
        %add3A_476 = arith.addi %add3A_475, %select_n3A_474 : i32
        %jit3A_477 = arith.constant 4 : i32
        %eq3A_478 = arith.constant 0 : i32
        %eq3A_479 = arith.cmpi eq, %jit3A_477, %eq3A_478 : i32
        %jit3A_480 = arith.constant 1 : i32
        %select_n3A_481 = arith.select %eq3A_479, %jit3A_480, %jit3A_477 : i32
        %rem3A_482 = arith.remsi %add3A_374, %select_n3A_481 : i32
        %ne3A_483 = arith.constant 0 : i32
        %ne3A_484 = arith.cmpi ne, %rem3A_482, %ne3A_483 : i32
        %lt3A_485 = arith.constant 0 : i32
        %lt3A_486 = arith.cmpi slt, %rem3A_482, %lt3A_485 : i32
        %lt3A_487 = arith.constant 0 : i32
        %lt3A_488 = arith.cmpi slt, %select_n3A_481, %lt3A_487 : i32
        %ne3A_489 = arith.xori %lt3A_486, %lt3A_488 : i1
        %and3A_490 = arith.andi %ne3A_489, %ne3A_484 : i1
        %add3A_491 = arith.addi %rem3A_482, %select_n3A_481 : i32
        %select_n3A_492 = arith.select %and3A_490, %add3A_491, %rem3A_482 : i32
        %mul3A_493 = arith.constant 4096 : i32
        %mul3A_494 = arith.muli %select_n3A_492, %mul3A_493 : i32
        %dma_start3A_495 = arith.constant 0 : i32
        %dma_start3A_496 = tpu.memref_slice %arg1[%add3A_476, %mul3A_494, %dma_start3A_495] : memref<32x16384x128xf32, #tpu.memory_space<hbm>> -> memref<1x4096x128xf32, #tpu.memory_space<hbm>>
        %dma_start3A_497 = tpu.memref_squeeze %dma_start3A_496 : memref<1x4096x128xf32, #tpu.memory_space<hbm>> -> memref<4096x128xf32, #tpu.memory_space<hbm>>
        tpu.enqueue_dma source(%arg16 : memref<4096x128xf32, #tpu.memory_space<vmem>>) target(%dma_start3A_497 : memref<4096x128xf32, #tpu.memory_space<hbm>>) target_semaphore(%arg48 : memref<!tpu.dma_semaphore, #tpu.memory_space<semaphore_mem>>)
      } else {
      }
      %ge3A_380 = arith.constant 8 : i32
      %ge3A_381 = arith.cmpi sge, %add3A_374, %ge3A_380 : i32
      %convert_element_type3A_382 = arith.extui %ge3A_381 : i1 to i32
      %cond3A_383 = arith.constant 0 : i32
      %cond3A_384 = arith.cmpi ne, %convert_element_type3A_382, %cond3A_383 : i32
      scf.if %cond3A_384 {
        %sub3A = arith.constant 8 : i32
        %sub3A_413 = arith.subi %add3A_374, %sub3A : i32
        %jit3A = arith.constant 4 : i32
        %div3A = arith.divsi %sub3A_413, %jit3A : i32
        %sign3A = arith.constant 0 : i32
        %sign3A_414 = arith.cmpi sgt, %sub3A_413, %sign3A : i32
        %sign3A_415 = arith.extui %sign3A_414 : i1 to i32
        %sign3A_416 = arith.constant 0 : i32
        %sign3A_417 = arith.cmpi slt, %sub3A_413, %sign3A_416 : i32
        %sign3A_418 = arith.extui %sign3A_417 : i1 to i32
        %sign3A_419 = arith.subi %sign3A_415, %sign3A_418 : i32
        %sign3A_420 = arith.constant 0 : i32
        %sign3A_421 = arith.cmpi sgt, %jit3A, %sign3A_420 : i32
        %sign3A_422 = arith.extui %sign3A_421 : i1 to i32
        %sign3A_423 = arith.constant 0 : i32
        %sign3A_424 = arith.cmpi slt, %jit3A, %sign3A_423 : i32
        %sign3A_425 = arith.extui %sign3A_424 : i1 to i32
        %sign3A_426 = arith.subi %sign3A_422, %sign3A_425 : i32
        %ne3A = arith.cmpi ne, %sign3A_419, %sign3A_426 : i32
        %rem3A = arith.remsi %sub3A_413, %jit3A : i32
        %ne3A_427 = arith.constant 0 : i32
        %ne3A_428 = arith.cmpi ne, %rem3A, %ne3A_427 : i32
        %and3A = arith.andi %ne3A, %ne3A_428 : i1
        %sub3A_429 = arith.constant 1 : i32
        %sub3A_430 = arith.subi %div3A, %sub3A_429 : i32
        %select_n3A = arith.select %and3A, %sub3A_430, %div3A : i32
        %add3A_431 = arith.constant 4 : i32
        %add3A_432 = arith.addi %add3A_431, %select_n3A : i32
        %jit3A_433 = arith.constant 4 : i32
        %eq3A = arith.constant 0 : i32
        %eq3A_434 = arith.cmpi eq, %jit3A_433, %eq3A : i32
        %jit3A_435 = arith.constant 1 : i32
        %select_n3A_436 = arith.select %eq3A_434, %jit3A_435, %jit3A_433 : i32
        %rem3A_437 = arith.remsi %sub3A_413, %select_n3A_436 : i32
        %ne3A_438 = arith.constant 0 : i32
        %ne3A_439 = arith.cmpi ne, %rem3A_437, %ne3A_438 : i32
        %lt3A_440 = arith.constant 0 : i32
        %lt3A_441 = arith.cmpi slt, %rem3A_437, %lt3A_440 : i32
        %lt3A_442 = arith.constant 0 : i32
        %lt3A_443 = arith.cmpi slt, %select_n3A_436, %lt3A_442 : i32
        %ne3A_444 = arith.xori %lt3A_441, %lt3A_443 : i1
        %and3A_445 = arith.andi %ne3A_444, %ne3A_439 : i1
        %add3A_446 = arith.addi %rem3A_437, %select_n3A_436 : i32
        %select_n3A_447 = arith.select %and3A_445, %add3A_446, %rem3A_437 : i32
        %mul3A_448 = arith.constant 4096 : i32
        %mul3A_449 = arith.muli %select_n3A_447, %mul3A_448 : i32
        %dma_wait3A_450 = arith.constant 0 : i32
        %dma_wait3A_451 = tpu.memref_slice %arg1[%add3A_432, %mul3A_449, %dma_wait3A_450] : memref<32x16384x128xf32, #tpu.memory_space<hbm>> -> memref<1x4096x128xf32, #tpu.memory_space<hbm>>
        %dma_wait3A_452 = tpu.memref_squeeze %dma_wait3A_451 : memref<1x4096x128xf32, #tpu.memory_space<hbm>> -> memref<4096x128xf32, #tpu.memory_space<hbm>>
        tpu.wait_dma2 semaphore(%arg40 : memref<!tpu.dma_semaphore, #tpu.memory_space<semaphore_mem>>) src(%arg8 : memref<4096x128xf32, #tpu.memory_space<vmem>>) dst(%dma_wait3A_452 : memref<4096x128xf32, #tpu.memory_space<hbm>>)
      } else {
      }
      %add3A_385 = arith.constant 8 : i32
      %add3A_386 = arith.addi %add3A_374, %add3A_385 : i32
      %lt3A_387 = arith.constant 112 : i32
      %lt3A_388 = arith.cmpi slt, %add3A_386, %lt3A_387 : i32
      %convert_element_type3A_389 = arith.extui %lt3A_388 : i1 to i32
      %cond3A_390 = arith.constant 0 : i32
      %cond3A_391 = arith.cmpi ne, %convert_element_type3A_389, %cond3A_390 : i32
      scf.if %cond3A_391 {
        %add3A_413 = arith.constant 8 : i32
        %add3A_414 = arith.addi %add3A_374, %add3A_413 : i32
        %jit3A = arith.constant 4 : i32
        %div3A = arith.divsi %add3A_414, %jit3A : i32
        %sign3A = arith.constant 0 : i32
        %sign3A_415 = arith.cmpi sgt, %add3A_414, %sign3A : i32
        %sign3A_416 = arith.extui %sign3A_415 : i1 to i32
        %sign3A_417 = arith.constant 0 : i32
        %sign3A_418 = arith.cmpi slt, %add3A_414, %sign3A_417 : i32
        %sign3A_419 = arith.extui %sign3A_418 : i1 to i32
        %sign3A_420 = arith.subi %sign3A_416, %sign3A_419 : i32
        %sign3A_421 = arith.constant 0 : i32
        %sign3A_422 = arith.cmpi sgt, %jit3A, %sign3A_421 : i32
        %sign3A_423 = arith.extui %sign3A_422 : i1 to i32
        %sign3A_424 = arith.constant 0 : i32
        %sign3A_425 = arith.cmpi slt, %jit3A, %sign3A_424 : i32
        %sign3A_426 = arith.extui %sign3A_425 : i1 to i32
        %sign3A_427 = arith.subi %sign3A_423, %sign3A_426 : i32
        %ne3A = arith.cmpi ne, %sign3A_420, %sign3A_427 : i32
        %rem3A = arith.remsi %add3A_414, %jit3A : i32
        %ne3A_428 = arith.constant 0 : i32
        %ne3A_429 = arith.cmpi ne, %rem3A, %ne3A_428 : i32
        %and3A = arith.andi %ne3A, %ne3A_429 : i1
        %sub3A = arith.constant 1 : i32
        %sub3A_430 = arith.subi %div3A, %sub3A : i32
        %select_n3A = arith.select %and3A, %sub3A_430, %div3A : i32
        %add3A_431 = arith.constant 4 : i32
        %add3A_432 = arith.addi %add3A_431, %select_n3A : i32
        %jit3A_433 = arith.constant 4 : i32
        %eq3A = arith.constant 0 : i32
        %eq3A_434 = arith.cmpi eq, %jit3A_433, %eq3A : i32
        %jit3A_435 = arith.constant 1 : i32
        %select_n3A_436 = arith.select %eq3A_434, %jit3A_435, %jit3A_433 : i32
        %rem3A_437 = arith.remsi %add3A_414, %select_n3A_436 : i32
        %ne3A_438 = arith.constant 0 : i32
        %ne3A_439 = arith.cmpi ne, %rem3A_437, %ne3A_438 : i32
        %lt3A_440 = arith.constant 0 : i32
        %lt3A_441 = arith.cmpi slt, %rem3A_437, %lt3A_440 : i32
        %lt3A_442 = arith.constant 0 : i32
        %lt3A_443 = arith.cmpi slt, %select_n3A_436, %lt3A_442 : i32
        %ne3A_444 = arith.xori %lt3A_441, %lt3A_443 : i1
        %and3A_445 = arith.andi %ne3A_444, %ne3A_439 : i1
        %add3A_446 = arith.addi %rem3A_437, %select_n3A_436 : i32
        %select_n3A_447 = arith.select %and3A_445, %add3A_446, %rem3A_437 : i32
        %mul3A_448 = arith.constant 4096 : i32
        %mul3A_449 = arith.muli %select_n3A_447, %mul3A_448 : i32
        %dma_start3A_450 = arith.constant 0 : i32
        %dma_start3A_451 = tpu.memref_slice %arg0[%add3A_432, %mul3A_449, %dma_start3A_450] : memref<32x16384x128xf32, #tpu.memory_space<hbm>> -> memref<1x4096x128xf32, #tpu.memory_space<hbm>>
        %dma_start3A_452 = tpu.memref_squeeze %dma_start3A_451 : memref<1x4096x128xf32, #tpu.memory_space<hbm>> -> memref<4096x128xf32, #tpu.memory_space<hbm>>
        tpu.enqueue_dma source(%dma_start3A_452 : memref<4096x128xf32, #tpu.memory_space<hbm>>) target(%arg8 : memref<4096x128xf32, #tpu.memory_space<vmem>>) target_semaphore(%arg24 : memref<!tpu.dma_semaphore, #tpu.memory_space<semaphore_mem>>)
      } else {
      }
      %mul3A_392 = arith.constant 16 : i32
      %mul3A_393 = arith.muli %scan3A_82, %mul3A_392 : i32
      %add3A_394 = arith.constant 15 : i32
      %add3A_395 = arith.addi %mul3A_393, %add3A_394 : i32
      %lt3A_396 = arith.constant 112 : i32
      %lt3A_397 = arith.cmpi slt, %add3A_395, %lt3A_396 : i32
      %convert_element_type3A_398 = arith.extui %lt3A_397 : i1 to i32
      %cond3A_399 = arith.constant 0 : i32
      %cond3A_400 = arith.cmpi ne, %convert_element_type3A_398, %cond3A_399 : i32
      scf.if %cond3A_400 {
        %jit3A = arith.constant 4 : i32
        %div3A = arith.divsi %add3A_395, %jit3A : i32
        %sign3A = arith.constant 0 : i32
        %sign3A_413 = arith.cmpi sgt, %add3A_395, %sign3A : i32
        %sign3A_414 = arith.extui %sign3A_413 : i1 to i32
        %sign3A_415 = arith.constant 0 : i32
        %sign3A_416 = arith.cmpi slt, %add3A_395, %sign3A_415 : i32
        %sign3A_417 = arith.extui %sign3A_416 : i1 to i32
        %sign3A_418 = arith.subi %sign3A_414, %sign3A_417 : i32
        %sign3A_419 = arith.constant 0 : i32
        %sign3A_420 = arith.cmpi sgt, %jit3A, %sign3A_419 : i32
        %sign3A_421 = arith.extui %sign3A_420 : i1 to i32
        %sign3A_422 = arith.constant 0 : i32
        %sign3A_423 = arith.cmpi slt, %jit3A, %sign3A_422 : i32
        %sign3A_424 = arith.extui %sign3A_423 : i1 to i32
        %sign3A_425 = arith.subi %sign3A_421, %sign3A_424 : i32
        %ne3A = arith.cmpi ne, %sign3A_418, %sign3A_425 : i32
        %rem3A = arith.remsi %add3A_395, %jit3A : i32
        %ne3A_426 = arith.constant 0 : i32
        %ne3A_427 = arith.cmpi ne, %rem3A, %ne3A_426 : i32
        %and3A = arith.andi %ne3A, %ne3A_427 : i1
        %sub3A = arith.constant 1 : i32
        %sub3A_428 = arith.subi %div3A, %sub3A : i32
        %select_n3A = arith.select %and3A, %sub3A_428, %div3A : i32
        %add3A_429 = arith.constant 4 : i32
        %add3A_430 = arith.addi %add3A_429, %select_n3A : i32
        %jit3A_431 = arith.constant 4 : i32
        %eq3A = arith.constant 0 : i32
        %eq3A_432 = arith.cmpi eq, %jit3A_431, %eq3A : i32
        %jit3A_433 = arith.constant 1 : i32
        %select_n3A_434 = arith.select %eq3A_432, %jit3A_433, %jit3A_431 : i32
        %rem3A_435 = arith.remsi %add3A_395, %select_n3A_434 : i32
        %ne3A_436 = arith.constant 0 : i32
        %ne3A_437 = arith.cmpi ne, %rem3A_435, %ne3A_436 : i32
        %lt3A_438 = arith.constant 0 : i32
        %lt3A_439 = arith.cmpi slt, %rem3A_435, %lt3A_438 : i32
        %lt3A_440 = arith.constant 0 : i32
        %lt3A_441 = arith.cmpi slt, %select_n3A_434, %lt3A_440 : i32
        %ne3A_442 = arith.xori %lt3A_439, %lt3A_441 : i1
        %and3A_443 = arith.andi %ne3A_442, %ne3A_437 : i1
        %add3A_444 = arith.addi %rem3A_435, %select_n3A_434 : i32
        %select_n3A_445 = arith.select %and3A_443, %add3A_444, %rem3A_435 : i32
        %mul3A_446 = arith.constant 4096 : i32
        %mul3A_447 = arith.muli %select_n3A_445, %mul3A_446 : i32
        %dma_wait3A_448 = arith.constant 0 : i32
        %dma_wait3A_449 = tpu.memref_slice %arg0[%add3A_430, %mul3A_447, %dma_wait3A_448] : memref<32x16384x128xf32, #tpu.memory_space<hbm>> -> memref<1x4096x128xf32, #tpu.memory_space<hbm>>
        %dma_wait3A_450 = tpu.memref_squeeze %dma_wait3A_449 : memref<1x4096x128xf32, #tpu.memory_space<hbm>> -> memref<4096x128xf32, #tpu.memory_space<hbm>>
        tpu.wait_dma2 semaphore(%arg33 : memref<!tpu.dma_semaphore, #tpu.memory_space<semaphore_mem>>) src(%dma_wait3A_450 : memref<4096x128xf32, #tpu.memory_space<hbm>>) dst(%arg17 : memref<4096x128xf32, #tpu.memory_space<vmem>>)
        %jit3A_451 = arith.constant 4 : i32
        %div3A_452 = arith.divsi %add3A_395, %jit3A_451 : i32
        %sign3A_453 = arith.constant 0 : i32
        %sign3A_454 = arith.cmpi sgt, %add3A_395, %sign3A_453 : i32
        %sign3A_455 = arith.extui %sign3A_454 : i1 to i32
        %sign3A_456 = arith.constant 0 : i32
        %sign3A_457 = arith.cmpi slt, %add3A_395, %sign3A_456 : i32
        %sign3A_458 = arith.extui %sign3A_457 : i1 to i32
        %sign3A_459 = arith.subi %sign3A_455, %sign3A_458 : i32
        %sign3A_460 = arith.constant 0 : i32
        %sign3A_461 = arith.cmpi sgt, %jit3A_451, %sign3A_460 : i32
        %sign3A_462 = arith.extui %sign3A_461 : i1 to i32
        %sign3A_463 = arith.constant 0 : i32
        %sign3A_464 = arith.cmpi slt, %jit3A_451, %sign3A_463 : i32
        %sign3A_465 = arith.extui %sign3A_464 : i1 to i32
        %sign3A_466 = arith.subi %sign3A_462, %sign3A_465 : i32
        %ne3A_467 = arith.cmpi ne, %sign3A_459, %sign3A_466 : i32
        %rem3A_468 = arith.remsi %add3A_395, %jit3A_451 : i32
        %ne3A_469 = arith.constant 0 : i32
        %ne3A_470 = arith.cmpi ne, %rem3A_468, %ne3A_469 : i32
        %and3A_471 = arith.andi %ne3A_467, %ne3A_470 : i1
        %sub3A_472 = arith.constant 1 : i32
        %sub3A_473 = arith.subi %div3A_452, %sub3A_472 : i32
        %select_n3A_474 = arith.select %and3A_471, %sub3A_473, %div3A_452 : i32
        %add3A_475 = arith.constant 4 : i32
        %add3A_476 = arith.addi %add3A_475, %select_n3A_474 : i32
        %jit3A_477 = arith.constant 4 : i32
        %eq3A_478 = arith.constant 0 : i32
        %eq3A_479 = arith.cmpi eq, %jit3A_477, %eq3A_478 : i32
        %jit3A_480 = arith.constant 1 : i32
        %select_n3A_481 = arith.select %eq3A_479, %jit3A_480, %jit3A_477 : i32
        %rem3A_482 = arith.remsi %add3A_395, %select_n3A_481 : i32
        %ne3A_483 = arith.constant 0 : i32
        %ne3A_484 = arith.cmpi ne, %rem3A_482, %ne3A_483 : i32
        %lt3A_485 = arith.constant 0 : i32
        %lt3A_486 = arith.cmpi slt, %rem3A_482, %lt3A_485 : i32
        %lt3A_487 = arith.constant 0 : i32
        %lt3A_488 = arith.cmpi slt, %select_n3A_481, %lt3A_487 : i32
        %ne3A_489 = arith.xori %lt3A_486, %lt3A_488 : i1
        %and3A_490 = arith.andi %ne3A_489, %ne3A_484 : i1
        %add3A_491 = arith.addi %rem3A_482, %select_n3A_481 : i32
        %select_n3A_492 = arith.select %and3A_490, %add3A_491, %rem3A_482 : i32
        %mul3A_493 = arith.constant 4096 : i32
        %mul3A_494 = arith.muli %select_n3A_492, %mul3A_493 : i32
        %dma_start3A_495 = arith.constant 0 : i32
        %dma_start3A_496 = tpu.memref_slice %arg1[%add3A_476, %mul3A_494, %dma_start3A_495] : memref<32x16384x128xf32, #tpu.memory_space<hbm>> -> memref<1x4096x128xf32, #tpu.memory_space<hbm>>
        %dma_start3A_497 = tpu.memref_squeeze %dma_start3A_496 : memref<1x4096x128xf32, #tpu.memory_space<hbm>> -> memref<4096x128xf32, #tpu.memory_space<hbm>>
        tpu.enqueue_dma source(%arg17 : memref<4096x128xf32, #tpu.memory_space<vmem>>) target(%dma_start3A_497 : memref<4096x128xf32, #tpu.memory_space<hbm>>) target_semaphore(%arg49 : memref<!tpu.dma_semaphore, #tpu.memory_space<semaphore_mem>>)
      } else {
      }
      %ge3A_401 = arith.constant 8 : i32
      %ge3A_402 = arith.cmpi sge, %add3A_395, %ge3A_401 : i32
      %convert_element_type3A_403 = arith.extui %ge3A_402 : i1 to i32
      %cond3A_404 = arith.constant 0 : i32
      %cond3A_405 = arith.cmpi ne, %convert_element_type3A_403, %cond3A_404 : i32
      scf.if %cond3A_405 {
        %sub3A = arith.constant 8 : i32
        %sub3A_413 = arith.subi %add3A_395, %sub3A : i32
        %jit3A = arith.constant 4 : i32
        %div3A = arith.divsi %sub3A_413, %jit3A : i32
        %sign3A = arith.constant 0 : i32
        %sign3A_414 = arith.cmpi sgt, %sub3A_413, %sign3A : i32
        %sign3A_415 = arith.extui %sign3A_414 : i1 to i32
        %sign3A_416 = arith.constant 0 : i32
        %sign3A_417 = arith.cmpi slt, %sub3A_413, %sign3A_416 : i32
        %sign3A_418 = arith.extui %sign3A_417 : i1 to i32
        %sign3A_419 = arith.subi %sign3A_415, %sign3A_418 : i32
        %sign3A_420 = arith.constant 0 : i32
        %sign3A_421 = arith.cmpi sgt, %jit3A, %sign3A_420 : i32
        %sign3A_422 = arith.extui %sign3A_421 : i1 to i32
        %sign3A_423 = arith.constant 0 : i32
        %sign3A_424 = arith.cmpi slt, %jit3A, %sign3A_423 : i32
        %sign3A_425 = arith.extui %sign3A_424 : i1 to i32
        %sign3A_426 = arith.subi %sign3A_422, %sign3A_425 : i32
        %ne3A = arith.cmpi ne, %sign3A_419, %sign3A_426 : i32
        %rem3A = arith.remsi %sub3A_413, %jit3A : i32
        %ne3A_427 = arith.constant 0 : i32
        %ne3A_428 = arith.cmpi ne, %rem3A, %ne3A_427 : i32
        %and3A = arith.andi %ne3A, %ne3A_428 : i1
        %sub3A_429 = arith.constant 1 : i32
        %sub3A_430 = arith.subi %div3A, %sub3A_429 : i32
        %select_n3A = arith.select %and3A, %sub3A_430, %div3A : i32
        %add3A_431 = arith.constant 4 : i32
        %add3A_432 = arith.addi %add3A_431, %select_n3A : i32
        %jit3A_433 = arith.constant 4 : i32
        %eq3A = arith.constant 0 : i32
        %eq3A_434 = arith.cmpi eq, %jit3A_433, %eq3A : i32
        %jit3A_435 = arith.constant 1 : i32
        %select_n3A_436 = arith.select %eq3A_434, %jit3A_435, %jit3A_433 : i32
        %rem3A_437 = arith.remsi %sub3A_413, %select_n3A_436 : i32
        %ne3A_438 = arith.constant 0 : i32
        %ne3A_439 = arith.cmpi ne, %rem3A_437, %ne3A_438 : i32
        %lt3A_440 = arith.constant 0 : i32
        %lt3A_441 = arith.cmpi slt, %rem3A_437, %lt3A_440 : i32
        %lt3A_442 = arith.constant 0 : i32
        %lt3A_443 = arith.cmpi slt, %select_n3A_436, %lt3A_442 : i32
        %ne3A_444 = arith.xori %lt3A_441, %lt3A_443 : i1
        %and3A_445 = arith.andi %ne3A_444, %ne3A_439 : i1
        %add3A_446 = arith.addi %rem3A_437, %select_n3A_436 : i32
        %select_n3A_447 = arith.select %and3A_445, %add3A_446, %rem3A_437 : i32
        %mul3A_448 = arith.constant 4096 : i32
        %mul3A_449 = arith.muli %select_n3A_447, %mul3A_448 : i32
        %dma_wait3A_450 = arith.constant 0 : i32
        %dma_wait3A_451 = tpu.memref_slice %arg1[%add3A_432, %mul3A_449, %dma_wait3A_450] : memref<32x16384x128xf32, #tpu.memory_space<hbm>> -> memref<1x4096x128xf32, #tpu.memory_space<hbm>>
        %dma_wait3A_452 = tpu.memref_squeeze %dma_wait3A_451 : memref<1x4096x128xf32, #tpu.memory_space<hbm>> -> memref<4096x128xf32, #tpu.memory_space<hbm>>
        tpu.wait_dma2 semaphore(%arg41 : memref<!tpu.dma_semaphore, #tpu.memory_space<semaphore_mem>>) src(%arg9 : memref<4096x128xf32, #tpu.memory_space<vmem>>) dst(%dma_wait3A_452 : memref<4096x128xf32, #tpu.memory_space<hbm>>)
      } else {
      }
      %add3A_406 = arith.constant 8 : i32
      %add3A_407 = arith.addi %add3A_395, %add3A_406 : i32
      %lt3A_408 = arith.constant 112 : i32
      %lt3A_409 = arith.cmpi slt, %add3A_407, %lt3A_408 : i32
      %convert_element_type3A_410 = arith.extui %lt3A_409 : i1 to i32
      %cond3A_411 = arith.constant 0 : i32
      %cond3A_412 = arith.cmpi ne, %convert_element_type3A_410, %cond3A_411 : i32
      scf.if %cond3A_412 {
        %add3A_413 = arith.constant 8 : i32
        %add3A_414 = arith.addi %add3A_395, %add3A_413 : i32
        %jit3A = arith.constant 4 : i32
        %div3A = arith.divsi %add3A_414, %jit3A : i32
        %sign3A = arith.constant 0 : i32
        %sign3A_415 = arith.cmpi sgt, %add3A_414, %sign3A : i32
        %sign3A_416 = arith.extui %sign3A_415 : i1 to i32
        %sign3A_417 = arith.constant 0 : i32
        %sign3A_418 = arith.cmpi slt, %add3A_414, %sign3A_417 : i32
        %sign3A_419 = arith.extui %sign3A_418 : i1 to i32
        %sign3A_420 = arith.subi %sign3A_416, %sign3A_419 : i32
        %sign3A_421 = arith.constant 0 : i32
        %sign3A_422 = arith.cmpi sgt, %jit3A, %sign3A_421 : i32
        %sign3A_423 = arith.extui %sign3A_422 : i1 to i32
        %sign3A_424 = arith.constant 0 : i32
        %sign3A_425 = arith.cmpi slt, %jit3A, %sign3A_424 : i32
        %sign3A_426 = arith.extui %sign3A_425 : i1 to i32
        %sign3A_427 = arith.subi %sign3A_423, %sign3A_426 : i32
        %ne3A = arith.cmpi ne, %sign3A_420, %sign3A_427 : i32
        %rem3A = arith.remsi %add3A_414, %jit3A : i32
        %ne3A_428 = arith.constant 0 : i32
        %ne3A_429 = arith.cmpi ne, %rem3A, %ne3A_428 : i32
        %and3A = arith.andi %ne3A, %ne3A_429 : i1
        %sub3A = arith.constant 1 : i32
        %sub3A_430 = arith.subi %div3A, %sub3A : i32
        %select_n3A = arith.select %and3A, %sub3A_430, %div3A : i32
        %add3A_431 = arith.constant 4 : i32
        %add3A_432 = arith.addi %add3A_431, %select_n3A : i32
        %jit3A_433 = arith.constant 4 : i32
        %eq3A = arith.constant 0 : i32
        %eq3A_434 = arith.cmpi eq, %jit3A_433, %eq3A : i32
        %jit3A_435 = arith.constant 1 : i32
        %select_n3A_436 = arith.select %eq3A_434, %jit3A_435, %jit3A_433 : i32
        %rem3A_437 = arith.remsi %add3A_414, %select_n3A_436 : i32
        %ne3A_438 = arith.constant 0 : i32
        %ne3A_439 = arith.cmpi ne, %rem3A_437, %ne3A_438 : i32
        %lt3A_440 = arith.constant 0 : i32
        %lt3A_441 = arith.cmpi slt, %rem3A_437, %lt3A_440 : i32
        %lt3A_442 = arith.constant 0 : i32
        %lt3A_443 = arith.cmpi slt, %select_n3A_436, %lt3A_442 : i32
        %ne3A_444 = arith.xori %lt3A_441, %lt3A_443 : i1
        %and3A_445 = arith.andi %ne3A_444, %ne3A_439 : i1
        %add3A_446 = arith.addi %rem3A_437, %select_n3A_436 : i32
        %select_n3A_447 = arith.select %and3A_445, %add3A_446, %rem3A_437 : i32
        %mul3A_448 = arith.constant 4096 : i32
        %mul3A_449 = arith.muli %select_n3A_447, %mul3A_448 : i32
        %dma_start3A_450 = arith.constant 0 : i32
        %dma_start3A_451 = tpu.memref_slice %arg0[%add3A_432, %mul3A_449, %dma_start3A_450] : memref<32x16384x128xf32, #tpu.memory_space<hbm>> -> memref<1x4096x128xf32, #tpu.memory_space<hbm>>
        %dma_start3A_452 = tpu.memref_squeeze %dma_start3A_451 : memref<1x4096x128xf32, #tpu.memory_space<hbm>> -> memref<4096x128xf32, #tpu.memory_space<hbm>>
        tpu.enqueue_dma source(%dma_start3A_452 : memref<4096x128xf32, #tpu.memory_space<hbm>>) target(%arg9 : memref<4096x128xf32, #tpu.memory_space<vmem>>) target_semaphore(%arg25 : memref<!tpu.dma_semaphore, #tpu.memory_space<semaphore_mem>>)
      } else {
      }
    }
    %scan3A_42 = arith.constant 7 : i32
    %dma_wait3A = arith.constant 30 : i32
    %dma_wait3A_43 = arith.constant 0 : i32
    %dma_wait3A_44 = arith.constant 0 : i32
    %dma_wait3A_45 = tpu.memref_slice %arg1[%dma_wait3A, %dma_wait3A_43, %dma_wait3A_44] : memref<32x16384x128xf32, #tpu.memory_space<hbm>> -> memref<1x4096x128xf32, #tpu.memory_space<hbm>>
    %dma_wait3A_46 = tpu.memref_squeeze %dma_wait3A_45 : memref<1x4096x128xf32, #tpu.memory_space<hbm>> -> memref<4096x128xf32, #tpu.memory_space<hbm>>
    tpu.wait_dma2 semaphore(%arg42 : memref<!tpu.dma_semaphore, #tpu.memory_space<semaphore_mem>>) src(%arg10 : memref<4096x128xf32, #tpu.memory_space<vmem>>) dst(%dma_wait3A_46 : memref<4096x128xf32, #tpu.memory_space<hbm>>)
    %dma_wait3A_47 = arith.constant 30 : i32
    %dma_wait3A_48 = arith.constant 4096 : i32
    %dma_wait3A_49 = arith.constant 0 : i32
    %dma_wait3A_50 = tpu.memref_slice %arg1[%dma_wait3A_47, %dma_wait3A_48, %dma_wait3A_49] : memref<32x16384x128xf32, #tpu.memory_space<hbm>> -> memref<1x4096x128xf32, #tpu.memory_space<hbm>>
    %dma_wait3A_51 = tpu.memref_squeeze %dma_wait3A_50 : memref<1x4096x128xf32, #tpu.memory_space<hbm>> -> memref<4096x128xf32, #tpu.memory_space<hbm>>
    tpu.wait_dma2 semaphore(%arg43 : memref<!tpu.dma_semaphore, #tpu.memory_space<semaphore_mem>>) src(%arg11 : memref<4096x128xf32, #tpu.memory_space<vmem>>) dst(%dma_wait3A_51 : memref<4096x128xf32, #tpu.memory_space<hbm>>)
    %dma_wait3A_52 = arith.constant 30 : i32
    %dma_wait3A_53 = arith.constant 8192 : i32
    %dma_wait3A_54 = arith.constant 0 : i32
    %dma_wait3A_55 = tpu.memref_slice %arg1[%dma_wait3A_52, %dma_wait3A_53, %dma_wait3A_54] : memref<32x16384x128xf32, #tpu.memory_space<hbm>> -> memref<1x4096x128xf32, #tpu.memory_space<hbm>>
    %dma_wait3A_56 = tpu.memref_squeeze %dma_wait3A_55 : memref<1x4096x128xf32, #tpu.memory_space<hbm>> -> memref<4096x128xf32, #tpu.memory_space<hbm>>
    tpu.wait_dma2 semaphore(%arg44 : memref<!tpu.dma_semaphore, #tpu.memory_space<semaphore_mem>>) src(%arg12 : memref<4096x128xf32, #tpu.memory_space<vmem>>) dst(%dma_wait3A_56 : memref<4096x128xf32, #tpu.memory_space<hbm>>)
    %dma_wait3A_57 = arith.constant 30 : i32
    %dma_wait3A_58 = arith.constant 12288 : i32
    %dma_wait3A_59 = arith.constant 0 : i32
    %dma_wait3A_60 = tpu.memref_slice %arg1[%dma_wait3A_57, %dma_wait3A_58, %dma_wait3A_59] : memref<32x16384x128xf32, #tpu.memory_space<hbm>> -> memref<1x4096x128xf32, #tpu.memory_space<hbm>>
    %dma_wait3A_61 = tpu.memref_squeeze %dma_wait3A_60 : memref<1x4096x128xf32, #tpu.memory_space<hbm>> -> memref<4096x128xf32, #tpu.memory_space<hbm>>
    tpu.wait_dma2 semaphore(%arg45 : memref<!tpu.dma_semaphore, #tpu.memory_space<semaphore_mem>>) src(%arg13 : memref<4096x128xf32, #tpu.memory_space<vmem>>) dst(%dma_wait3A_61 : memref<4096x128xf32, #tpu.memory_space<hbm>>)
    %dma_wait3A_62 = arith.constant 31 : i32
    %dma_wait3A_63 = arith.constant 0 : i32
    %dma_wait3A_64 = arith.constant 0 : i32
    %dma_wait3A_65 = tpu.memref_slice %arg1[%dma_wait3A_62, %dma_wait3A_63, %dma_wait3A_64] : memref<32x16384x128xf32, #tpu.memory_space<hbm>> -> memref<1x4096x128xf32, #tpu.memory_space<hbm>>
    %dma_wait3A_66 = tpu.memref_squeeze %dma_wait3A_65 : memref<1x4096x128xf32, #tpu.memory_space<hbm>> -> memref<4096x128xf32, #tpu.memory_space<hbm>>
    tpu.wait_dma2 semaphore(%arg46 : memref<!tpu.dma_semaphore, #tpu.memory_space<semaphore_mem>>) src(%arg14 : memref<4096x128xf32, #tpu.memory_space<vmem>>) dst(%dma_wait3A_66 : memref<4096x128xf32, #tpu.memory_space<hbm>>)
    %dma_wait3A_67 = arith.constant 31 : i32
    %dma_wait3A_68 = arith.constant 4096 : i32
    %dma_wait3A_69 = arith.constant 0 : i32
    %dma_wait3A_70 = tpu.memref_slice %arg1[%dma_wait3A_67, %dma_wait3A_68, %dma_wait3A_69] : memref<32x16384x128xf32, #tpu.memory_space<hbm>> -> memref<1x4096x128xf32, #tpu.memory_space<hbm>>
    %dma_wait3A_71 = tpu.memref_squeeze %dma_wait3A_70 : memref<1x4096x128xf32, #tpu.memory_space<hbm>> -> memref<4096x128xf32, #tpu.memory_space<hbm>>
    tpu.wait_dma2 semaphore(%arg47 : memref<!tpu.dma_semaphore, #tpu.memory_space<semaphore_mem>>) src(%arg15 : memref<4096x128xf32, #tpu.memory_space<vmem>>) dst(%dma_wait3A_71 : memref<4096x128xf32, #tpu.memory_space<hbm>>)
    %dma_wait3A_72 = arith.constant 31 : i32
    %dma_wait3A_73 = arith.constant 8192 : i32
    %dma_wait3A_74 = arith.constant 0 : i32
    %dma_wait3A_75 = tpu.memref_slice %arg1[%dma_wait3A_72, %dma_wait3A_73, %dma_wait3A_74] : memref<32x16384x128xf32, #tpu.memory_space<hbm>> -> memref<1x4096x128xf32, #tpu.memory_space<hbm>>
    %dma_wait3A_76 = tpu.memref_squeeze %dma_wait3A_75 : memref<1x4096x128xf32, #tpu.memory_space<hbm>> -> memref<4096x128xf32, #tpu.memory_space<hbm>>
    tpu.wait_dma2 semaphore(%arg48 : memref<!tpu.dma_semaphore, #tpu.memory_space<semaphore_mem>>) src(%arg16 : memref<4096x128xf32, #tpu.memory_space<vmem>>) dst(%dma_wait3A_76 : memref<4096x128xf32, #tpu.memory_space<hbm>>)
    %dma_wait3A_77 = arith.constant 31 : i32
    %dma_wait3A_78 = arith.constant 12288 : i32
    %dma_wait3A_79 = arith.constant 0 : i32
    %dma_wait3A_80 = tpu.memref_slice %arg1[%dma_wait3A_77, %dma_wait3A_78, %dma_wait3A_79] : memref<32x16384x128xf32, #tpu.memory_space<hbm>> -> memref<1x4096x128xf32, #tpu.memory_space<hbm>>
    %dma_wait3A_81 = tpu.memref_squeeze %dma_wait3A_80 : memref<1x4096x128xf32, #tpu.memory_space<hbm>> -> memref<4096x128xf32, #tpu.memory_space<hbm>>
    tpu.wait_dma2 semaphore(%arg49 : memref<!tpu.dma_semaphore, #tpu.memory_space<semaphore_mem>>) src(%arg17 : memref<4096x128xf32, #tpu.memory_space<vmem>>) dst(%dma_wait3A_81 : memref<4096x128xf32, #tpu.memory_space<hbm>>)
    return
  }
}

</mosaic_0001>

<sc_bundles>
// kernel: kernel.4.cloned.1.call-start
scs
__scs_entry_jumppad:
0x0: {  	(pc) =	sbr.rel $0x88, $3  }
0x1: {  	(tag) =	ssettag $0x0;
	lr =	simm.s32 $0x1  }
0x2: {  	[smem:$0x3F9F] =	sst lr;
	_ =	strace $0xD0000000  }
0x3: {  	_ = 	snop  }
0x4: {  	_ = 	snop  }
0x5: {  	_ = 	snop  }
0x6: {  	_ = 	snop  }
0x7: {  	_ = 	snop  }
__scs_overlays_trampoline_lowered:
0x8: {  	[smem:$0x3FAE] =	sst s0  }
0x9: {  	[smem:$0x3FAF] =	sst s1  }
0xa: {  	[smem:$0x3FB0] =	sst s2  }
0xb: {  	[smem:$0x3FB1] =	sst s3  }
0xc: {  	[smem:$0x3FB2] =	sst s4  }
0xd: {  	[smem:$0x3FB3] =	sst s5  }
0xe: {  	[smem:$0x3FB4] =	sst s6  }
0xf: {  	[smem:$0x3FB5] =	sst s7  }
0x10: {  	[smem:$0x3FB6] =	sst s8  }
0x11: {  	[smem:$0x3FB7] =	sst s9;
	s0 =	simm.s32 @!p0 $0x0  }
0x12: {  	s1 =	sld [smem:$0x3F9D];
	s0 =	simm.s32 @p0 $0x1  }
0x13: {  	[smem:$0x3FB8] =	sst s0;
	s0 =	simm.s32 @!p1 $0x0  }
0x14: {  	s2 =	sld [smem:$0x3F9C];
	s0 =	simm.s32 @p1 $0x1  }
0x15: {  	[smem:$0x3FB9] =	sst s0;
	s0 =	simm.s32 @!p2 $0x0  }
0x16: {  	s3 =	sld [smem:$0x3FDB];
	s0 =	simm.s32 @p2 $0x1  }
0x17: {  	s4 =	simm.s32 $0x1BF5;
	[smem:$0x3FBB] =	sst s0  }
0x18: {  	s0 =	sld [smem:$0x3F9E];
	_ =	swait.ge [sflag:s4], $0x0  }
0x19: {  	s7 =	sld [smem:$0x3F9F]  }
0x1a: {  	s8 =	sadd.s32 $0xFFFFE003, lr  }
0x1b: {  	s9 =	sadd.s32 $0xFFFFFEF7, lr;
	s5 =	simm.s32 $0xFFFFFFFF;
	p2 =	slt.u32 s8, $0xFFFFF086  }
0x1c: {  	p1 =	slt.u32 s9, $0xF7A;
	s5 =	simm.s32 @!p2 $0x0  }
0x1d: {  	s5 =	simm.s32 @p1 $0x1;
	p0 =	seq.s32 s7, s2  }
0x1e: {  	s7 =	smul.u32 @!p0 $0xF7A, s2;
	p2 =	seq.s32 @!p0 s5, $0x0  }
0x1f: {  	s9 =	smul.u32 $0xF7A, s1;
	s8 =	simm.s32 @!p0 $0x1BF5;
	p2 =	por !p2, p0  }
0x20: {  	[sflag:s8] =	ssyncset.s32 @!p0 $0xFFFFF086;
	s6 =	sadd.s32 @!p0 s3, s7;
	s7 =	simm.s32 @!p0 $0x108  }
0x21: {  	s3 =	sadd.s32 s3, s9;
	s6 =	sadd.s32 @!p0 $0x88, s6;
	s7 =	simm.s32 @p2 $0x1082  }
0x22: {  	[simem:s7], [sflag:s8] =	dma.local @!p0 [hbm:s6], $0xF7A  }
0x23: {  	s9 =	sor.u32 $0xD0000000, s2;
	s6 =	simm.s32 $0x108;
	_ =	swait.ge @!p0 [sflag:s8], $0x0  }
0x24: {  	s3 =	sadd.s32 $0x88, s3;
	s6 =	simm.s32 @!p1 $0x1082;
	[sflag:s4] =	ssyncset.s32 $0xFFFFF086  }
0x25: {  	[simem:s6], [sflag:s4] =	dma.local [hbm:s3], $0xF7A  }
0x26: {  	[smem:$0x3F9F] =	sst s1;
	(tag) =	ssettag s2;
	_ =	strace s9  }
0x27: {  	s1 =	sld [smem:$0x3FAF]  }
0x28: {  	s2 =	sld [smem:$0x3FB0]  }
0x29: {  	s4 =	sld [smem:$0x3FB2]  }
0x2a: {  	p0 =	seq.s32 s5, $0x0;
	s5 =	sld [smem:$0x3FB3]  }
0x2b: {  	s6 =	sld [smem:$0x3FB4]  }
0x2c: {  	s7 =	sld [smem:$0x3FB5]  }
0x2d: {  	s3 =	simm.s32 $0x108;
	s8 =	sld [smem:$0x3FB6]  }
0x2e: {  	s3 =	simm.s32 @!p0 $0x1082;
	s9 =	sld [smem:$0x3FB7]  }
0x2f: {  	lr =	sadd.s32 s0, s3;
	s0 =	sld [smem:$0x3FAE]  }
0x30: {  	s3 =	sld [smem:$0x3FB1]  }
0x31: {  	[smem:$0x3FBA] =	sst s10  }
0x32: {  	s10 =	sld [smem:$0x3FB8];
	_ =	sdelay $0x3  }
0x33: {  	p0 =	seq.s32 s10, $0x1;
	s10 =	sld [smem:$0x3FBA];
	_ =	sdelay $0x3  }
0x34: {  	[smem:$0x3FBA] =	sst s10  }
0x35: {  	s10 =	sld [smem:$0x3FB9];
	_ =	sdelay $0x3  }
0x36: {  	p1 =	seq.s32 s10, $0x1;
	s10 =	sld [smem:$0x3FBA];
	_ =	sdelay $0x3  }
0x37: {  	[smem:$0x3FBA] =	sst s10  }
0x38: {  	s10 =	sld [smem:$0x3FBB]  }
0x39: {  	_ = 	snop;
	(pc) =	sbr.ind lr, $3  }
0x3a: {  	_ = 	snop  }
0x3b: {  	_ = 	snop  }
0x3c: {  	p2 =	seq.s32 s10, $0x1;
	s10 =	sld [smem:$0x3FBA]  }
0x3d: {  	_ =	shalt  }
0x3e: {  	_ =	shalt  }
0x3f: {  	_ =	shalt  }
0x40: {  	_ =	shalt  }
0x41: {  	_ =	shalt  }
0x42: {  	_ =	shalt  }
0x43: {  	_ =	shalt  }
0x44: {  	_ =	shalt  }
0x45: {  	_ =	shalt  }
0x46: {  	_ =	shalt  }
0x47: {  	_ =	shalt  }
0x48: {  	_ =	shalt  }
0x49: {  	_ =	shalt  }
0x4a: {  	_ =	shalt  }
0x4b: {  	_ =	shalt  }
0x4c: {  	_ =	shalt  }
0x4d: {  	_ =	shalt  }
0x4e: {  	_ =	shalt  }
0x4f: {  	_ =	shalt  }
0x50: {  	_ =	shalt  }
0x51: {  	_ =	shalt  }
0x52: {  	_ =	shalt  }
0x53: {  	_ =	shalt  }
0x54: {  	_ =	shalt  }
0x55: {  	_ =	shalt  }
0x56: {  	_ =	shalt  }
0x57: {  	_ =	shalt  }
0x58: {  	_ =	shalt  }
0x59: {  	_ =	shalt  }
0x5a: {  	_ =	shalt  }
0x5b: {  	_ =	shalt  }
0x5c: {  	_ =	shalt  }
0x5d: {  	_ =	shalt  }
0x5e: {  	_ =	shalt  }
0x5f: {  	_ =	shalt  }
0x60: {  	_ =	shalt  }
0x61: {  	_ =	shalt  }
0x62: {  	_ =	shalt  }
0x63: {  	_ =	shalt  }
0x64: {  	_ =	shalt  }
0x65: {  	_ =	shalt  }
0x66: {  	_ =	shalt  }
0x67: {  	_ =	shalt  }
0x68: {  	_ =	shalt  }
0x69: {  	_ =	shalt  }
0x6a: {  	_ =	shalt  }
0x6b: {  	_ =	shalt  }
0x6c: {  	_ =	shalt  }
0x6d: {  	_ =	shalt  }
0x6e: {  	_ =	shalt  }
0x6f: {  	_ =	shalt  }
0x70: {  	_ =	shalt  }
0x71: {  	_ =	shalt  }
0x72: {  	_ =	shalt  }
0x73: {  	_ =	shalt  }
0x74: {  	_ =	shalt  }
0x75: {  	_ =	shalt  }
0x76: {  	_ =	shalt  }
0x77: {  	_ =	shalt  }
0x78: {  	_ =	shalt  }
0x79: {  	_ =	shalt  }
0x7a: {  	_ =	shalt  }
0x7b: {  	_ =	shalt  }
0x7c: {  	_ =	shalt  }
0x7d: {  	_ =	shalt  }
0x7e: {  	_ =	shalt  }
0x7f: {  	_ =	shalt  }
0x80: {  	_ =	shalt  }
0x81: {  	_ =	shalt  }
0x82: {  	_ =	shalt  }
0x83: {  	_ =	shalt  }
0x84: {  	_ =	shalt  }
0x85: {  	_ =	shalt  }
0x86: {  	_ =	shalt  }
0x87: {  	_ =	shalt  }
.Lfunc_end0:
.L_simem_size_0:
called_computation_lowered:
.L_overlay_start_0:
0x88: {  	s2 =	sld [smem:$0x3FD9]  }
0x89: {  	s3 =	sld [smem:$0x3FFE];
	_ =	sdelay $0x1  }
0x8a: {  	s1 =	srdreg.scid  }
0x8b: {  	s0 =	sand.u32 $0x1, s1  }
0x8c: {  	s18 =	sshll.u32 s0, $0xA;
	s2 =	sadd.s32 s3, s2  }
0x8d: {  	s2 =	sadd.s32 s2, s18  }
0x8e: {  	[smem:$0x3FC6] =	sst s2  }
0x8f: {  	_ = 	snop  }
0x90: {  	s2 =	sld [smem:$0x3FC9]  }
0x91: {  	s19 =	sld [smem:$0x3FC8]  }
0x92: {  	s4 =	sld [smem:$0x3FD0];
	(tm) =	ssettm $0x1  }
0x93: {  	s5 =	sld [smem:$0x3FFB];
	_ =	sdelay $0x3  }
0x94: {  	_ =	strace s5  }
0x95: {  	s5 =	sld [smem:$0x3FFC];
	_ =	sdelay $0x3  }
0x96: {  	_ =	strace s5  }
0x97: {  	s5 =	sld [smem:$0x3FFD];
	_ =	sdelay $0x3  }
0x98: {  	_ =	strace s5  }
0x99: {  	_ =	strace $0x8FFFFFFF  }
0x9a: {  	s20 =	sld [smem:$0x3FDB];
	_ =	sdelay $0x1  }
0x9b: {  	s6 =	simm.s32 $_scs_section_size  }
0x9c: {  	s7 =	simm.s32 $_size__tile_overlayer_lowered;
	s8 =	simm.s32 $_tile_overlayer_lowered  }
0x9d: {  	s23 =	simm.s32 $0x1BFF;
	s22 =	sshll.u32 s8, $0x1;
	s5 =	sadd.s32 s6, s20  }
0x9e: {  	s9 =	simm.s32 $0x0;
	s21 =	sshll.u32 s7, $0x1;
	s7 =	sadd.s32 s22, s5  }
0x9f: {  	[timem:s9], [sflag:s23] =	dma.local [hbm:s7], s21  }
0xa0: {  	_ =	swait.ge [sflag:s23], s21  }
0xa1: {  	s6 =	ssub.s32 $0x0, s21;
	[sflag:s23] =	ssyncset.done $0x0  }
0xa2: {  	[sflag:s23] =	ssyncadd.s32 s6;
	_ =	sdelay $0x1  }
0xa3: {  	s24 =	simm.s32 $0x1B8B  }
0xa4: {  	_ =	swait.ge [sflag:s24], $0x1  }
0xa5: {  	[sflag:s24] =	ssyncset.done $0x0  }
0xa6: {  	s25 =	simm.s32 $0x1B8E;
	[sflag:s24] =	ssyncadd.s32 $0xFFFFFFFF  }
0xa7: {  	s26 =	simm.s32 $execute0_lowered;
	[smem:$0x3FD2] =	sst s25  }
0xa8: {  	s6 =	sshll.u32 s26, $0x1;
	_ =	strace $0x80000046;
	[dreg:$0x1] =	wrdreg $0xFFFFFFFF  }
0xa9: {  	s28 =	simm.s32 $_size_execute0_lowered;
	s5 =	sadd.s32 s5, s6;
	[dreg:$0x0] =	wrdreg $0x0  }
0xaa: {  	s6 =	sshll.u32 s28, $0x1;
	[dreg:$0x2] =	wrdreg s5  }
0xab: {  	[dreg:$0x3] =	wrdreg s6  }
0xac: {  	[dreg:$0x4] =	wrdreg $0xC0  }
0xad: {  	_ =	task [dreg:s9], $0x5FFFF  }
0xae: {  	[dreg:$0x1] =	wrdreg $0xFFFFFFFF  }
0xaf: {  	[dreg:$0x0] =	wrdreg $0x60  }
0xb0: {  	[dreg:$0x2] =	wrdreg s2  }
0xb1: {  	[dreg:$0x3] =	wrdreg s19  }
0xb2: {  	[dreg:$0x4] =	wrdreg s4  }
0xb3: {  	[dreg:$0x5] =	wrdreg $0x9  }
0xb4: {  	_ =	task.clear_ibuf [dreg:s9], $0x6FFFF;
	_ =	strace $0x90000046  }
0xb5: {  	s29 =	simm.s32 $0x9;
	_ =	strace $0x80000048  }
0xb6: {  	_ =	swait.ge [sflag:s29], $0x1  }
0xb7: {  	[sflag:s29] =	ssyncadd.s32 $0xFFFFFFFF  }
0xb8: {  	_ =	strace $0x90000048  }
0xb9: {  	_ =	sfence  }
0xba: {  	s30 =	sld [smem:$0x0];
	_ =	sdelay $0x2  }
0xbb: {  	s31 =	sshll.u32 s1, $0xD;
	s1 =	sshrl.u32 s1, $0x2  }
0xbc: {  	s3 =	sand.u32 $0x4000, s31;
	s1 =	sadd.s32 s1, s30  }
0xbd: {  	s0 =	sor.u32 s3, s0;
	s1 =	sshll.u32 s1, $0x11  }
0xbe: {  	s0 =	sor.u32 s1, s0  }
0xbf: {  	s0 =	sadd.s32 $0x8F2B, s0  }
0xc0: {  	[sflag:s0] =	ssyncadd.remote.s32 $0x1  }
0xc1: {  	_ =	sfence.sel $0xFFFF  }
0xc2: {  	[dreg:$0x0] =	wrdreg $0xFFFFFFFF;
	(pc) =	sbr.abs _section_cstart, $3  }
0xc3: {  	[dreg:$0x1] =	wrdreg $0xFFFFFFFF  }
0xc4: {  	_ =	task.clear_ibuf [dreg:s9], $0x2FFFF;
	_ =	strace $0x9FFFFFFF  }
0xc5: {  	(tm) =	ssettm $0x7FFFFFFF  }
tec
execute0_lowered:
.L_overlay_start_1:
0x0: {  	(tag) =	ssettag $0x1  }
0x1: {  	s1 =	rddreg [dreg:$0x0]  }
0x2: {  	s13 =	rddreg [dreg:$0x1]  }
0x3: {  	s15 =	rddreg [dreg:$0x2]  }
0x4: {  	s0 =	rddreg [dreg:$0x3]  }
0x5: {  	s4 =	srdreg.scid;
	s2 =	stileid.u32;
	s3 =	simm.s32 $0x0  }
0x6: {  	s14 =	sand.u32 $0x1, s4;
	s23 =	sshll.u32 s2, $0x1;
	[smem:$0x7FF] =	sst s3  }
0x7: {  	s19 =	sshrl.u32 s2, $0x2;
	s17 =	sand.u32 $0x3, s2;
	s5 =	ssub.s32 $0x2, s14  }
0x8: {  	s4 =	sand.u32 $0x6, s23;
	_ =	strace $0x80000047;
	p0 =	seq.s32 s19, $0x0  }
0x9: {  	s24 =	sshll.u32 s19, $0x12;
	s18 =	sshll.u32 s17, $0x13;
	s21 =	sshll.u32 s14, $0x12  }
0xa: {  	s17 =	sshll.u32 s17, $0x10;
	s6 =	sshrl.u32 s5, $0x1;
	s7 =	sor.u32 s14, s4  }
0xb: {  	s10 =	sadd.s32 s1, s24;
	s14 =	sshll.u32 s14, $0xF;
	s8 =	ssub.s32 s5, s6  }
0xc: {  	s4 =	sshll.u32 s7, $0xB;
	s5 =	sshll.u32 s19, $0x15;
	s25 =	sshll.u32 s7, $0x12  }
0xd: {  	s9 =	sshll.u32 s7, $0xF;
	s10 =	smov.u32 @p0 s13;
	s11 =	sor.u32 s5, s25  }
0xe: {  	s6 =	sor.u32 $0x200, s4;
	s12 =	sor.u32 $0x100, s4;
	s7 =	smax.u32 s8, $0x1  }
0xf: {  	s8 =	sadd.s32 s10, s9;
	s18 =	sor.u32 s18, s5;
	s16 =	sshll.u32 s12, $0x7  }
0x10: {  	s26 =	sshrl.u32 s11, $0x3;
	s29 =	sshll.u32 s6, $0x7;
	s12 =	sshll.u32 s12, $0x4  }
0x11: {  	s20 =	sshll.u32 s6, $0x4;
	s18 =	sor.u32 s21, s18;
	s21 =	simm.s32 $0x0  }
0x12: {  	s28 =	sor.u32 s5, s16;
	s9 =	sadd.s32 s15, s26;
	s11 =	sor.u32 s5, s29  }
0x13: {  	s16 =	sadd.s32 s13, s12;
	s20 =	sadd.s32 s13, s20;
	s13 =	sadd.s32 s17, s13  }
0x14: {  	s31 =	sor.u32 $0x10000, s18;
	s18 =	sor.u32 $0x18000, s18;
	s10 =	sshrl.u32 s28, $0x3  }
0x15: {  	s30 =	sshrl.u32 s11, $0x3;
	s11 =	sadd.s32 $0x1000, s9;
	s17 =	sshrl.u32 s31, $0x3  }
.Ltmp0:
0x16: {  	s18 =	sshrl.u32 s18, $0x3;
	s13 =	sadd.s32 s14, s13;
	(pc) =	sbr.rel .LBB2_1-.Ltmp0, $4  }
0x17: {  	s10 =	sadd.s32 s1, s10;
	s12 =	sadd.s32 s1, s30;
	s14 =	sadd.s32 s17, s15  }
0x18: {  	s15 =	sadd.s32 s18, s15;
	s17 =	simm.s32 $0x2;
	s18 =	simm.s32 $0x3  }
0x19: {  	s10 =	smov.u32 @p0 s16;
	s16 =	simm.s32 $0x8000;
	s12 =	smov.u32 @p0 s20  }
0x1a: {  	p0 =	sne.s32 s19, $0x0;
	s19 =	simm.s32 $0x1;
	s20 =	simm.s32 $0x4  }
.LBB2_4:
0x1b: {  	s21 =	sadd.s32 $0x1, s21  }
0x1c: {  	p1 =	sne.s32 s21, s7  }
.Ltmp1:
0x1d: {  	_ = 	snop;
	(pc) =	sbr.rel @!p1 .LBB2_5-.Ltmp1, $4  }
0x1e: {  	_ = 	snop  }
0x1f: {  	_ =	swait.ge [sflag:s20], $0x8000  }
0x20: {  	[sflag:s20] =	ssyncset.done $0x0  }
0x21: {  	[sflag:s20] =	ssyncadd.s32 $0xFFFF8000  }
.LBB2_1:
0x22: {  	[tilespmem:s3], [sflag:$0x1] =	stream.linear.gather [hbm4b:s8+s3], $0x8000, $0x38;
	[tilespmem:$0x10000] =	vst v63  }
0x23: {  	_ =	swait.ge [sflag:s19], $0x8000  }
0x24: {  	[sflag:s19] =	ssyncset.done $0x0  }
0x25: {  	[sflag:s19] =	ssyncadd.s32 $0xFFFF8000  }
0x26: {  	[hbm4b:s9+s3] =	stream.linear.scatter [tilespmem:s3], [sflag:$0x3], $0x8000, $0x38;
	[tilespmem:$0x10000] =	vst v63  }
0x27: {  	_ = 	snop  }
0x28: {  	[tilespmem:s16], [sflag:$0x2] =	stream.linear.gather [hbm4b:s10+s3], $0x8000, $0x38;
	[tilespmem:$0x10000] =	vst v63  }
0x29: {  	_ =	swait.ge [sflag:s17], $0x8000  }
0x2a: {  	[sflag:s17] =	ssyncset.done $0x0  }
0x2b: {  	[sflag:s17] =	ssyncadd.s32 $0xFFFF8000  }
0x2c: {  	[hbm4b:s11+s3] =	stream.linear.scatter [tilespmem:s16], [sflag:$0x4], $0x8000, $0x38;
	[tilespmem:$0x10000] =	vst v63  }
0x2d: {  	_ =	swait.ge [sflag:s18], $0x8000  }
0x2e: {  	[sflag:s18] =	ssyncset.done $0x0  }
0x2f: {  	s22 =	simm.s32 $0x0;
	s23 =	simm.s32 $0x1;
	[sflag:s18] =	ssyncadd.s32 $0xFFFF8000  }
0x30: {  	[tilespmem:s3], [sflag:$0x1] =	stream.linear.gather [hbm4b:s12+s3], $0x8000, $0x38;
	[tilespmem:$0x10000] =	vst v63  }
.LBB2_2:
0x31: {  	_ =	swait.ge [sflag:s19], $0x8000  }
0x32: {  	[sflag:s19] =	ssyncset.done $0x0  }
0x33: {  	s24 =	sadd.s32 s22, s14;
	[sflag:s19] =	ssyncadd.s32 $0xFFFF8000  }
0x34: {  	[hbm4b:s24+s3] =	stream.linear.scatter [tilespmem:s3], [sflag:$0x3], $0x8000, $0x38;
	[tilespmem:$0x10000] =	vst v63  }
0x35: {  	s24 =	sshll.u32 s23, $0x9  }
0x36: {  	s25 =	sadd.s32 s24, s4  }
0x37: {  	s25 =	sadd.s32 $0x100, s25  }
0x38: {  	s25 =	sshll.u32 @p0 s25, $0x7  }
0x39: {  	s25 =	sadd.s32 @p0 s5, s25  }
0x3a: {  	_ =	swait.ge [sflag:s20], $0x8000;
	s26 =	sshrl.u32 @p0 s25, $0x3;
	s25 =	sadd.s32 @!p0 s22, s13  }
0x3b: {  	[sflag:s20] =	ssyncset.done $0x0;
	s26 =	sadd.s32 @p0 s1, s26;
	s28 =	sadd.s32 @!p0 $0x3000, s25  }
0x3c: {  	[sflag:s20] =	ssyncadd.s32 $0xFFFF8000;
	s28 =	smov.u32 @p0 s26  }
0x3d: {  	[tilespmem:s16], [sflag:$0x2] =	stream.linear.gather [hbm4b:s28+s3], $0x8000, $0x38;
	[tilespmem:$0x10000] =	vst v63  }
0x3e: {  	_ =	swait.ge [sflag:s17], $0x8000  }
0x3f: {  	p1 =	seq.s32 s22, $0x4000;
	[sflag:s17] =	ssyncset.done $0x0  }
.Ltmp2:
0x40: {  	s31 =	sadd.s32 s22, s15;
	[sflag:s17] =	ssyncadd.s32 $0xFFFF8000;
	(pc) =	sbr.rel @p1 .LBB2_4-.Ltmp2, $4  }
0x41: {  	[hbm4b:s31+s3] =	stream.linear.scatter [tilespmem:s16], [sflag:$0x4], $0x8000, $0x38;
	[tilespmem:$0x10000] =	vst v63  }
0x42: {  	_ =	swait.ge [sflag:s18], $0x8000  }
0x43: {  	[sflag:s18] =	ssyncset.done $0x0  }
0x44: {  	[sflag:s18] =	ssyncadd.s32 $0xFFFF8000  }
0x45: {  	s24 =	sadd.s32 s24, s6  }
0x46: {  	s24 =	sshll.u32 @p0 s24, $0x7  }
.Ltmp3:
0x47: {  	s24 =	sadd.s32 @p0 s5, s24;
	(pc) =	sbr.rel .LBB2_2-.Ltmp3, $4  }
0x48: {  	s24 =	sshrl.u32 @p0 s24, $0x3  }
0x49: {  	s25 =	sadd.s32 @!p0 $0x4000, s25;
	s24 =	sadd.s32 @p0 s1, s24  }
0x4a: {  	s23 =	sadd.s32 $0x1, s23;
	s22 =	sadd.s32 $0x2000, s22;
	s25 =	smov.u32 @p0 s24  }
0x4b: {  	[tilespmem:s3], [sflag:$0x1] =	stream.linear.gather [hbm4b:s25+s3], $0x8000, $0x38;
	[tilespmem:$0x10000] =	vst v63  }
.LBB2_5:
0x4c: {  	_ =	sfence.sel $0x180000  }
0x4d: {  	[bflag:$0x0] =	sbarrier.arrive $0xFFFF  }
0x4e: {  	p0 =	sne.s32 s2, $0x0;
	_ =	strace $0x90000047  }
0x4f: {  	s0 =	sadd.s32 @!p0 $0x100000, s0;
	[bflag:$0x2] =	sbarrier.arrive $0xFFFF  }
0x50: {  	[sflag:s0] =	ssyncadd.tile.s32 @!p0 $0x1;
	_ =	shalt  }
.Lfunc_end2:
_tile_overlayer_lowered:
.L_overlay_start_2:
0x51: {  	(tag) =	ssettag $0x2  }
0x52: {  	s0 =	rddreg [dreg:$0x0];
	s2 =	stileid.u32  }
0x53: {  	s1 =	rddreg [dreg:$0x1];
	p0 =	sne.s32 s2, $0x0  }
0x54: {  	s3 =	rddreg [dreg:$0x2];
	[bflag:$0x3] =	sbarrier.arrive $0xFFFF;
	s2 =	simm.s32 @!p0 $0x1C05  }
0x55: {  	[timem:s3], [sflag:s2] =	dma.local @!p0 [hbm:s0], s1  }
0x56: {  	s0 =	simm.s32 @!p0 $0x5  }
0x57: {  	_ =	swait.ge @!p0 [sflag:s0], s1  }
0x58: {  	s1 =	ssub.s32 @!p0 $0x0, s1;
	[sflag:s0] =	ssyncset.done @!p0 $0x0  }
0x59: {  	[sflag:s0] =	ssyncadd.s32 @!p0 s1  }
0x5a: {  	[bflag:$0x3] =	sbarrier.arrive $0xFFFF  }
0x5b: {  	_ =	shalt  }

</sc_bundles>
